<compile_context>
chip_gen: v7x
topology: tpu7x:2x2x1
jax: 0.10.2.dev20260603
libtpu: 0.0.44.dev20260713+nightly
codegen_flags: <defaults>
</compile_context>

<pallas_src>
import functools

import jax
import jax.numpy as jnp
from jax import lax
from jax.experimental import pallas as pl
from jax.experimental.pallas import tpu as pltpu
from jax.experimental.pallas import tpu_sc as plsc

N_NODES = 10000
N_EDGES = 160000
F_IN = 128
F_OUT = 16
D_EDGE = 16
BN_EPS = 1e-3

NC = 2
NS = 16
NW = NC * NS
C = 128
NBLK = N_EDGES // C
BASE_BLK = NBLK // NW
EXTRA_W = NBLK - BASE_BLK * NW
MAX_BLK = BASE_BLK + 1
HALF_IT = (MAX_BLK + 1) // 2
ROWS_PER_TILE = N_NODES // NS
D_Z = (D_EDGE + 1) * F_OUT


def _precompute_body(x_ref, wa_ref, rk_ref, za_ref, zb_ref, zc_ref, r_ref):
    x = x_ref[...]
    z = jnp.dot(x, wa_ref[...], preferred_element_type=jnp.float32)
    za_ref[...] = z[:, 0:128]
    zb_ref[...] = z[:, 128:256]
    zc_ref[...] = z[:, 256:D_Z]
    r_ref[...] = jnp.dot(x, rk_ref[...], preferred_element_type=jnp.float32)


def _edge_body(za_hbm, zb_hbm, zc_hbm, ei_hbm, ea_hbm, out_hbm,
               srcall, dstall, zbufa, zbufb, zbufc, eabuf, msgs, ztile, agg_sh,
               gsem0, gsem1, easem0, easem1, ssem0, ssem1):
    cid = lax.axis_index("c")
    sid = lax.axis_index("s")
    wid = sid * NC + cid
    nblk = BASE_BLK + jnp.where(wid < EXTRA_W, 1, 0)
    start = BASE_BLK * wid + jnp.minimum(wid, EXTRA_W)

    gsems = (gsem0, gsem1)
    easems = (easem0, easem1)
    ssems = (ssem0, ssem1)

    pltpu.sync_copy(ei_hbm.at[0, pl.ds(start * C, BASE_BLK * C)],
                    srcall.at[pl.ds(0, BASE_BLK * C)])
    pltpu.sync_copy(ei_hbm.at[1, pl.ds(start * C, BASE_BLK * C)],
                    dstall.at[pl.ds(0, BASE_BLK * C)])

    @pl.when(wid < EXTRA_W)
    def _():
        pltpu.sync_copy(ei_hbm.at[0, pl.ds((start + BASE_BLK) * C, C)],
                        srcall.at[pl.ds(BASE_BLK * C, C)])
        pltpu.sync_copy(ei_hbm.at[1, pl.ds((start + BASE_BLK) * C, C)],
                        dstall.at[pl.ds(BASE_BLK * C, C)])

    zero16 = jnp.zeros((16,), jnp.float32)

    def _zrow(i, carry):
        ztile[i, :] = zero16
        return carry

    lax.fori_loop(0, ROWS_PER_TILE, _zrow, 0)
    pltpu.sync_copy(ztile, agg_sh.at[pl.ds(sid * ROWS_PER_TILE, ROWS_PER_TILE)])
    plsc.subcore_barrier()

    def _fire(i, slot):
        idx = srcall.at[pl.ds(i * C, C)]
        pltpu.async_copy(za_hbm.at[idx], zbufa.at[slot], gsems[slot])
        pltpu.async_copy(zb_hbm.at[idx], zbufb.at[slot], gsems[slot])
        pltpu.async_copy(zc_hbm.at[idx], zbufc.at[slot], gsems[slot])
        pltpu.async_copy(ea_hbm.at[pl.ds((start + i) * C, C)],
                         eabuf.at[slot], easems[slot])

    def _drain(i, slot):
        idx = srcall.at[pl.ds(i * C, C)]
        pltpu.make_async_copy(za_hbm.at[idx], zbufa.at[slot],
                              gsems[slot]).wait()
        pltpu.make_async_copy(zb_hbm.at[idx], zbufb.at[slot],
                              gsems[slot]).wait()
        pltpu.make_async_copy(zc_hbm.at[idx], zbufc.at[slot],
                              gsems[slot]).wait()
        pltpu.make_async_copy(ea_hbm.at[pl.ds((start + i) * C, C)],
                              eabuf.at[slot], easems[slot]).wait()

    def _scat_wait(i, slot):
        pltpu.make_async_copy(msgs.at[slot],
                              agg_sh.at[dstall.at[pl.ds(i * C, C)]],
                              ssems[slot]).wait()

    def _consume(i, slot):
        _drain(i, slot)

        @pl.when(i >= 2)
        def _():
            _scat_wait(i, slot)

        def _edge(e, ecarry):
            ea_row = eabuf[slot, e, :]
            t = [ea_row[d] * zbufa[slot, e, pl.ds(d * F_OUT, F_OUT)]
                 for d in range(8)]
            t += [ea_row[d] * zbufb[slot, e, pl.ds((d - 8) * F_OUT, F_OUT)]
                  for d in range(8, D_EDGE)]
            t.append(zbufc[slot, e, :])
            while len(t) > 1:
                t = [t[i2] + t[i2 + 1] for i2 in range(0, len(t) - 1, 2)] + (
                    [t[-1]] if len(t) % 2 else [])
            msgs[slot, e, :] = t[0]
            return ecarry

        lax.fori_loop(0, C, _edge, 0, unroll=4)
        pltpu.async_copy(msgs.at[slot], agg_sh.at[dstall.at[pl.ds(i * C, C)]],
                         ssems[slot], add=True)

    @pl.when(0 < nblk)
    def _():
        _fire(0, 0)

    def _pipe(j, carry):
        b0 = 2 * j
        b1 = 2 * j + 1

        @pl.when(b1 < nblk)
        def _():
            _fire(b1, 1)

        @pl.when(b0 < nblk)
        def _():
            _consume(b0, 0)

        @pl.when(b0 + 2 < nblk)
        def _():
            _fire(b0 + 2, 0)

        @pl.when(b1 < nblk)
        def _():
            _consume(b1, 1)

        return carry

    lax.fori_loop(0, HALF_IT, _pipe, 0)

    _scat_wait(0, 0)
    _scat_wait(0, 1)

    plsc.subcore_barrier()
    pltpu.sync_copy(
        agg_sh.at[pl.ds(sid * ROWS_PER_TILE, ROWS_PER_TILE)],
        out_hbm.at[cid, pl.ds(sid * ROWS_PER_TILE, ROWS_PER_TILE)],
    )


def _epilogue_body(p_ref, r_ref, cb_ref, gamma_ref, beta_ref, mean_ref,
                   var_ref, wd_ref, bd_ref, out_ref):
    half = NC * N_NODES * F_OUT // (2 * 128)
    agg = p_ref[pl.ds(0, half), :] + p_ref[pl.ds(half, half), :]
    agg = agg + r_ref[...] + cb_ref[...]
    out = jnp.maximum(agg, 0.0)
    scale = gamma_ref[...] * lax.rsqrt(var_ref[...] + BN_EPS)
    out = (out - mean_ref[...]) * scale + beta_ref[...]
    pooled128 = jnp.max(out, axis=0, keepdims=True)
    pooled = pooled128[:, 0:F_OUT]
    for k in range(1, 8):
        pooled = jnp.maximum(pooled, pooled128[:, k * F_OUT:(k + 1) * F_OUT])
    out_ref[...] = (
        jnp.dot(pooled, wd_ref[...], preferred_element_type=jnp.float32)
        + bd_ref[...]
    )


def kernel(x, edge_index, edge_attr, Wk, bk, root_kernel, conv_bias,
           gamma, beta, moving_mean, moving_var, Wd, bd):
    wk_r = jnp.transpose(Wk.reshape(D_EDGE, F_IN, F_OUT), (1, 0, 2))
    wa = jnp.concatenate(
        [wk_r.reshape(F_IN, D_EDGE * F_OUT), bk.reshape(F_IN, F_OUT)], axis=1)

    za, zb, zc, r = pl.pallas_call(
        _precompute_body,
        out_shape=[
            jax.ShapeDtypeStruct((N_NODES, 128), jnp.float32),
            jax.ShapeDtypeStruct((N_NODES, 128), jnp.float32),
            jax.ShapeDtypeStruct((N_NODES, F_OUT), jnp.float32),
            jax.ShapeDtypeStruct((N_NODES, F_OUT), jnp.float32),
        ],
    )(x, wa, root_kernel)

    mesh = plsc.VectorSubcoreMesh(core_axis_name="c", subcore_axis_name="s")
    edge_fn = functools.partial(
        pl.kernel,
        out_type=jax.ShapeDtypeStruct((NC, N_NODES, F_OUT), jnp.float32),
        mesh=mesh,
        compiler_params=pltpu.CompilerParams(use_tc_tiling_on_sc=False),
        scratch_types=[
            pltpu.VMEM((MAX_BLK * C,), jnp.int32),
            pltpu.VMEM((MAX_BLK * C,), jnp.int32),
            pltpu.VMEM((2, C, 128), jnp.float32),
            pltpu.VMEM((2, C, 128), jnp.float32),
            pltpu.VMEM((2, C, F_OUT), jnp.float32),
            pltpu.VMEM((2, C, D_EDGE), jnp.float32),
            pltpu.VMEM((2, C, F_OUT), jnp.float32),
            pltpu.VMEM((ROWS_PER_TILE, F_OUT), jnp.float32),
            pltpu.VMEM_SHARED((N_NODES, F_OUT), jnp.float32),
            pltpu.SemaphoreType.DMA,
            pltpu.SemaphoreType.DMA,
            pltpu.SemaphoreType.DMA,
            pltpu.SemaphoreType.DMA,
            pltpu.SemaphoreType.DMA,
            pltpu.SemaphoreType.DMA,
        ],
    )(_edge_body)
    partials = edge_fn(za, zb, zc, edge_index, edge_attr)

    p128 = partials.reshape(NC * N_NODES * F_OUT // 128, 128)
    r128 = r.reshape(N_NODES * F_OUT // 128, 128)
    tile8 = lambda v: jnp.tile(v.reshape(1, F_OUT), (1, 8))
    logits = pl.pallas_call(
        _epilogue_body,
        out_shape=jax.ShapeDtypeStruct((1, 3), jnp.float32),
    )(
        p128, r128,
        tile8(conv_bias),
        tile8(gamma),
        tile8(beta),
        tile8(moving_mean),
        tile8(moving_var),
        Wd,
        bd.reshape(1, 3),
    )
    return logits

# --- scband reference (transcript-rebuilt; emitter-appended) ---
"""Pipeline reference for scband-gnn-model-27736898798406 (READ-ONLY COPY).

The authoritative reference and input builder live on the scoring server;
editing this copy changes nothing except your own understanding.
"""

import jax, jax.numpy as jnp
import numpy as np

N_NODES = 10000
N_EDGES = 160000
F_IN = 128
F_OUT = 16
D_EDGE = 16
BN_EPS = 1e-3


def setup_inputs(seed: int = 0) -> dict:
    key = jax.random.key(seed)
    ks = jax.random.split(key, 12)
    x = jax.random.normal(ks[0], (N_NODES, F_IN), dtype=jnp.float32)
    edge_index = jax.random.randint(ks[1], (2, N_EDGES), 0, N_NODES, dtype=jnp.int32)
    edge_attr = jax.random.normal(ks[2], (N_EDGES, D_EDGE), dtype=jnp.float32)
    # ECCConv filter-generating network: Dense(D_EDGE -> F_IN*F_OUT)
    Wk = jax.random.normal(ks[3], (D_EDGE, F_IN * F_OUT), dtype=jnp.float32) * 0.05
    bk = jnp.zeros((F_IN * F_OUT,), dtype=jnp.float32)
    # root kernel and bias
    root_kernel = jax.random.normal(ks[4], (F_IN, F_OUT), dtype=jnp.float32) * 0.05
    conv_bias = jnp.zeros((F_OUT,), dtype=jnp.float32)
    # BatchNorm params (inference mode: fresh moving stats)
    gamma = jnp.ones((F_OUT,), dtype=jnp.float32)
    beta = jnp.zeros((F_OUT,), dtype=jnp.float32)
    moving_mean = jnp.zeros((F_OUT,), dtype=jnp.float32)
    moving_var = jnp.ones((F_OUT,), dtype=jnp.float32)
    # final Dense(3)
    Wd = jax.random.normal(ks[5], (F_OUT, 3), dtype=jnp.float32) * 0.1
    bd = jnp.zeros((3,), dtype=jnp.float32)
    return {
        "x": x,
        "edge_index": edge_index,
        "edge_attr": edge_attr,
        "Wk": Wk,
        "bk": bk,
        "root_kernel": root_kernel,
        "conv_bias": conv_bias,
        "gamma": gamma,
        "beta": beta,
        "moving_mean": moving_mean,
        "moving_var": moving_var,
        "Wd": Wd,
        "bd": bd,
    }


def reference(x, edge_index, edge_attr, Wk, bk, root_kernel, conv_bias,
              gamma, beta, moving_mean, moving_var, Wd, bd):
    src = edge_index[0]
    dst = edge_index[1]
    # ECCConv: edge-conditioned per-edge kernels
    kernels = (edge_attr @ Wk + bk).reshape(-1, F_IN, F_OUT)  # [E, F_IN, F_OUT]
    msgs = jnp.take(x, src, axis=0)                            # gather [E, F_IN]
    msgs = jnp.einsum("ef,efo->eo", msgs, kernels)             # [E, F_OUT]
    agg = jax.ops.segment_sum(msgs, dst, num_segments=x.shape[0])  # scatter-add
    out = agg + x @ root_kernel + conv_bias
    out = jax.nn.relu(out)                                      # ECC activation
    # BatchNormalization (inference mode)
    out = (out - moving_mean) / jnp.sqrt(moving_var + BN_EPS) * gamma + beta
    # GlobalMaxPool (single mode: reduce over node axis, keepdims)
    pooled = jnp.max(out, axis=-2, keepdims=True)               # [1, F_OUT]
    # Dropout(p=0.0) is identity; final Dense(3)
    logits = pooled @ Wd + bd                                   # [1, 3]
    return logits

if __name__ == "__main__":
    import jax
    _d = setup_inputs()
    print(jax.jit(kernel)(*tuple(_d.values())))

</pallas_src>

<mosaic_0001>
#map = affine_map<(d0, d1) -> (0, 0)>
#map1 = affine_map<(d0, d1) -> (0, 0, 0)>
module attributes {stable_mosaic.version = 14 : i64} {
  func.func @_edge_body(%arg0: i32, %arg1: i32, %arg2: memref<10000x128xf32, #tpu.memory_space<hbm>>, %arg3: memref<10000x128xf32, #tpu.memory_space<hbm>>, %arg4: memref<10000x16xf32, #tpu.memory_space<hbm>>, %arg5: memref<2x160000xi32, #tpu.memory_space<hbm>>, %arg6: memref<160000x16xf32, #tpu.memory_space<hbm>>, %arg7: memref<2x10000x16xf32, #tpu.memory_space<hbm>>, %arg8: memref<5120xi32, #tpu.memory_space<vmem>>, %arg9: memref<5120xi32, #tpu.memory_space<vmem>>, %arg10: memref<2x128x128xf32, #tpu.memory_space<vmem>>, %arg11: memref<2x128x128xf32, #tpu.memory_space<vmem>>, %arg12: memref<2x128x16xf32, #tpu.memory_space<vmem>>, %arg13: memref<2x128x16xf32, #tpu.memory_space<vmem>>, %arg14: memref<2x128x16xf32, #tpu.memory_space<vmem>>, %arg15: memref<625x16xf32, #tpu.memory_space<vmem>>, %arg16: memref<10000x16xf32, #tpu.memory_space<vmem_shared>>, %arg17: memref<!tpu.dma_semaphore, #tpu.memory_space<semaphore_mem>>, %arg18: memref<!tpu.dma_semaphore, #tpu.memory_space<semaphore_mem>>, %arg19: memref<!tpu.dma_semaphore, #tpu.memory_space<semaphore_mem>>, %arg20: memref<!tpu.dma_semaphore, #tpu.memory_space<semaphore_mem>>, %arg21: memref<!tpu.dma_semaphore, #tpu.memory_space<semaphore_mem>>, %arg22: memref<!tpu.dma_semaphore, #tpu.memory_space<semaphore_mem>>) attributes {dimension_semantics = [#tpu.dimension_semantics<core_parallel>, #tpu.dimension_semantics<subcore_parallel>], iteration_bounds = array<i64: 2, 16>, scalar_prefetch = 0 : i64, scratch_operands = 15 : i64, tpu.core_type = #tpu.core_type<sc_vector_subcore>, window_params = [{transform_indices = #map}, {transform_indices = #map}, {transform_indices = #map}, {transform_indices = #map}, {transform_indices = #map}, {transform_indices = #map1}]} {
    %mul3A = arith.constant 2 : i32
    %mul3A_0 = arith.muli %arg1, %mul3A : i32
    %add3A = arith.addi %mul3A_0, %arg0 : i32
    %lt3A = arith.constant 2 : i32
    %lt3A_1 = arith.cmpi slt, %add3A, %lt3A : i32
    %jit3A = arith.constant 1 : i32
    %jit3A_2 = arith.constant 0 : i32
    %select_n3A = arith.select %lt3A_1, %jit3A, %jit3A_2 : i32
    %add3A_3 = arith.constant 39 : i32
    %add3A_4 = arith.addi %add3A_3, %select_n3A : i32
    %mul3A_5 = arith.constant 39 : i32
    %mul3A_6 = arith.muli %mul3A_5, %add3A : i32
    %min3A = arith.constant 2 : i32
    %min3A_7 = arith.minsi %add3A, %min3A : i32
    %add3A_8 = arith.addi %mul3A_6, %min3A_7 : i32
    %mul3A_9 = arith.constant 128 : i32
    %mul3A_10 = arith.muli %add3A_8, %mul3A_9 : i32
    %run_scoped3A = arith.constant 0 : i32
    "tpu.region"() ({
      %run_scoped3A_59 = tpu.sem_alloc : memref<!tpu.dma_semaphore, #tpu.memory_space<semaphore_mem>>
      %dma_start3A = arith.constant 0 : i32
      %dma_start3A_60 = tpu.memref_slice %arg8[%dma_start3A] : memref<5120xi32, #tpu.memory_space<vmem>> -> memref<4992xi32, #tpu.memory_space<vmem>>
      %dma_start3A_61 = tpu.memref_slice %arg5[%run_scoped3A, %mul3A_10] : memref<2x160000xi32, #tpu.memory_space<hbm>> -> memref<1x4992xi32, #tpu.memory_space<hbm>>
      %dma_start3A_62 = tpu.memref_squeeze %dma_start3A_61 : memref<1x4992xi32, #tpu.memory_space<hbm>> -> memref<4992xi32, #tpu.memory_space<hbm>>
      %dma_start3A_63 = arith.constant 0 : i32
      %dma_start3A_64 = tpu.memref_slice %arg8[%dma_start3A_63] : memref<5120xi32, #tpu.memory_space<vmem>> -> memref<4992xi32, #tpu.memory_space<vmem>>
      %dma_start3A_65 = tpu.memref_slice %arg5[%run_scoped3A, %mul3A_10] : memref<2x160000xi32, #tpu.memory_space<hbm>> -> memref<1x4992xi32, #tpu.memory_space<hbm>>
      %dma_start3A_66 = tpu.memref_squeeze %dma_start3A_65 : memref<1x4992xi32, #tpu.memory_space<hbm>> -> memref<4992xi32, #tpu.memory_space<hbm>>
      tpu.enqueue_dma source(%dma_start3A_66 : memref<4992xi32, #tpu.memory_space<hbm>>) target(%dma_start3A_64 : memref<4992xi32, #tpu.memory_space<vmem>>) target_semaphore(%run_scoped3A_59 : memref<!tpu.dma_semaphore, #tpu.memory_space<semaphore_mem>>)
      %dma_wait3A_67 = arith.constant 0 : i32
      %dma_wait3A_68 = tpu.memref_slice %arg8[%dma_wait3A_67] : memref<5120xi32, #tpu.memory_space<vmem>> -> memref<4992xi32, #tpu.memory_space<vmem>>
      %dma_wait3A_69 = tpu.memref_slice %arg5[%run_scoped3A, %mul3A_10] : memref<2x160000xi32, #tpu.memory_space<hbm>> -> memref<1x4992xi32, #tpu.memory_space<hbm>>
      %dma_wait3A_70 = tpu.memref_squeeze %dma_wait3A_69 : memref<1x4992xi32, #tpu.memory_space<hbm>> -> memref<4992xi32, #tpu.memory_space<hbm>>
      %dma_wait3A_71 = arith.constant 0 : i32
      %dma_wait3A_72 = tpu.memref_slice %arg8[%dma_wait3A_71] : memref<5120xi32, #tpu.memory_space<vmem>> -> memref<4992xi32, #tpu.memory_space<vmem>>
      %dma_wait3A_73 = tpu.memref_slice %arg5[%run_scoped3A, %mul3A_10] : memref<2x160000xi32, #tpu.memory_space<hbm>> -> memref<1x4992xi32, #tpu.memory_space<hbm>>
      %dma_wait3A_74 = tpu.memref_squeeze %dma_wait3A_73 : memref<1x4992xi32, #tpu.memory_space<hbm>> -> memref<4992xi32, #tpu.memory_space<hbm>>
      tpu.wait_dma2 semaphore(%run_scoped3A_59 : memref<!tpu.dma_semaphore, #tpu.memory_space<semaphore_mem>>) src(%dma_wait3A_74 : memref<4992xi32, #tpu.memory_space<hbm>>) dst(%dma_wait3A_72 : memref<4992xi32, #tpu.memory_space<vmem>>)
      tpu.yield
    }) : () -> ()
    %mul3A_11 = arith.constant 128 : i32
    %mul3A_12 = arith.muli %add3A_8, %mul3A_11 : i32
    %run_scoped3A_13 = arith.constant 1 : i32
    "tpu.region"() ({
      %run_scoped3A_59 = tpu.sem_alloc : memref<!tpu.dma_semaphore, #tpu.memory_space<semaphore_mem>>
      %dma_start3A = arith.constant 0 : i32
      %dma_start3A_60 = tpu.memref_slice %arg9[%dma_start3A] : memref<5120xi32, #tpu.memory_space<vmem>> -> memref<4992xi32, #tpu.memory_space<vmem>>
      %dma_start3A_61 = tpu.memref_slice %arg5[%run_scoped3A_13, %mul3A_12] : memref<2x160000xi32, #tpu.memory_space<hbm>> -> memref<1x4992xi32, #tpu.memory_space<hbm>>
      %dma_start3A_62 = tpu.memref_squeeze %dma_start3A_61 : memref<1x4992xi32, #tpu.memory_space<hbm>> -> memref<4992xi32, #tpu.memory_space<hbm>>
      %dma_start3A_63 = arith.constant 0 : i32
      %dma_start3A_64 = tpu.memref_slice %arg9[%dma_start3A_63] : memref<5120xi32, #tpu.memory_space<vmem>> -> memref<4992xi32, #tpu.memory_space<vmem>>
      %dma_start3A_65 = tpu.memref_slice %arg5[%run_scoped3A_13, %mul3A_12] : memref<2x160000xi32, #tpu.memory_space<hbm>> -> memref<1x4992xi32, #tpu.memory_space<hbm>>
      %dma_start3A_66 = tpu.memref_squeeze %dma_start3A_65 : memref<1x4992xi32, #tpu.memory_space<hbm>> -> memref<4992xi32, #tpu.memory_space<hbm>>
      tpu.enqueue_dma source(%dma_start3A_66 : memref<4992xi32, #tpu.memory_space<hbm>>) target(%dma_start3A_64 : memref<4992xi32, #tpu.memory_space<vmem>>) target_semaphore(%run_scoped3A_59 : memref<!tpu.dma_semaphore, #tpu.memory_space<semaphore_mem>>)
      %dma_wait3A_67 = arith.constant 0 : i32
      %dma_wait3A_68 = tpu.memref_slice %arg9[%dma_wait3A_67] : memref<5120xi32, #tpu.memory_space<vmem>> -> memref<4992xi32, #tpu.memory_space<vmem>>
      %dma_wait3A_69 = tpu.memref_slice %arg5[%run_scoped3A_13, %mul3A_12] : memref<2x160000xi32, #tpu.memory_space<hbm>> -> memref<1x4992xi32, #tpu.memory_space<hbm>>
      %dma_wait3A_70 = tpu.memref_squeeze %dma_wait3A_69 : memref<1x4992xi32, #tpu.memory_space<hbm>> -> memref<4992xi32, #tpu.memory_space<hbm>>
      %dma_wait3A_71 = arith.constant 0 : i32
      %dma_wait3A_72 = tpu.memref_slice %arg9[%dma_wait3A_71] : memref<5120xi32, #tpu.memory_space<vmem>> -> memref<4992xi32, #tpu.memory_space<vmem>>
      %dma_wait3A_73 = tpu.memref_slice %arg5[%run_scoped3A_13, %mul3A_12] : memref<2x160000xi32, #tpu.memory_space<hbm>> -> memref<1x4992xi32, #tpu.memory_space<hbm>>
      %dma_wait3A_74 = tpu.memref_squeeze %dma_wait3A_73 : memref<1x4992xi32, #tpu.memory_space<hbm>> -> memref<4992xi32, #tpu.memory_space<hbm>>
      tpu.wait_dma2 semaphore(%run_scoped3A_59 : memref<!tpu.dma_semaphore, #tpu.memory_space<semaphore_mem>>) src(%dma_wait3A_74 : memref<4992xi32, #tpu.memory_space<hbm>>) dst(%dma_wait3A_72 : memref<4992xi32, #tpu.memory_space<vmem>>)
      tpu.yield
    }) : () -> ()
    %lt3A_14 = arith.constant 2 : i32
    %lt3A_15 = arith.cmpi slt, %add3A, %lt3A_14 : i32
    %convert_element_type3A = arith.extui %lt3A_15 : i1 to i32
    %cond3A = arith.constant 0 : i32
    %cond3A_16 = arith.cmpi ne, %convert_element_type3A, %cond3A : i32
    scf.if %cond3A_16 {
      %add3A_59 = arith.constant 39 : i32
      %add3A_60 = arith.addi %add3A_8, %add3A_59 : i32
      %mul3A_61 = arith.constant 128 : i32
      %mul3A_62 = arith.muli %add3A_60, %mul3A_61 : i32
      %run_scoped3A_63 = arith.constant 0 : i32
      "tpu.region"() ({
        %run_scoped3A_69 = tpu.sem_alloc : memref<!tpu.dma_semaphore, #tpu.memory_space<semaphore_mem>>
        %dma_start3A = arith.constant 4992 : i32
        %dma_start3A_70 = tpu.memref_slice %arg8[%dma_start3A] : memref<5120xi32, #tpu.memory_space<vmem>> -> memref<128xi32, #tpu.memory_space<vmem>>
        %dma_start3A_71 = tpu.memref_slice %arg5[%run_scoped3A_63, %mul3A_62] : memref<2x160000xi32, #tpu.memory_space<hbm>> -> memref<1x128xi32, #tpu.memory_space<hbm>>
        %dma_start3A_72 = tpu.memref_squeeze %dma_start3A_71 : memref<1x128xi32, #tpu.memory_space<hbm>> -> memref<128xi32, #tpu.memory_space<hbm>>
        %dma_start3A_73 = arith.constant 4992 : i32
        %dma_start3A_74 = tpu.memref_slice %arg8[%dma_start3A_73] : memref<5120xi32, #tpu.memory_space<vmem>> -> memref<128xi32, #tpu.memory_space<vmem>>
        %dma_start3A_75 = tpu.memref_slice %arg5[%run_scoped3A_63, %mul3A_62] : memref<2x160000xi32, #tpu.memory_space<hbm>> -> memref<1x128xi32, #tpu.memory_space<hbm>>
        %dma_start3A_76 = tpu.memref_squeeze %dma_start3A_75 : memref<1x128xi32, #tpu.memory_space<hbm>> -> memref<128xi32, #tpu.memory_space<hbm>>
        tpu.enqueue_dma source(%dma_start3A_76 : memref<128xi32, #tpu.memory_space<hbm>>) target(%dma_start3A_74 : memref<128xi32, #tpu.memory_space<vmem>>) target_semaphore(%run_scoped3A_69 : memref<!tpu.dma_semaphore, #tpu.memory_space<semaphore_mem>>)
        %dma_wait3A_77 = arith.constant 4992 : i32
        %dma_wait3A_78 = tpu.memref_slice %arg8[%dma_wait3A_77] : memref<5120xi32, #tpu.memory_space<vmem>> -> memref<128xi32, #tpu.memory_space<vmem>>
        %dma_wait3A_79 = tpu.memref_slice %arg5[%run_scoped3A_63, %mul3A_62] : memref<2x160000xi32, #tpu.memory_space<hbm>> -> memref<1x128xi32, #tpu.memory_space<hbm>>
        %dma_wait3A_80 = tpu.memref_squeeze %dma_wait3A_79 : memref<1x128xi32, #tpu.memory_space<hbm>> -> memref<128xi32, #tpu.memory_space<hbm>>
        %dma_wait3A_81 = arith.constant 4992 : i32
        %dma_wait3A_82 = tpu.memref_slice %arg8[%dma_wait3A_81] : memref<5120xi32, #tpu.memory_space<vmem>> -> memref<128xi32, #tpu.memory_space<vmem>>
        %dma_wait3A_83 = tpu.memref_slice %arg5[%run_scoped3A_63, %mul3A_62] : memref<2x160000xi32, #tpu.memory_space<hbm>> -> memref<1x128xi32, #tpu.memory_space<hbm>>
        %dma_wait3A_84 = tpu.memref_squeeze %dma_wait3A_83 : memref<1x128xi32, #tpu.memory_space<hbm>> -> memref<128xi32, #tpu.memory_space<hbm>>
        tpu.wait_dma2 semaphore(%run_scoped3A_69 : memref<!tpu.dma_semaphore, #tpu.memory_space<semaphore_mem>>) src(%dma_wait3A_84 : memref<128xi32, #tpu.memory_space<hbm>>) dst(%dma_wait3A_82 : memref<128xi32, #tpu.memory_space<vmem>>)
        tpu.yield
      }) : () -> ()
      %add3A_64 = arith.constant 39 : i32
      %add3A_65 = arith.addi %add3A_8, %add3A_64 : i32
      %mul3A_66 = arith.constant 128 : i32
      %mul3A_67 = arith.muli %add3A_65, %mul3A_66 : i32
      %run_scoped3A_68 = arith.constant 1 : i32
      "tpu.region"() ({
        %run_scoped3A_69 = tpu.sem_alloc : memref<!tpu.dma_semaphore, #tpu.memory_space<semaphore_mem>>
        %dma_start3A = arith.constant 4992 : i32
        %dma_start3A_70 = tpu.memref_slice %arg9[%dma_start3A] : memref<5120xi32, #tpu.memory_space<vmem>> -> memref<128xi32, #tpu.memory_space<vmem>>
        %dma_start3A_71 = tpu.memref_slice %arg5[%run_scoped3A_68, %mul3A_67] : memref<2x160000xi32, #tpu.memory_space<hbm>> -> memref<1x128xi32, #tpu.memory_space<hbm>>
        %dma_start3A_72 = tpu.memref_squeeze %dma_start3A_71 : memref<1x128xi32, #tpu.memory_space<hbm>> -> memref<128xi32, #tpu.memory_space<hbm>>
        %dma_start3A_73 = arith.constant 4992 : i32
        %dma_start3A_74 = tpu.memref_slice %arg9[%dma_start3A_73] : memref<5120xi32, #tpu.memory_space<vmem>> -> memref<128xi32, #tpu.memory_space<vmem>>
        %dma_start3A_75 = tpu.memref_slice %arg5[%run_scoped3A_68, %mul3A_67] : memref<2x160000xi32, #tpu.memory_space<hbm>> -> memref<1x128xi32, #tpu.memory_space<hbm>>
        %dma_start3A_76 = tpu.memref_squeeze %dma_start3A_75 : memref<1x128xi32, #tpu.memory_space<hbm>> -> memref<128xi32, #tpu.memory_space<hbm>>
        tpu.enqueue_dma source(%dma_start3A_76 : memref<128xi32, #tpu.memory_space<hbm>>) target(%dma_start3A_74 : memref<128xi32, #tpu.memory_space<vmem>>) target_semaphore(%run_scoped3A_69 : memref<!tpu.dma_semaphore, #tpu.memory_space<semaphore_mem>>)
        %dma_wait3A_77 = arith.constant 4992 : i32
        %dma_wait3A_78 = tpu.memref_slice %arg9[%dma_wait3A_77] : memref<5120xi32, #tpu.memory_space<vmem>> -> memref<128xi32, #tpu.memory_space<vmem>>
        %dma_wait3A_79 = tpu.memref_slice %arg5[%run_scoped3A_68, %mul3A_67] : memref<2x160000xi32, #tpu.memory_space<hbm>> -> memref<1x128xi32, #tpu.memory_space<hbm>>
        %dma_wait3A_80 = tpu.memref_squeeze %dma_wait3A_79 : memref<1x128xi32, #tpu.memory_space<hbm>> -> memref<128xi32, #tpu.memory_space<hbm>>
        %dma_wait3A_81 = arith.constant 4992 : i32
        %dma_wait3A_82 = tpu.memref_slice %arg9[%dma_wait3A_81] : memref<5120xi32, #tpu.memory_space<vmem>> -> memref<128xi32, #tpu.memory_space<vmem>>
        %dma_wait3A_83 = tpu.memref_slice %arg5[%run_scoped3A_68, %mul3A_67] : memref<2x160000xi32, #tpu.memory_space<hbm>> -> memref<1x128xi32, #tpu.memory_space<hbm>>
        %dma_wait3A_84 = tpu.memref_squeeze %dma_wait3A_83 : memref<1x128xi32, #tpu.memory_space<hbm>> -> memref<128xi32, #tpu.memory_space<hbm>>
        tpu.wait_dma2 semaphore(%run_scoped3A_69 : memref<!tpu.dma_semaphore, #tpu.memory_space<semaphore_mem>>) src(%dma_wait3A_84 : memref<128xi32, #tpu.memory_space<hbm>>) dst(%dma_wait3A_82 : memref<128xi32, #tpu.memory_space<vmem>>)
        tpu.yield
      }) : () -> ()
    } else {
    }
    %broadcast_in_dim3A = arith.constant 0.000000e+00 : f32
    %broadcast_in_dim3A_17 = vector.broadcast %broadcast_in_dim3A : f32 to vector<16xf32>
    %scan3A = arith.constant 0 : i32
    %scan3A_18 = arith.constant 0 : i32
    %scan3A_19 = arith.constant 625 : i32
    %scan3A_20 = arith.addi %scan3A_18, %scan3A_19 : i32
    %scan3A_21 = arith.constant 1 : i32
    scf.for %scan3A_59 = %scan3A_18 to %scan3A_20 step %scan3A_21  : i32 {
      %swap3A = arith.index_cast %scan3A_59 : i32 to index
      %swap3A_60 = arith.constant 0 : index
      %swap3A_61 = tpu.vector_load %arg15[%swap3A, %swap3A_60] {strides = array<i32>} : memref<625x16xf32, #tpu.memory_space<vmem>>, vector<1x16xf32>,
      %swap3A_62 = vector.shape_cast %swap3A_61 : vector<1x16xf32> to vector<16xf32>
      %swap3A_63 = vector.shape_cast %broadcast_in_dim3A_17 : vector<16xf32> to vector<1x16xf32>
      tpu.vector_store %arg15[%swap3A, %swap3A_60], %swap3A_63 {strides = array<i32>} : memref<625x16xf32, #tpu.memory_space<vmem>>, vector<1x16xf32>,
    }
    %scan3A_22 = arith.constant 625 : i32
    %mul3A_23 = arith.constant 625 : i32
    %mul3A_24 = arith.muli %arg1, %mul3A_23 : i32
    "tpu.region"() ({
      %run_scoped3A_59 = tpu.sem_alloc : memref<!tpu.dma_semaphore, #tpu.memory_space<semaphore_mem>>
      %dma_start3A = arith.constant 0 : i32
      %dma_start3A_60 = tpu.memref_slice %arg16[%mul3A_24, %dma_start3A] : memref<10000x16xf32, #tpu.memory_space<vmem_shared>> -> memref<625x16xf32, #tpu.memory_space<vmem_shared>>
      %dma_start3A_61 = arith.constant 0 : i32
      %dma_start3A_62 = tpu.memref_slice %arg16[%mul3A_24, %dma_start3A_61] : memref<10000x16xf32, #tpu.memory_space<vmem_shared>> -> memref<625x16xf32, #tpu.memory_space<vmem_shared>>
      tpu.enqueue_dma source(%arg15 : memref<625x16xf32, #tpu.memory_space<vmem>>) target(%dma_start3A_62 : memref<625x16xf32, #tpu.memory_space<vmem_shared>>) target_semaphore(%run_scoped3A_59 : memref<!tpu.dma_semaphore, #tpu.memory_space<semaphore_mem>>)
      %dma_wait3A_63 = arith.constant 0 : i32
      %dma_wait3A_64 = tpu.memref_slice %arg16[%mul3A_24, %dma_wait3A_63] : memref<10000x16xf32, #tpu.memory_space<vmem_shared>> -> memref<625x16xf32, #tpu.memory_space<vmem_shared>>
      %dma_wait3A_65 = arith.constant 0 : i32
      %dma_wait3A_66 = tpu.memref_slice %arg16[%mul3A_24, %dma_wait3A_65] : memref<10000x16xf32, #tpu.memory_space<vmem_shared>> -> memref<625x16xf32, #tpu.memory_space<vmem_shared>>
      tpu.wait_dma2 semaphore(%run_scoped3A_59 : memref<!tpu.dma_semaphore, #tpu.memory_space<semaphore_mem>>) src(%arg15 : memref<625x16xf32, #tpu.memory_space<vmem>>) dst(%dma_wait3A_66 : memref<625x16xf32, #tpu.memory_space<vmem_shared>>)
      tpu.yield
    }) : () -> ()
    %barrier3A = arith.constant 0 : index
    tpu.barrier barrier_id(%barrier3A)
    %gt3A = arith.constant 0 : i32
    %gt3A_25 = arith.cmpi sgt, %add3A_4, %gt3A : i32
    %convert_element_type3A_26 = arith.extui %gt3A_25 : i1 to i32
    %cond3A_27 = arith.constant 0 : i32
    %cond3A_28 = arith.cmpi ne, %convert_element_type3A_26, %cond3A_27 : i32
    scf.if %cond3A_28 {
      %dma_start3A = arith.constant 0 : i32
      %dma_start3A_59 = arith.constant 0 : i32
      %dma_start3A_60 = arith.constant 0 : i32
      %dma_start3A_61 = tpu.memref_slice %arg10[%dma_start3A, %dma_start3A_59, %dma_start3A_60] : memref<2x128x128xf32, #tpu.memory_space<vmem>> -> memref<1x128x128xf32, #tpu.memory_space<vmem>>
      %dma_start3A_62 = tpu.memref_squeeze %dma_start3A_61 : memref<1x128x128xf32, #tpu.memory_space<vmem>> -> memref<128x128xf32, #tpu.memory_space<vmem>>
      %dma_start3A_63 = arith.constant 0 : i32
      %dma_start3A_64 = tpu.memref_slice %arg8[%dma_start3A_63] : memref<5120xi32, #tpu.memory_space<vmem>> -> memref<128xi32, #tpu.memory_space<vmem>>
      %dma_start3A_65 = arith.constant 0 : i32
      %dma_start3A_66 = arith.constant 0 : i32
      %dma_start3A_67 = tpu.memref_slice %arg2[%dma_start3A_65, %dma_start3A_66] : memref<10000x128xf32, #tpu.memory_space<hbm>> -> memref<10000x128xf32, #tpu.memory_space<hbm>>
      tpu.enqueue_indirect_dma source(%dma_start3A_67 : memref<10000x128xf32, #tpu.memory_space<hbm>>) target(%dma_start3A_62 : memref<128x128xf32, #tpu.memory_space<vmem>>) offsets(%dma_start3A_64 : memref<128xi32, #tpu.memory_space<vmem>>) semaphore(%arg17 : memref<!tpu.dma_semaphore, #tpu.memory_space<semaphore_mem>>)
      %dma_start3A_68 = arith.constant 0 : i32
      %dma_start3A_69 = arith.constant 0 : i32
      %dma_start3A_70 = arith.constant 0 : i32
      %dma_start3A_71 = tpu.memref_slice %arg11[%dma_start3A_68, %dma_start3A_69, %dma_start3A_70] : memref<2x128x128xf32, #tpu.memory_space<vmem>> -> memref<1x128x128xf32, #tpu.memory_space<vmem>>
      %dma_start3A_72 = tpu.memref_squeeze %dma_start3A_71 : memref<1x128x128xf32, #tpu.memory_space<vmem>> -> memref<128x128xf32, #tpu.memory_space<vmem>>
      %dma_start3A_73 = arith.constant 0 : i32
      %dma_start3A_74 = tpu.memref_slice %arg8[%dma_start3A_73] : memref<5120xi32, #tpu.memory_space<vmem>> -> memref<128xi32, #tpu.memory_space<vmem>>
      %dma_start3A_75 = arith.constant 0 : i32
      %dma_start3A_76 = arith.constant 0 : i32
      %dma_start3A_77 = tpu.memref_slice %arg3[%dma_start3A_75, %dma_start3A_76] : memref<10000x128xf32, #tpu.memory_space<hbm>> -> memref<10000x128xf32, #tpu.memory_space<hbm>>
      tpu.enqueue_indirect_dma source(%dma_start3A_77 : memref<10000x128xf32, #tpu.memory_space<hbm>>) target(%dma_start3A_72 : memref<128x128xf32, #tpu.memory_space<vmem>>) offsets(%dma_start3A_74 : memref<128xi32, #tpu.memory_space<vmem>>) semaphore(%arg17 : memref<!tpu.dma_semaphore, #tpu.memory_space<semaphore_mem>>)
      %dma_start3A_78 = arith.constant 0 : i32
      %dma_start3A_79 = arith.constant 0 : i32
      %dma_start3A_80 = arith.constant 0 : i32
      %dma_start3A_81 = tpu.memref_slice %arg12[%dma_start3A_78, %dma_start3A_79, %dma_start3A_80] : memref<2x128x16xf32, #tpu.memory_space<vmem>> -> memref<1x128x16xf32, #tpu.memory_space<vmem>>
      %dma_start3A_82 = tpu.memref_squeeze %dma_start3A_81 : memref<1x128x16xf32, #tpu.memory_space<vmem>> -> memref<128x16xf32, #tpu.memory_space<vmem>>
      %dma_start3A_83 = arith.constant 0 : i32
      %dma_start3A_84 = tpu.memref_slice %arg8[%dma_start3A_83] : memref<5120xi32, #tpu.memory_space<vmem>> -> memref<128xi32, #tpu.memory_space<vmem>>
      %dma_start3A_85 = arith.constant 0 : i32
      %dma_start3A_86 = arith.constant 0 : i32
      %dma_start3A_87 = tpu.memref_slice %arg4[%dma_start3A_85, %dma_start3A_86] : memref<10000x16xf32, #tpu.memory_space<hbm>> -> memref<10000x16xf32, #tpu.memory_space<hbm>>
      tpu.enqueue_indirect_dma source(%dma_start3A_87 : memref<10000x16xf32, #tpu.memory_space<hbm>>) target(%dma_start3A_82 : memref<128x16xf32, #tpu.memory_space<vmem>>) offsets(%dma_start3A_84 : memref<128xi32, #tpu.memory_space<vmem>>) semaphore(%arg17 : memref<!tpu.dma_semaphore, #tpu.memory_space<semaphore_mem>>)
      %add3A_88 = arith.constant 0 : i32
      %add3A_89 = arith.addi %add3A_8, %add3A_88 : i32
      %mul3A_90 = arith.constant 128 : i32
      %mul3A_91 = arith.muli %add3A_89, %mul3A_90 : i32
      %dma_start3A_92 = arith.constant 0 : i32
      %dma_start3A_93 = arith.constant 0 : i32
      %dma_start3A_94 = arith.constant 0 : i32
      %dma_start3A_95 = tpu.memref_slice %arg13[%dma_start3A_92, %dma_start3A_93, %dma_start3A_94] : memref<2x128x16xf32, #tpu.memory_space<vmem>> -> memref<1x128x16xf32, #tpu.memory_space<vmem>>
      %dma_start3A_96 = tpu.memref_squeeze %dma_start3A_95 : memref<1x128x16xf32, #tpu.memory_space<vmem>> -> memref<128x16xf32, #tpu.memory_space<vmem>>
      %dma_start3A_97 = arith.constant 0 : i32
      %dma_start3A_98 = tpu.memref_slice %arg6[%mul3A_91, %dma_start3A_97] : memref<160000x16xf32, #tpu.memory_space<hbm>> -> memref<128x16xf32, #tpu.memory_space<hbm>>
      %dma_start3A_99 = arith.constant 0 : i32
      %dma_start3A_100 = arith.constant 0 : i32
      %dma_start3A_101 = tpu.memref_slice %arg13[%dma_start3A_92, %dma_start3A_99, %dma_start3A_100] : memref<2x128x16xf32, #tpu.memory_space<vmem>> -> memref<1x128x16xf32, #tpu.memory_space<vmem>>
      %dma_start3A_102 = tpu.memref_squeeze %dma_start3A_101 : memref<1x128x16xf32, #tpu.memory_space<vmem>> -> memref<128x16xf32, #tpu.memory_space<vmem>>
      %dma_start3A_103 = arith.constant 0 : i32
      %dma_start3A_104 = tpu.memref_slice %arg6[%mul3A_91, %dma_start3A_103] : memref<160000x16xf32, #tpu.memory_space<hbm>> -> memref<128x16xf32, #tpu.memory_space<hbm>>
      tpu.enqueue_dma source(%dma_start3A_104 : memref<128x16xf32, #tpu.memory_space<hbm>>) target(%dma_start3A_102 : memref<128x16xf32, #tpu.memory_space<vmem>>) target_semaphore(%arg19 : memref<!tpu.dma_semaphore, #tpu.memory_space<semaphore_mem>>)
    } else {
    }
    %scan3A_29 = arith.constant 0 : i32
    %scan3A_30 = arith.constant 0 : i32
    %scan3A_31 = arith.constant 20 : i32
    %scan3A_32 = arith.addi %scan3A_30, %scan3A_31 : i32
    %scan3A_33 = arith.constant 1 : i32
    scf.for %scan3A_59 = %scan3A_30 to %scan3A_32 step %scan3A_33  : i32 {
      %mul3A_60 = arith.constant 2 : i32
      %mul3A_61 = arith.muli %mul3A_60, %scan3A_59 : i32
      %mul3A_62 = arith.constant 2 : i32
      %mul3A_63 = arith.muli %mul3A_62, %scan3A_59 : i32
      %add3A_64 = arith.constant 1 : i32
      %add3A_65 = arith.addi %mul3A_63, %add3A_64 : i32
      %lt3A_66 = arith.cmpi slt, %add3A_65, %add3A_4 : i32
      %convert_element_type3A_67 = arith.extui %lt3A_66 : i1 to i32
      %cond3A_68 = arith.constant 0 : i32
      %cond3A_69 = arith.cmpi ne, %convert_element_type3A_67, %cond3A_68 : i32
      scf.if %cond3A_69 {
        %mul3A_84 = arith.constant 128 : i32
        %mul3A_85 = arith.muli %add3A_65, %mul3A_84 : i32
        %dma_start3A = arith.constant 1 : i32
        %dma_start3A_86 = arith.constant 0 : i32
        %dma_start3A_87 = arith.constant 0 : i32
        %dma_start3A_88 = tpu.memref_slice %arg10[%dma_start3A, %dma_start3A_86, %dma_start3A_87] : memref<2x128x128xf32, #tpu.memory_space<vmem>> -> memref<1x128x128xf32, #tpu.memory_space<vmem>>
        %dma_start3A_89 = tpu.memref_squeeze %dma_start3A_88 : memref<1x128x128xf32, #tpu.memory_space<vmem>> -> memref<128x128xf32, #tpu.memory_space<vmem>>
        %dma_start3A_90 = tpu.memref_slice %arg8[%mul3A_85] : memref<5120xi32, #tpu.memory_space<vmem>> -> memref<128xi32, #tpu.memory_space<vmem>>
        %dma_start3A_91 = arith.constant 0 : i32
        %dma_start3A_92 = arith.constant 0 : i32
        %dma_start3A_93 = tpu.memref_slice %arg2[%dma_start3A_91, %dma_start3A_92] : memref<10000x128xf32, #tpu.memory_space<hbm>> -> memref<10000x128xf32, #tpu.memory_space<hbm>>
        tpu.enqueue_indirect_dma source(%dma_start3A_93 : memref<10000x128xf32, #tpu.memory_space<hbm>>) target(%dma_start3A_89 : memref<128x128xf32, #tpu.memory_space<vmem>>) offsets(%dma_start3A_90 : memref<128xi32, #tpu.memory_space<vmem>>) semaphore(%arg18 : memref<!tpu.dma_semaphore, #tpu.memory_space<semaphore_mem>>)
        %dma_start3A_94 = arith.constant 1 : i32
        %dma_start3A_95 = arith.constant 0 : i32
        %dma_start3A_96 = arith.constant 0 : i32
        %dma_start3A_97 = tpu.memref_slice %arg11[%dma_start3A_94, %dma_start3A_95, %dma_start3A_96] : memref<2x128x128xf32, #tpu.memory_space<vmem>> -> memref<1x128x128xf32, #tpu.memory_space<vmem>>
        %dma_start3A_98 = tpu.memref_squeeze %dma_start3A_97 : memref<1x128x128xf32, #tpu.memory_space<vmem>> -> memref<128x128xf32, #tpu.memory_space<vmem>>
        %dma_start3A_99 = tpu.memref_slice %arg8[%mul3A_85] : memref<5120xi32, #tpu.memory_space<vmem>> -> memref<128xi32, #tpu.memory_space<vmem>>
        %dma_start3A_100 = arith.constant 0 : i32
        %dma_start3A_101 = arith.constant 0 : i32
        %dma_start3A_102 = tpu.memref_slice %arg3[%dma_start3A_100, %dma_start3A_101] : memref<10000x128xf32, #tpu.memory_space<hbm>> -> memref<10000x128xf32, #tpu.memory_space<hbm>>
        tpu.enqueue_indirect_dma source(%dma_start3A_102 : memref<10000x128xf32, #tpu.memory_space<hbm>>) target(%dma_start3A_98 : memref<128x128xf32, #tpu.memory_space<vmem>>) offsets(%dma_start3A_99 : memref<128xi32, #tpu.memory_space<vmem>>) semaphore(%arg18 : memref<!tpu.dma_semaphore, #tpu.memory_space<semaphore_mem>>)
        %dma_start3A_103 = arith.constant 1 : i32
        %dma_start3A_104 = arith.constant 0 : i32
        %dma_start3A_105 = arith.constant 0 : i32
        %dma_start3A_106 = tpu.memref_slice %arg12[%dma_start3A_103, %dma_start3A_104, %dma_start3A_105] : memref<2x128x16xf32, #tpu.memory_space<vmem>> -> memref<1x128x16xf32, #tpu.memory_space<vmem>>
        %dma_start3A_107 = tpu.memref_squeeze %dma_start3A_106 : memref<1x128x16xf32, #tpu.memory_space<vmem>> -> memref<128x16xf32, #tpu.memory_space<vmem>>
        %dma_start3A_108 = tpu.memref_slice %arg8[%mul3A_85] : memref<5120xi32, #tpu.memory_space<vmem>> -> memref<128xi32, #tpu.memory_space<vmem>>
        %dma_start3A_109 = arith.constant 0 : i32
        %dma_start3A_110 = arith.constant 0 : i32
        %dma_start3A_111 = tpu.memref_slice %arg4[%dma_start3A_109, %dma_start3A_110] : memref<10000x16xf32, #tpu.memory_space<hbm>> -> memref<10000x16xf32, #tpu.memory_space<hbm>>
        tpu.enqueue_indirect_dma source(%dma_start3A_111 : memref<10000x16xf32, #tpu.memory_space<hbm>>) target(%dma_start3A_107 : memref<128x16xf32, #tpu.memory_space<vmem>>) offsets(%dma_start3A_108 : memref<128xi32, #tpu.memory_space<vmem>>) semaphore(%arg18 : memref<!tpu.dma_semaphore, #tpu.memory_space<semaphore_mem>>)
        %add3A_112 = arith.addi %add3A_8, %add3A_65 : i32
        %mul3A_113 = arith.constant 128 : i32
        %mul3A_114 = arith.muli %add3A_112, %mul3A_113 : i32
        %dma_start3A_115 = arith.constant 1 : i32
        %dma_start3A_116 = arith.constant 0 : i32
        %dma_start3A_117 = arith.constant 0 : i32
        %dma_start3A_118 = tpu.memref_slice %arg13[%dma_start3A_115, %dma_start3A_116, %dma_start3A_117] : memref<2x128x16xf32, #tpu.memory_space<vmem>> -> memref<1x128x16xf32, #tpu.memory_space<vmem>>
        %dma_start3A_119 = tpu.memref_squeeze %dma_start3A_118 : memref<1x128x16xf32, #tpu.memory_space<vmem>> -> memref<128x16xf32, #tpu.memory_space<vmem>>
        %dma_start3A_120 = arith.constant 0 : i32
        %dma_start3A_121 = tpu.memref_slice %arg6[%mul3A_114, %dma_start3A_120] : memref<160000x16xf32, #tpu.memory_space<hbm>> -> memref<128x16xf32, #tpu.memory_space<hbm>>
        %dma_start3A_122 = arith.constant 0 : i32
        %dma_start3A_123 = arith.constant 0 : i32
        %dma_start3A_124 = tpu.memref_slice %arg13[%dma_start3A_115, %dma_start3A_122, %dma_start3A_123] : memref<2x128x16xf32, #tpu.memory_space<vmem>> -> memref<1x128x16xf32, #tpu.memory_space<vmem>>
        %dma_start3A_125 = tpu.memref_squeeze %dma_start3A_124 : memref<1x128x16xf32, #tpu.memory_space<vmem>> -> memref<128x16xf32, #tpu.memory_space<vmem>>
        %dma_start3A_126 = arith.constant 0 : i32
        %dma_start3A_127 = tpu.memref_slice %arg6[%mul3A_114, %dma_start3A_126] : memref<160000x16xf32, #tpu.memory_space<hbm>> -> memref<128x16xf32, #tpu.memory_space<hbm>>
        tpu.enqueue_dma source(%dma_start3A_127 : memref<128x16xf32, #tpu.memory_space<hbm>>) target(%dma_start3A_125 : memref<128x16xf32, #tpu.memory_space<vmem>>) target_semaphore(%arg20 : memref<!tpu.dma_semaphore, #tpu.memory_space<semaphore_mem>>)
      } else {
      }
      %lt3A_70 = arith.cmpi slt, %mul3A_61, %add3A_4 : i32
      %convert_element_type3A_71 = arith.extui %lt3A_70 : i1 to i32
      %cond3A_72 = arith.constant 0 : i32
      %cond3A_73 = arith.cmpi ne, %convert_element_type3A_71, %cond3A_72 : i32
      scf.if %cond3A_73 {
        %mul3A_84 = arith.constant 128 : i32
        %mul3A_85 = arith.muli %mul3A_61, %mul3A_84 : i32
        %dma_wait3A_86 = arith.constant 0 : i32
        %dma_wait3A_87 = arith.constant 0 : i32
        %dma_wait3A_88 = arith.constant 0 : i32
        %dma_wait3A_89 = tpu.memref_slice %arg10[%dma_wait3A_86, %dma_wait3A_87, %dma_wait3A_88] : memref<2x128x128xf32, #tpu.memory_space<vmem>> -> memref<1x128x128xf32, #tpu.memory_space<vmem>>
        %dma_wait3A_90 = tpu.memref_squeeze %dma_wait3A_89 : memref<1x128x128xf32, #tpu.memory_space<vmem>> -> memref<128x128xf32, #tpu.memory_space<vmem>>
        %dma_wait3A_91 = tpu.memref_slice %arg8[%mul3A_85] : memref<5120xi32, #tpu.memory_space<vmem>> -> memref<128xi32, #tpu.memory_space<vmem>>
        %dma_wait3A_92 = arith.constant 0 : i32
        %dma_wait3A_93 = arith.constant 0 : i32
        %dma_wait3A_94 = tpu.memref_slice %arg2[%dma_wait3A_92, %dma_wait3A_93] : memref<10000x128xf32, #tpu.memory_space<hbm>> -> memref<10000x128xf32, #tpu.memory_space<hbm>>
        tpu.wait_indirect_dma semaphore(%arg17 : memref<!tpu.dma_semaphore, #tpu.memory_space<semaphore_mem>>) src(%dma_wait3A_94 : memref<10000x128xf32, #tpu.memory_space<hbm>>) dst(%dma_wait3A_90 : memref<128x128xf32, #tpu.memory_space<vmem>>)
        %dma_wait3A_95 = arith.constant 0 : i32
        %dma_wait3A_96 = arith.constant 0 : i32
        %dma_wait3A_97 = arith.constant 0 : i32
        %dma_wait3A_98 = tpu.memref_slice %arg11[%dma_wait3A_95, %dma_wait3A_96, %dma_wait3A_97] : memref<2x128x128xf32, #tpu.memory_space<vmem>> -> memref<1x128x128xf32, #tpu.memory_space<vmem>>
        %dma_wait3A_99 = tpu.memref_squeeze %dma_wait3A_98 : memref<1x128x128xf32, #tpu.memory_space<vmem>> -> memref<128x128xf32, #tpu.memory_space<vmem>>
        %dma_wait3A_100 = tpu.memref_slice %arg8[%mul3A_85] : memref<5120xi32, #tpu.memory_space<vmem>> -> memref<128xi32, #tpu.memory_space<vmem>>
        %dma_wait3A_101 = arith.constant 0 : i32
        %dma_wait3A_102 = arith.constant 0 : i32
        %dma_wait3A_103 = tpu.memref_slice %arg3[%dma_wait3A_101, %dma_wait3A_102] : memref<10000x128xf32, #tpu.memory_space<hbm>> -> memref<10000x128xf32, #tpu.memory_space<hbm>>
        tpu.wait_indirect_dma semaphore(%arg17 : memref<!tpu.dma_semaphore, #tpu.memory_space<semaphore_mem>>) src(%dma_wait3A_103 : memref<10000x128xf32, #tpu.memory_space<hbm>>) dst(%dma_wait3A_99 : memref<128x128xf32, #tpu.memory_space<vmem>>)
        %dma_wait3A_104 = arith.constant 0 : i32
        %dma_wait3A_105 = arith.constant 0 : i32
        %dma_wait3A_106 = arith.constant 0 : i32
        %dma_wait3A_107 = tpu.memref_slice %arg12[%dma_wait3A_104, %dma_wait3A_105, %dma_wait3A_106] : memref<2x128x16xf32, #tpu.memory_space<vmem>> -> memref<1x128x16xf32, #tpu.memory_space<vmem>>
        %dma_wait3A_108 = tpu.memref_squeeze %dma_wait3A_107 : memref<1x128x16xf32, #tpu.memory_space<vmem>> -> memref<128x16xf32, #tpu.memory_space<vmem>>
        %dma_wait3A_109 = tpu.memref_slice %arg8[%mul3A_85] : memref<5120xi32, #tpu.memory_space<vmem>> -> memref<128xi32, #tpu.memory_space<vmem>>
        %dma_wait3A_110 = arith.constant 0 : i32
        %dma_wait3A_111 = arith.constant 0 : i32
        %dma_wait3A_112 = tpu.memref_slice %arg4[%dma_wait3A_110, %dma_wait3A_111] : memref<10000x16xf32, #tpu.memory_space<hbm>> -> memref<10000x16xf32, #tpu.memory_space<hbm>>
        tpu.wait_indirect_dma semaphore(%arg17 : memref<!tpu.dma_semaphore, #tpu.memory_space<semaphore_mem>>) src(%dma_wait3A_112 : memref<10000x16xf32, #tpu.memory_space<hbm>>) dst(%dma_wait3A_108 : memref<128x16xf32, #tpu.memory_space<vmem>>)
        %add3A_113 = arith.addi %add3A_8, %mul3A_61 : i32
        %mul3A_114 = arith.constant 128 : i32
        %mul3A_115 = arith.muli %add3A_113, %mul3A_114 : i32
        %dma_wait3A_116 = arith.constant 0 : i32
        %dma_wait3A_117 = arith.constant 0 : i32
        %dma_wait3A_118 = arith.constant 0 : i32
        %dma_wait3A_119 = tpu.memref_slice %arg13[%dma_wait3A_116, %dma_wait3A_117, %dma_wait3A_118] : memref<2x128x16xf32, #tpu.memory_space<vmem>> -> memref<1x128x16xf32, #tpu.memory_space<vmem>>
        %dma_wait3A_120 = tpu.memref_squeeze %dma_wait3A_119 : memref<1x128x16xf32, #tpu.memory_space<vmem>> -> memref<128x16xf32, #tpu.memory_space<vmem>>
        %dma_wait3A_121 = arith.constant 0 : i32
        %dma_wait3A_122 = tpu.memref_slice %arg6[%mul3A_115, %dma_wait3A_121] : memref<160000x16xf32, #tpu.memory_space<hbm>> -> memref<128x16xf32, #tpu.memory_space<hbm>>
        %dma_wait3A_123 = arith.constant 0 : i32
        %dma_wait3A_124 = arith.constant 0 : i32
        %dma_wait3A_125 = tpu.memref_slice %arg13[%dma_wait3A_116, %dma_wait3A_123, %dma_wait3A_124] : memref<2x128x16xf32, #tpu.memory_space<vmem>> -> memref<1x128x16xf32, #tpu.memory_space<vmem>>
        %dma_wait3A_126 = tpu.memref_squeeze %dma_wait3A_125 : memref<1x128x16xf32, #tpu.memory_space<vmem>> -> memref<128x16xf32, #tpu.memory_space<vmem>>
        %dma_wait3A_127 = arith.constant 0 : i32
        %dma_wait3A_128 = tpu.memref_slice %arg6[%mul3A_115, %dma_wait3A_127] : memref<160000x16xf32, #tpu.memory_space<hbm>> -> memref<128x16xf32, #tpu.memory_space<hbm>>
        tpu.wait_dma2 semaphore(%arg19 : memref<!tpu.dma_semaphore, #tpu.memory_space<semaphore_mem>>) src(%dma_wait3A_128 : memref<128x16xf32, #tpu.memory_space<hbm>>) dst(%dma_wait3A_126 : memref<128x16xf32, #tpu.memory_space<vmem>>)
        %ge3A = arith.constant 2 : i32
        %ge3A_129 = arith.cmpi sge, %mul3A_61, %ge3A : i32
        %convert_element_type3A_130 = arith.extui %ge3A_129 : i1 to i32
        %cond3A_131 = arith.constant 0 : i32
        %cond3A_132 = arith.cmpi ne, %convert_element_type3A_130, %cond3A_131 : i32
        scf.if %cond3A_132 {
          %mul3A_149 = arith.constant 128 : i32
          %mul3A_150 = arith.muli %mul3A_61, %mul3A_149 : i32
          %dma_wait3A_151 = arith.constant 0 : i32
          %dma_wait3A_152 = arith.constant 0 : i32
          %dma_wait3A_153 = arith.constant 0 : i32
          %dma_wait3A_154 = tpu.memref_slice %arg14[%dma_wait3A_151, %dma_wait3A_152, %dma_wait3A_153] : memref<2x128x16xf32, #tpu.memory_space<vmem>> -> memref<1x128x16xf32, #tpu.memory_space<vmem>>
          %dma_wait3A_155 = tpu.memref_squeeze %dma_wait3A_154 : memref<1x128x16xf32, #tpu.memory_space<vmem>> -> memref<128x16xf32, #tpu.memory_space<vmem>>
          %dma_wait3A_156 = tpu.memref_slice %arg9[%mul3A_150] : memref<5120xi32, #tpu.memory_space<vmem>> -> memref<128xi32, #tpu.memory_space<vmem>>
          %dma_wait3A_157 = arith.constant 0 : i32
          %dma_wait3A_158 = arith.constant 0 : i32
          %dma_wait3A_159 = tpu.memref_slice %arg16[%dma_wait3A_157, %dma_wait3A_158] : memref<10000x16xf32, #tpu.memory_space<vmem_shared>> -> memref<10000x16xf32, #tpu.memory_space<vmem_shared>>
          tpu.wait_indirect_dma semaphore(%arg21 : memref<!tpu.dma_semaphore, #tpu.memory_space<semaphore_mem>>) src(%dma_wait3A_155 : memref<128x16xf32, #tpu.memory_space<vmem>>) dst(%dma_wait3A_159 : memref<10000x16xf32, #tpu.memory_space<vmem_shared>>)
        } else {
        }
        %scan3A_133 = arith.constant 0 : i32
        %scan3A_134 = arith.constant 0 : i32
        %scan3A_135 = arith.constant 128 : i32
        %scan3A_136 = arith.addi %scan3A_134, %scan3A_135 : i32
        %scan3A_137 = arith.constant 4 : i32
        scf.for %scan3A_149 = %scan3A_134 to %scan3A_136 step %scan3A_137  : i32 {
          %get3A = arith.constant 0 : i32
          %get3A_150 = arith.index_cast %get3A : i32 to index
          %get3A_151 = arith.index_cast %scan3A_149 : i32 to index
          %get3A_152 = arith.constant 0 : index
          %get3A_153 = tpu.vector_load %arg13[%get3A_150, %get3A_151, %get3A_152] {strides = array<i32>} : memref<2x128x16xf32, #tpu.memory_space<vmem>>, vector<1x1x16xf32>,
          %get3A_154 = vector.shape_cast %get3A_153 : vector<1x1x16xf32> to vector<16xf32>
          %slice3A = vector.extract_strided_slice %get3A_154 {offsets = [0], sizes = [1], strides = [1]} : vector<16xf32> to vector<1xf32>
          %squeeze3A = vector.extract %slice3A[0] : f32 from vector<1xf32>
          %get3A_155 = arith.constant 0 : i32
          %get3A_156 = arith.index_cast %get3A_155 : i32 to index
          %get3A_157 = arith.index_cast %scan3A_149 : i32 to index
          %get3A_158 = arith.constant 0 : index
          %get3A_159 = tpu.vector_load %arg10[%get3A_156, %get3A_157, %get3A_158] {strides = array<i32>} : memref<2x128x128xf32, #tpu.memory_space<vmem>>, vector<1x1x16xf32>,
          %get3A_160 = vector.shape_cast %get3A_159 : vector<1x1x16xf32> to vector<16xf32>
          %mul3A_161 = vector.broadcast %squeeze3A : f32 to vector<16xf32>
          %mul3A_162 = arith.mulf %mul3A_161, %get3A_160 : vector<16xf32>
          %slice3A_163 = vector.extract_strided_slice %get3A_154 {offsets = [1], sizes = [1], strides = [1]} : vector<16xf32> to vector<1xf32>
          %squeeze3A_164 = vector.extract %slice3A_163[0] : f32 from vector<1xf32>
          %get3A_165 = arith.constant 0 : i32
          %get3A_166 = arith.index_cast %get3A_165 : i32 to index
          %get3A_167 = arith.index_cast %scan3A_149 : i32 to index
          %get3A_168 = arith.constant 16 : index
          %get3A_169 = tpu.vector_load %arg10[%get3A_166, %get3A_167, %get3A_168] {strides = array<i32>} : memref<2x128x128xf32, #tpu.memory_space<vmem>>, vector<1x1x16xf32>,
          %get3A_170 = vector.shape_cast %get3A_169 : vector<1x1x16xf32> to vector<16xf32>
          %mul3A_171 = vector.broadcast %squeeze3A_164 : f32 to vector<16xf32>
          %mul3A_172 = arith.mulf %mul3A_171, %get3A_170 : vector<16xf32>
          %slice3A_173 = vector.extract_strided_slice %get3A_154 {offsets = [2], sizes = [1], strides = [1]} : vector<16xf32> to vector<1xf32>
          %squeeze3A_174 = vector.extract %slice3A_173[0] : f32 from vector<1xf32>
          %get3A_175 = arith.constant 0 : i32
          %get3A_176 = arith.index_cast %get3A_175 : i32 to index
          %get3A_177 = arith.index_cast %scan3A_149 : i32 to index
          %get3A_178 = arith.constant 32 : index
          %get3A_179 = tpu.vector_load %arg10[%get3A_176, %get3A_177, %get3A_178] {strides = array<i32>} : memref<2x128x128xf32, #tpu.memory_space<vmem>>, vector<1x1x16xf32>,
          %get3A_180 = vector.shape_cast %get3A_179 : vector<1x1x16xf32> to vector<16xf32>
          %mul3A_181 = vector.broadcast %squeeze3A_174 : f32 to vector<16xf32>
          %mul3A_182 = arith.mulf %mul3A_181, %get3A_180 : vector<16xf32>
          %slice3A_183 = vector.extract_strided_slice %get3A_154 {offsets = [3], sizes = [1], strides = [1]} : vector<16xf32> to vector<1xf32>
          %squeeze3A_184 = vector.extract %slice3A_183[0] : f32 from vector<1xf32>
          %get3A_185 = arith.constant 0 : i32
          %get3A_186 = arith.index_cast %get3A_185 : i32 to index
          %get3A_187 = arith.index_cast %scan3A_149 : i32 to index
          %get3A_188 = arith.constant 48 : index
          %get3A_189 = tpu.vector_load %arg10[%get3A_186, %get3A_187, %get3A_188] {strides = array<i32>} : memref<2x128x128xf32, #tpu.memory_space<vmem>>, vector<1x1x16xf32>,
          %get3A_190 = vector.shape_cast %get3A_189 : vector<1x1x16xf32> to vector<16xf32>
          %mul3A_191 = vector.broadcast %squeeze3A_184 : f32 to vector<16xf32>
          %mul3A_192 = arith.mulf %mul3A_191, %get3A_190 : vector<16xf32>
          %slice3A_193 = vector.extract_strided_slice %get3A_154 {offsets = [4], sizes = [1], strides = [1]} : vector<16xf32> to vector<1xf32>
          %squeeze3A_194 = vector.extract %slice3A_193[0] : f32 from vector<1xf32>
          %get3A_195 = arith.constant 0 : i32
          %get3A_196 = arith.index_cast %get3A_195 : i32 to index
          %get3A_197 = arith.index_cast %scan3A_149 : i32 to index
          %get3A_198 = arith.constant 64 : index
          %get3A_199 = tpu.vector_load %arg10[%get3A_196, %get3A_197, %get3A_198] {strides = array<i32>} : memref<2x128x128xf32, #tpu.memory_space<vmem>>, vector<1x1x16xf32>,
          %get3A_200 = vector.shape_cast %get3A_199 : vector<1x1x16xf32> to vector<16xf32>
          %mul3A_201 = vector.broadcast %squeeze3A_194 : f32 to vector<16xf32>
          %mul3A_202 = arith.mulf %mul3A_201, %get3A_200 : vector<16xf32>
          %slice3A_203 = vector.extract_strided_slice %get3A_154 {offsets = [5], sizes = [1], strides = [1]} : vector<16xf32> to vector<1xf32>
          %squeeze3A_204 = vector.extract %slice3A_203[0] : f32 from vector<1xf32>
          %get3A_205 = arith.constant 0 : i32
          %get3A_206 = arith.index_cast %get3A_205 : i32 to index
          %get3A_207 = arith.index_cast %scan3A_149 : i32 to index
          %get3A_208 = arith.constant 80 : index
          %get3A_209 = tpu.vector_load %arg10[%get3A_206, %get3A_207, %get3A_208] {strides = array<i32>} : memref<2x128x128xf32, #tpu.memory_space<vmem>>, vector<1x1x16xf32>,
          %get3A_210 = vector.shape_cast %get3A_209 : vector<1x1x16xf32> to vector<16xf32>
          %mul3A_211 = vector.broadcast %squeeze3A_204 : f32 to vector<16xf32>
          %mul3A_212 = arith.mulf %mul3A_211, %get3A_210 : vector<16xf32>
          %slice3A_213 = vector.extract_strided_slice %get3A_154 {offsets = [6], sizes = [1], strides = [1]} : vector<16xf32> to vector<1xf32>
          %squeeze3A_214 = vector.extract %slice3A_213[0] : f32 from vector<1xf32>
          %get3A_215 = arith.constant 0 : i32
          %get3A_216 = arith.index_cast %get3A_215 : i32 to index
          %get3A_217 = arith.index_cast %scan3A_149 : i32 to index
          %get3A_218 = arith.constant 96 : index
          %get3A_219 = tpu.vector_load %arg10[%get3A_216, %get3A_217, %get3A_218] {strides = array<i32>} : memref<2x128x128xf32, #tpu.memory_space<vmem>>, vector<1x1x16xf32>,
          %get3A_220 = vector.shape_cast %get3A_219 : vector<1x1x16xf32> to vector<16xf32>
          %mul3A_221 = vector.broadcast %squeeze3A_214 : f32 to vector<16xf32>
          %mul3A_222 = arith.mulf %mul3A_221, %get3A_220 : vector<16xf32>
          %slice3A_223 = vector.extract_strided_slice %get3A_154 {offsets = [7], sizes = [1], strides = [1]} : vector<16xf32> to vector<1xf32>
          %squeeze3A_224 = vector.extract %slice3A_223[0] : f32 from vector<1xf32>
          %get3A_225 = arith.constant 0 : i32
          %get3A_226 = arith.index_cast %get3A_225 : i32 to index
          %get3A_227 = arith.index_cast %scan3A_149 : i32 to index
          %get3A_228 = arith.constant 112 : index
          %get3A_229 = tpu.vector_load %arg10[%get3A_226, %get3A_227, %get3A_228] {strides = array<i32>} : memref<2x128x128xf32, #tpu.memory_space<vmem>>, vector<1x1x16xf32>,
          %get3A_230 = vector.shape_cast %get3A_229 : vector<1x1x16xf32> to vector<16xf32>
          %mul3A_231 = vector.broadcast %squeeze3A_224 : f32 to vector<16xf32>
          %mul3A_232 = arith.mulf %mul3A_231, %get3A_230 : vector<16xf32>
          %slice3A_233 = vector.extract_strided_slice %get3A_154 {offsets = [8], sizes = [1], strides = [1]} : vector<16xf32> to vector<1xf32>
          %squeeze3A_234 = vector.extract %slice3A_233[0] : f32 from vector<1xf32>
          %get3A_235 = arith.constant 0 : i32
          %get3A_236 = arith.index_cast %get3A_235 : i32 to index
          %get3A_237 = arith.index_cast %scan3A_149 : i32 to index
          %get3A_238 = arith.constant 0 : index
          %get3A_239 = tpu.vector_load %arg11[%get3A_236, %get3A_237, %get3A_238] {strides = array<i32>} : memref<2x128x128xf32, #tpu.memory_space<vmem>>, vector<1x1x16xf32>,
          %get3A_240 = vector.shape_cast %get3A_239 : vector<1x1x16xf32> to vector<16xf32>
          %mul3A_241 = vector.broadcast %squeeze3A_234 : f32 to vector<16xf32>
          %mul3A_242 = arith.mulf %mul3A_241, %get3A_240 : vector<16xf32>
          %slice3A_243 = vector.extract_strided_slice %get3A_154 {offsets = [9], sizes = [1], strides = [1]} : vector<16xf32> to vector<1xf32>
          %squeeze3A_244 = vector.extract %slice3A_243[0] : f32 from vector<1xf32>
          %get3A_245 = arith.constant 0 : i32
          %get3A_246 = arith.index_cast %get3A_245 : i32 to index
          %get3A_247 = arith.index_cast %scan3A_149 : i32 to index
          %get3A_248 = arith.constant 16 : index
          %get3A_249 = tpu.vector_load %arg11[%get3A_246, %get3A_247, %get3A_248] {strides = array<i32>} : memref<2x128x128xf32, #tpu.memory_space<vmem>>, vector<1x1x16xf32>,
          %get3A_250 = vector.shape_cast %get3A_249 : vector<1x1x16xf32> to vector<16xf32>
          %mul3A_251 = vector.broadcast %squeeze3A_244 : f32 to vector<16xf32>
          %mul3A_252 = arith.mulf %mul3A_251, %get3A_250 : vector<16xf32>
          %slice3A_253 = vector.extract_strided_slice %get3A_154 {offsets = [10], sizes = [1], strides = [1]} : vector<16xf32> to vector<1xf32>
          %squeeze3A_254 = vector.extract %slice3A_253[0] : f32 from vector<1xf32>
          %get3A_255 = arith.constant 0 : i32
          %get3A_256 = arith.index_cast %get3A_255 : i32 to index
          %get3A_257 = arith.index_cast %scan3A_149 : i32 to index
          %get3A_258 = arith.constant 32 : index
          %get3A_259 = tpu.vector_load %arg11[%get3A_256, %get3A_257, %get3A_258] {strides = array<i32>} : memref<2x128x128xf32, #tpu.memory_space<vmem>>, vector<1x1x16xf32>,
          %get3A_260 = vector.shape_cast %get3A_259 : vector<1x1x16xf32> to vector<16xf32>
          %mul3A_261 = vector.broadcast %squeeze3A_254 : f32 to vector<16xf32>
          %mul3A_262 = arith.mulf %mul3A_261, %get3A_260 : vector<16xf32>
          %slice3A_263 = vector.extract_strided_slice %get3A_154 {offsets = [11], sizes = [1], strides = [1]} : vector<16xf32> to vector<1xf32>
          %squeeze3A_264 = vector.extract %slice3A_263[0] : f32 from vector<1xf32>
          %get3A_265 = arith.constant 0 : i32
          %get3A_266 = arith.index_cast %get3A_265 : i32 to index
          %get3A_267 = arith.index_cast %scan3A_149 : i32 to index
          %get3A_268 = arith.constant 48 : index
          %get3A_269 = tpu.vector_load %arg11[%get3A_266, %get3A_267, %get3A_268] {strides = array<i32>} : memref<2x128x128xf32, #tpu.memory_space<vmem>>, vector<1x1x16xf32>,
          %get3A_270 = vector.shape_cast %get3A_269 : vector<1x1x16xf32> to vector<16xf32>
          %mul3A_271 = vector.broadcast %squeeze3A_264 : f32 to vector<16xf32>
          %mul3A_272 = arith.mulf %mul3A_271, %get3A_270 : vector<16xf32>
          %slice3A_273 = vector.extract_strided_slice %get3A_154 {offsets = [12], sizes = [1], strides = [1]} : vector<16xf32> to vector<1xf32>
          %squeeze3A_274 = vector.extract %slice3A_273[0] : f32 from vector<1xf32>
          %get3A_275 = arith.constant 0 : i32
          %get3A_276 = arith.index_cast %get3A_275 : i32 to index
          %get3A_277 = arith.index_cast %scan3A_149 : i32 to index
          %get3A_278 = arith.constant 64 : index
          %get3A_279 = tpu.vector_load %arg11[%get3A_276, %get3A_277, %get3A_278] {strides = array<i32>} : memref<2x128x128xf32, #tpu.memory_space<vmem>>, vector<1x1x16xf32>,
          %get3A_280 = vector.shape_cast %get3A_279 : vector<1x1x16xf32> to vector<16xf32>
          %mul3A_281 = vector.broadcast %squeeze3A_274 : f32 to vector<16xf32>
          %mul3A_282 = arith.mulf %mul3A_281, %get3A_280 : vector<16xf32>
          %slice3A_283 = vector.extract_strided_slice %get3A_154 {offsets = [13], sizes = [1], strides = [1]} : vector<16xf32> to vector<1xf32>
          %squeeze3A_284 = vector.extract %slice3A_283[0] : f32 from vector<1xf32>
          %get3A_285 = arith.constant 0 : i32
          %get3A_286 = arith.index_cast %get3A_285 : i32 to index
          %get3A_287 = arith.index_cast %scan3A_149 : i32 to index
          %get3A_288 = arith.constant 80 : index
          %get3A_289 = tpu.vector_load %arg11[%get3A_286, %get3A_287, %get3A_288] {strides = array<i32>} : memref<2x128x128xf32, #tpu.memory_space<vmem>>, vector<1x1x16xf32>,
          %get3A_290 = vector.shape_cast %get3A_289 : vector<1x1x16xf32> to vector<16xf32>
          %mul3A_291 = vector.broadcast %squeeze3A_284 : f32 to vector<16xf32>
          %mul3A_292 = arith.mulf %mul3A_291, %get3A_290 : vector<16xf32>
          %slice3A_293 = vector.extract_strided_slice %get3A_154 {offsets = [14], sizes = [1], strides = [1]} : vector<16xf32> to vector<1xf32>
          %squeeze3A_294 = vector.extract %slice3A_293[0] : f32 from vector<1xf32>
          %get3A_295 = arith.constant 0 : i32
          %get3A_296 = arith.index_cast %get3A_295 : i32 to index
          %get3A_297 = arith.index_cast %scan3A_149 : i32 to index
          %get3A_298 = arith.constant 96 : index
          %get3A_299 = tpu.vector_load %arg11[%get3A_296, %get3A_297, %get3A_298] {strides = array<i32>} : memref<2x128x128xf32, #tpu.memory_space<vmem>>, vector<1x1x16xf32>,
          %get3A_300 = vector.shape_cast %get3A_299 : vector<1x1x16xf32> to vector<16xf32>
          %mul3A_301 = vector.broadcast %squeeze3A_294 : f32 to vector<16xf32>
          %mul3A_302 = arith.mulf %mul3A_301, %get3A_300 : vector<16xf32>
          %slice3A_303 = vector.extract_strided_slice %get3A_154 {offsets = [15], sizes = [1], strides = [1]} : vector<16xf32> to vector<1xf32>
          %squeeze3A_304 = vector.extract %slice3A_303[0] : f32 from vector<1xf32>
          %get3A_305 = arith.constant 0 : i32
          %get3A_306 = arith.index_cast %get3A_305 : i32 to index
          %get3A_307 = arith.index_cast %scan3A_149 : i32 to index
          %get3A_308 = arith.constant 112 : index
          %get3A_309 = tpu.vector_load %arg11[%get3A_306, %get3A_307, %get3A_308] {strides = array<i32>} : memref<2x128x128xf32, #tpu.memory_space<vmem>>, vector<1x1x16xf32>,
          %get3A_310 = vector.shape_cast %get3A_309 : vector<1x1x16xf32> to vector<16xf32>
          %mul3A_311 = vector.broadcast %squeeze3A_304 : f32 to vector<16xf32>
          %mul3A_312 = arith.mulf %mul3A_311, %get3A_310 : vector<16xf32>
          %get3A_313 = arith.constant 0 : i32
          %get3A_314 = arith.index_cast %get3A_313 : i32 to index
          %get3A_315 = arith.index_cast %scan3A_149 : i32 to index
          %get3A_316 = arith.constant 0 : index
          %get3A_317 = tpu.vector_load %arg12[%get3A_314, %get3A_315, %get3A_316] {strides = array<i32>} : memref<2x128x16xf32, #tpu.memory_space<vmem>>, vector<1x1x16xf32>,
          %get3A_318 = vector.shape_cast %get3A_317 : vector<1x1x16xf32> to vector<16xf32>
          %add3A_319 = arith.addf %mul3A_162, %mul3A_172 : vector<16xf32>
          %add3A_320 = arith.addf %mul3A_182, %mul3A_192 : vector<16xf32>
          %add3A_321 = arith.addf %mul3A_202, %mul3A_212 : vector<16xf32>
          %add3A_322 = arith.addf %mul3A_222, %mul3A_232 : vector<16xf32>
          %add3A_323 = arith.addf %mul3A_242, %mul3A_252 : vector<16xf32>
          %add3A_324 = arith.addf %mul3A_262, %mul3A_272 : vector<16xf32>
          %add3A_325 = arith.addf %mul3A_282, %mul3A_292 : vector<16xf32>
          %add3A_326 = arith.addf %mul3A_302, %mul3A_312 : vector<16xf32>
          %add3A_327 = arith.addf %add3A_319, %add3A_320 : vector<16xf32>
          %add3A_328 = arith.addf %add3A_321, %add3A_322 : vector<16xf32>
          %add3A_329 = arith.addf %add3A_323, %add3A_324 : vector<16xf32>
          %add3A_330 = arith.addf %add3A_325, %add3A_326 : vector<16xf32>
          %add3A_331 = arith.addf %add3A_327, %add3A_328 : vector<16xf32>
          %add3A_332 = arith.addf %add3A_329, %add3A_330 : vector<16xf32>
          %add3A_333 = arith.addf %add3A_331, %add3A_332 : vector<16xf32>
          %add3A_334 = arith.addf %add3A_333, %get3A_318 : vector<16xf32>
          %swap3A = arith.constant 0 : i32
          %swap3A_335 = arith.index_cast %swap3A : i32 to index
          %swap3A_336 = arith.index_cast %scan3A_149 : i32 to index
          %swap3A_337 = arith.constant 0 : index
          %swap3A_338 = tpu.vector_load %arg14[%swap3A_335, %swap3A_336, %swap3A_337] {strides = array<i32>} : memref<2x128x16xf32, #tpu.memory_space<vmem>>, vector<1x1x16xf32>,
          %swap3A_339 = vector.shape_cast %swap3A_338 : vector<1x1x16xf32> to vector<16xf32>
          %swap3A_340 = vector.shape_cast %add3A_334 : vector<16xf32> to vector<1x1x16xf32>
          tpu.vector_store %arg14[%swap3A_335, %swap3A_336, %swap3A_337], %swap3A_340 {strides = array<i32>} : memref<2x128x16xf32, #tpu.memory_space<vmem>>, vector<1x1x16xf32>,
          %scan3A_341 = arith.constant 1 : i32
          %scan3A_342 = arith.addi %scan3A_149, %scan3A_341 : i32
          %get3A_343 = arith.constant 0 : i32
          %get3A_344 = arith.index_cast %get3A_343 : i32 to index
          %get3A_345 = arith.index_cast %scan3A_342 : i32 to index
          %get3A_346 = arith.constant 0 : index
          %get3A_347 = tpu.vector_load %arg13[%get3A_344, %get3A_345, %get3A_346] {strides = array<i32>} : memref<2x128x16xf32, #tpu.memory_space<vmem>>, vector<1x1x16xf32>,
          %get3A_348 = vector.shape_cast %get3A_347 : vector<1x1x16xf32> to vector<16xf32>
          %slice3A_349 = vector.extract_strided_slice %get3A_348 {offsets = [0], sizes = [1], strides = [1]} : vector<16xf32> to vector<1xf32>
          %squeeze3A_350 = vector.extract %slice3A_349[0] : f32 from vector<1xf32>
          %get3A_351 = arith.constant 0 : i32
          %get3A_352 = arith.index_cast %get3A_351 : i32 to index
          %get3A_353 = arith.index_cast %scan3A_342 : i32 to index
          %get3A_354 = arith.constant 0 : index
          %get3A_355 = tpu.vector_load %arg10[%get3A_352, %get3A_353, %get3A_354] {strides = array<i32>} : memref<2x128x128xf32, #tpu.memory_space<vmem>>, vector<1x1x16xf32>,
          %get3A_356 = vector.shape_cast %get3A_355 : vector<1x1x16xf32> to vector<16xf32>
          %mul3A_357 = vector.broadcast %squeeze3A_350 : f32 to vector<16xf32>
          %mul3A_358 = arith.mulf %mul3A_357, %get3A_356 : vector<16xf32>
          %slice3A_359 = vector.extract_strided_slice %get3A_348 {offsets = [1], sizes = [1], strides = [1]} : vector<16xf32> to vector<1xf32>
          %squeeze3A_360 = vector.extract %slice3A_359[0] : f32 from vector<1xf32>
          %get3A_361 = arith.constant 0 : i32
          %get3A_362 = arith.index_cast %get3A_361 : i32 to index
          %get3A_363 = arith.index_cast %scan3A_342 : i32 to index
          %get3A_364 = arith.constant 16 : index
          %get3A_365 = tpu.vector_load %arg10[%get3A_362, %get3A_363, %get3A_364] {strides = array<i32>} : memref<2x128x128xf32, #tpu.memory_space<vmem>>, vector<1x1x16xf32>,
          %get3A_366 = vector.shape_cast %get3A_365 : vector<1x1x16xf32> to vector<16xf32>
          %mul3A_367 = vector.broadcast %squeeze3A_360 : f32 to vector<16xf32>
          %mul3A_368 = arith.mulf %mul3A_367, %get3A_366 : vector<16xf32>
          %slice3A_369 = vector.extract_strided_slice %get3A_348 {offsets = [2], sizes = [1], strides = [1]} : vector<16xf32> to vector<1xf32>
          %squeeze3A_370 = vector.extract %slice3A_369[0] : f32 from vector<1xf32>
          %get3A_371 = arith.constant 0 : i32
          %get3A_372 = arith.index_cast %get3A_371 : i32 to index
          %get3A_373 = arith.index_cast %scan3A_342 : i32 to index
          %get3A_374 = arith.constant 32 : index
          %get3A_375 = tpu.vector_load %arg10[%get3A_372, %get3A_373, %get3A_374] {strides = array<i32>} : memref<2x128x128xf32, #tpu.memory_space<vmem>>, vector<1x1x16xf32>,
          %get3A_376 = vector.shape_cast %get3A_375 : vector<1x1x16xf32> to vector<16xf32>
          %mul3A_377 = vector.broadcast %squeeze3A_370 : f32 to vector<16xf32>
          %mul3A_378 = arith.mulf %mul3A_377, %get3A_376 : vector<16xf32>
          %slice3A_379 = vector.extract_strided_slice %get3A_348 {offsets = [3], sizes = [1], strides = [1]} : vector<16xf32> to vector<1xf32>
          %squeeze3A_380 = vector.extract %slice3A_379[0] : f32 from vector<1xf32>
          %get3A_381 = arith.constant 0 : i32
          %get3A_382 = arith.index_cast %get3A_381 : i32 to index
          %get3A_383 = arith.index_cast %scan3A_342 : i32 to index
          %get3A_384 = arith.constant 48 : index
          %get3A_385 = tpu.vector_load %arg10[%get3A_382, %get3A_383, %get3A_384] {strides = array<i32>} : memref<2x128x128xf32, #tpu.memory_space<vmem>>, vector<1x1x16xf32>,
          %get3A_386 = vector.shape_cast %get3A_385 : vector<1x1x16xf32> to vector<16xf32>
          %mul3A_387 = vector.broadcast %squeeze3A_380 : f32 to vector<16xf32>
          %mul3A_388 = arith.mulf %mul3A_387, %get3A_386 : vector<16xf32>
          %slice3A_389 = vector.extract_strided_slice %get3A_348 {offsets = [4], sizes = [1], strides = [1]} : vector<16xf32> to vector<1xf32>
          %squeeze3A_390 = vector.extract %slice3A_389[0] : f32 from vector<1xf32>
          %get3A_391 = arith.constant 0 : i32
          %get3A_392 = arith.index_cast %get3A_391 : i32 to index
          %get3A_393 = arith.index_cast %scan3A_342 : i32 to index
          %get3A_394 = arith.constant 64 : index
          %get3A_395 = tpu.vector_load %arg10[%get3A_392, %get3A_393, %get3A_394] {strides = array<i32>} : memref<2x128x128xf32, #tpu.memory_space<vmem>>, vector<1x1x16xf32>,
          %get3A_396 = vector.shape_cast %get3A_395 : vector<1x1x16xf32> to vector<16xf32>
          %mul3A_397 = vector.broadcast %squeeze3A_390 : f32 to vector<16xf32>
          %mul3A_398 = arith.mulf %mul3A_397, %get3A_396 : vector<16xf32>
          %slice3A_399 = vector.extract_strided_slice %get3A_348 {offsets = [5], sizes = [1], strides = [1]} : vector<16xf32> to vector<1xf32>
          %squeeze3A_400 = vector.extract %slice3A_399[0] : f32 from vector<1xf32>
          %get3A_401 = arith.constant 0 : i32
          %get3A_402 = arith.index_cast %get3A_401 : i32 to index
          %get3A_403 = arith.index_cast %scan3A_342 : i32 to index
          %get3A_404 = arith.constant 80 : index
          %get3A_405 = tpu.vector_load %arg10[%get3A_402, %get3A_403, %get3A_404] {strides = array<i32>} : memref<2x128x128xf32, #tpu.memory_space<vmem>>, vector<1x1x16xf32>,
          %get3A_406 = vector.shape_cast %get3A_405 : vector<1x1x16xf32> to vector<16xf32>
          %mul3A_407 = vector.broadcast %squeeze3A_400 : f32 to vector<16xf32>
          %mul3A_408 = arith.mulf %mul3A_407, %get3A_406 : vector<16xf32>
          %slice3A_409 = vector.extract_strided_slice %get3A_348 {offsets = [6], sizes = [1], strides = [1]} : vector<16xf32> to vector<1xf32>
          %squeeze3A_410 = vector.extract %slice3A_409[0] : f32 from vector<1xf32>
          %get3A_411 = arith.constant 0 : i32
          %get3A_412 = arith.index_cast %get3A_411 : i32 to index
          %get3A_413 = arith.index_cast %scan3A_342 : i32 to index
          %get3A_414 = arith.constant 96 : index
          %get3A_415 = tpu.vector_load %arg10[%get3A_412, %get3A_413, %get3A_414] {strides = array<i32>} : memref<2x128x128xf32, #tpu.memory_space<vmem>>, vector<1x1x16xf32>,
          %get3A_416 = vector.shape_cast %get3A_415 : vector<1x1x16xf32> to vector<16xf32>
          %mul3A_417 = vector.broadcast %squeeze3A_410 : f32 to vector<16xf32>
          %mul3A_418 = arith.mulf %mul3A_417, %get3A_416 : vector<16xf32>
          %slice3A_419 = vector.extract_strided_slice %get3A_348 {offsets = [7], sizes = [1], strides = [1]} : vector<16xf32> to vector<1xf32>
          %squeeze3A_420 = vector.extract %slice3A_419[0] : f32 from vector<1xf32>
          %get3A_421 = arith.constant 0 : i32
          %get3A_422 = arith.index_cast %get3A_421 : i32 to index
          %get3A_423 = arith.index_cast %scan3A_342 : i32 to index
          %get3A_424 = arith.constant 112 : index
          %get3A_425 = tpu.vector_load %arg10[%get3A_422, %get3A_423, %get3A_424] {strides = array<i32>} : memref<2x128x128xf32, #tpu.memory_space<vmem>>, vector<1x1x16xf32>,
          %get3A_426 = vector.shape_cast %get3A_425 : vector<1x1x16xf32> to vector<16xf32>
          %mul3A_427 = vector.broadcast %squeeze3A_420 : f32 to vector<16xf32>
          %mul3A_428 = arith.mulf %mul3A_427, %get3A_426 : vector<16xf32>
          %slice3A_429 = vector.extract_strided_slice %get3A_348 {offsets = [8], sizes = [1], strides = [1]} : vector<16xf32> to vector<1xf32>
          %squeeze3A_430 = vector.extract %slice3A_429[0] : f32 from vector<1xf32>
          %get3A_431 = arith.constant 0 : i32
          %get3A_432 = arith.index_cast %get3A_431 : i32 to index
          %get3A_433 = arith.index_cast %scan3A_342 : i32 to index
          %get3A_434 = arith.constant 0 : index
          %get3A_435 = tpu.vector_load %arg11[%get3A_432, %get3A_433, %get3A_434] {strides = array<i32>} : memref<2x128x128xf32, #tpu.memory_space<vmem>>, vector<1x1x16xf32>,
          %get3A_436 = vector.shape_cast %get3A_435 : vector<1x1x16xf32> to vector<16xf32>
          %mul3A_437 = vector.broadcast %squeeze3A_430 : f32 to vector<16xf32>
          %mul3A_438 = arith.mulf %mul3A_437, %get3A_436 : vector<16xf32>
          %slice3A_439 = vector.extract_strided_slice %get3A_348 {offsets = [9], sizes = [1], strides = [1]} : vector<16xf32> to vector<1xf32>
          %squeeze3A_440 = vector.extract %slice3A_439[0] : f32 from vector<1xf32>
          %get3A_441 = arith.constant 0 : i32
          %get3A_442 = arith.index_cast %get3A_441 : i32 to index
          %get3A_443 = arith.index_cast %scan3A_342 : i32 to index
          %get3A_444 = arith.constant 16 : index
          %get3A_445 = tpu.vector_load %arg11[%get3A_442, %get3A_443, %get3A_444] {strides = array<i32>} : memref<2x128x128xf32, #tpu.memory_space<vmem>>, vector<1x1x16xf32>,
          %get3A_446 = vector.shape_cast %get3A_445 : vector<1x1x16xf32> to vector<16xf32>
          %mul3A_447 = vector.broadcast %squeeze3A_440 : f32 to vector<16xf32>
          %mul3A_448 = arith.mulf %mul3A_447, %get3A_446 : vector<16xf32>
          %slice3A_449 = vector.extract_strided_slice %get3A_348 {offsets = [10], sizes = [1], strides = [1]} : vector<16xf32> to vector<1xf32>
          %squeeze3A_450 = vector.extract %slice3A_449[0] : f32 from vector<1xf32>
          %get3A_451 = arith.constant 0 : i32
          %get3A_452 = arith.index_cast %get3A_451 : i32 to index
          %get3A_453 = arith.index_cast %scan3A_342 : i32 to index
          %get3A_454 = arith.constant 32 : index
          %get3A_455 = tpu.vector_load %arg11[%get3A_452, %get3A_453, %get3A_454] {strides = array<i32>} : memref<2x128x128xf32, #tpu.memory_space<vmem>>, vector<1x1x16xf32>,
          %get3A_456 = vector.shape_cast %get3A_455 : vector<1x1x16xf32> to vector<16xf32>
          %mul3A_457 = vector.broadcast %squeeze3A_450 : f32 to vector<16xf32>
          %mul3A_458 = arith.mulf %mul3A_457, %get3A_456 : vector<16xf32>
          %slice3A_459 = vector.extract_strided_slice %get3A_348 {offsets = [11], sizes = [1], strides = [1]} : vector<16xf32> to vector<1xf32>
          %squeeze3A_460 = vector.extract %slice3A_459[0] : f32 from vector<1xf32>
          %get3A_461 = arith.constant 0 : i32
          %get3A_462 = arith.index_cast %get3A_461 : i32 to index
          %get3A_463 = arith.index_cast %scan3A_342 : i32 to index
          %get3A_464 = arith.constant 48 : index
          %get3A_465 = tpu.vector_load %arg11[%get3A_462, %get3A_463, %get3A_464] {strides = array<i32>} : memref<2x128x128xf32, #tpu.memory_space<vmem>>, vector<1x1x16xf32>,
          %get3A_466 = vector.shape_cast %get3A_465 : vector<1x1x16xf32> to vector<16xf32>
          %mul3A_467 = vector.broadcast %squeeze3A_460 : f32 to vector<16xf32>
          %mul3A_468 = arith.mulf %mul3A_467, %get3A_466 : vector<16xf32>
          %slice3A_469 = vector.extract_strided_slice %get3A_348 {offsets = [12], sizes = [1], strides = [1]} : vector<16xf32> to vector<1xf32>
          %squeeze3A_470 = vector.extract %slice3A_469[0] : f32 from vector<1xf32>
          %get3A_471 = arith.constant 0 : i32
          %get3A_472 = arith.index_cast %get3A_471 : i32 to index
          %get3A_473 = arith.index_cast %scan3A_342 : i32 to index
          %get3A_474 = arith.constant 64 : index
          %get3A_475 = tpu.vector_load %arg11[%get3A_472, %get3A_473, %get3A_474] {strides = array<i32>} : memref<2x128x128xf32, #tpu.memory_space<vmem>>, vector<1x1x16xf32>,
          %get3A_476 = vector.shape_cast %get3A_475 : vector<1x1x16xf32> to vector<16xf32>
          %mul3A_477 = vector.broadcast %squeeze3A_470 : f32 to vector<16xf32>
          %mul3A_478 = arith.mulf %mul3A_477, %get3A_476 : vector<16xf32>
          %slice3A_479 = vector.extract_strided_slice %get3A_348 {offsets = [13], sizes = [1], strides = [1]} : vector<16xf32> to vector<1xf32>
          %squeeze3A_480 = vector.extract %slice3A_479[0] : f32 from vector<1xf32>
          %get3A_481 = arith.constant 0 : i32
          %get3A_482 = arith.index_cast %get3A_481 : i32 to index
          %get3A_483 = arith.index_cast %scan3A_342 : i32 to index
          %get3A_484 = arith.constant 80 : index
          %get3A_485 = tpu.vector_load %arg11[%get3A_482, %get3A_483, %get3A_484] {strides = array<i32>} : memref<2x128x128xf32, #tpu.memory_space<vmem>>, vector<1x1x16xf32>,
          %get3A_486 = vector.shape_cast %get3A_485 : vector<1x1x16xf32> to vector<16xf32>
          %mul3A_487 = vector.broadcast %squeeze3A_480 : f32 to vector<16xf32>
          %mul3A_488 = arith.mulf %mul3A_487, %get3A_486 : vector<16xf32>
          %slice3A_489 = vector.extract_strided_slice %get3A_348 {offsets = [14], sizes = [1], strides = [1]} : vector<16xf32> to vector<1xf32>
          %squeeze3A_490 = vector.extract %slice3A_489[0] : f32 from vector<1xf32>
          %get3A_491 = arith.constant 0 : i32
          %get3A_492 = arith.index_cast %get3A_491 : i32 to index
          %get3A_493 = arith.index_cast %scan3A_342 : i32 to index
          %get3A_494 = arith.constant 96 : index
          %get3A_495 = tpu.vector_load %arg11[%get3A_492, %get3A_493, %get3A_494] {strides = array<i32>} : memref<2x128x128xf32, #tpu.memory_space<vmem>>, vector<1x1x16xf32>,
          %get3A_496 = vector.shape_cast %get3A_495 : vector<1x1x16xf32> to vector<16xf32>
          %mul3A_497 = vector.broadcast %squeeze3A_490 : f32 to vector<16xf32>
          %mul3A_498 = arith.mulf %mul3A_497, %get3A_496 : vector<16xf32>
          %slice3A_499 = vector.extract_strided_slice %get3A_348 {offsets = [15], sizes = [1], strides = [1]} : vector<16xf32> to vector<1xf32>
          %squeeze3A_500 = vector.extract %slice3A_499[0] : f32 from vector<1xf32>
          %get3A_501 = arith.constant 0 : i32
          %get3A_502 = arith.index_cast %get3A_501 : i32 to index
          %get3A_503 = arith.index_cast %scan3A_342 : i32 to index
          %get3A_504 = arith.constant 112 : index
          %get3A_505 = tpu.vector_load %arg11[%get3A_502, %get3A_503, %get3A_504] {strides = array<i32>} : memref<2x128x128xf32, #tpu.memory_space<vmem>>, vector<1x1x16xf32>,
          %get3A_506 = vector.shape_cast %get3A_505 : vector<1x1x16xf32> to vector<16xf32>
          %mul3A_507 = vector.broadcast %squeeze3A_500 : f32 to vector<16xf32>
          %mul3A_508 = arith.mulf %mul3A_507, %get3A_506 : vector<16xf32>
          %get3A_509 = arith.constant 0 : i32
          %get3A_510 = arith.index_cast %get3A_509 : i32 to index
          %get3A_511 = arith.index_cast %scan3A_342 : i32 to index
          %get3A_512 = arith.constant 0 : index
          %get3A_513 = tpu.vector_load %arg12[%get3A_510, %get3A_511, %get3A_512] {strides = array<i32>} : memref<2x128x16xf32, #tpu.memory_space<vmem>>, vector<1x1x16xf32>,
          %get3A_514 = vector.shape_cast %get3A_513 : vector<1x1x16xf32> to vector<16xf32>
          %add3A_515 = arith.addf %mul3A_358, %mul3A_368 : vector<16xf32>
          %add3A_516 = arith.addf %mul3A_378, %mul3A_388 : vector<16xf32>
          %add3A_517 = arith.addf %mul3A_398, %mul3A_408 : vector<16xf32>
          %add3A_518 = arith.addf %mul3A_418, %mul3A_428 : vector<16xf32>
          %add3A_519 = arith.addf %mul3A_438, %mul3A_448 : vector<16xf32>
          %add3A_520 = arith.addf %mul3A_458, %mul3A_468 : vector<16xf32>
          %add3A_521 = arith.addf %mul3A_478, %mul3A_488 : vector<16xf32>
          %add3A_522 = arith.addf %mul3A_498, %mul3A_508 : vector<16xf32>
          %add3A_523 = arith.addf %add3A_515, %add3A_516 : vector<16xf32>
          %add3A_524 = arith.addf %add3A_517, %add3A_518 : vector<16xf32>
          %add3A_525 = arith.addf %add3A_519, %add3A_520 : vector<16xf32>
          %add3A_526 = arith.addf %add3A_521, %add3A_522 : vector<16xf32>
          %add3A_527 = arith.addf %add3A_523, %add3A_524 : vector<16xf32>
          %add3A_528 = arith.addf %add3A_525, %add3A_526 : vector<16xf32>
          %add3A_529 = arith.addf %add3A_527, %add3A_528 : vector<16xf32>
          %add3A_530 = arith.addf %add3A_529, %get3A_514 : vector<16xf32>
          %swap3A_531 = arith.constant 0 : i32
          %swap3A_532 = arith.index_cast %swap3A_531 : i32 to index
          %swap3A_533 = arith.index_cast %scan3A_342 : i32 to index
          %swap3A_534 = arith.constant 0 : index
          %swap3A_535 = tpu.vector_load %arg14[%swap3A_532, %swap3A_533, %swap3A_534] {strides = array<i32>} : memref<2x128x16xf32, #tpu.memory_space<vmem>>, vector<1x1x16xf32>,
          %swap3A_536 = vector.shape_cast %swap3A_535 : vector<1x1x16xf32> to vector<16xf32>
          %swap3A_537 = vector.shape_cast %add3A_530 : vector<16xf32> to vector<1x1x16xf32>
          tpu.vector_store %arg14[%swap3A_532, %swap3A_533, %swap3A_534], %swap3A_537 {strides = array<i32>} : memref<2x128x16xf32, #tpu.memory_space<vmem>>, vector<1x1x16xf32>,
          %scan3A_538 = arith.constant 2 : i32
          %scan3A_539 = arith.addi %scan3A_149, %scan3A_538 : i32
          %get3A_540 = arith.constant 0 : i32
          %get3A_541 = arith.index_cast %get3A_540 : i32 to index
          %get3A_542 = arith.index_cast %scan3A_539 : i32 to index
          %get3A_543 = arith.constant 0 : index
          %get3A_544 = tpu.vector_load %arg13[%get3A_541, %get3A_542, %get3A_543] {strides = array<i32>} : memref<2x128x16xf32, #tpu.memory_space<vmem>>, vector<1x1x16xf32>,
          %get3A_545 = vector.shape_cast %get3A_544 : vector<1x1x16xf32> to vector<16xf32>
          %slice3A_546 = vector.extract_strided_slice %get3A_545 {offsets = [0], sizes = [1], strides = [1]} : vector<16xf32> to vector<1xf32>
          %squeeze3A_547 = vector.extract %slice3A_546[0] : f32 from vector<1xf32>
          %get3A_548 = arith.constant 0 : i32
          %get3A_549 = arith.index_cast %get3A_548 : i32 to index
          %get3A_550 = arith.index_cast %scan3A_539 : i32 to index
          %get3A_551 = arith.constant 0 : index
          %get3A_552 = tpu.vector_load %arg10[%get3A_549, %get3A_550, %get3A_551] {strides = array<i32>} : memref<2x128x128xf32, #tpu.memory_space<vmem>>, vector<1x1x16xf32>,
          %get3A_553 = vector.shape_cast %get3A_552 : vector<1x1x16xf32> to vector<16xf32>
          %mul3A_554 = vector.broadcast %squeeze3A_547 : f32 to vector<16xf32>
          %mul3A_555 = arith.mulf %mul3A_554, %get3A_553 : vector<16xf32>
          %slice3A_556 = vector.extract_strided_slice %get3A_545 {offsets = [1], sizes = [1], strides = [1]} : vector<16xf32> to vector<1xf32>
          %squeeze3A_557 = vector.extract %slice3A_556[0] : f32 from vector<1xf32>
          %get3A_558 = arith.constant 0 : i32
          %get3A_559 = arith.index_cast %get3A_558 : i32 to index
          %get3A_560 = arith.index_cast %scan3A_539 : i32 to index
          %get3A_561 = arith.constant 16 : index
          %get3A_562 = tpu.vector_load %arg10[%get3A_559, %get3A_560, %get3A_561] {strides = array<i32>} : memref<2x128x128xf32, #tpu.memory_space<vmem>>, vector<1x1x16xf32>,
          %get3A_563 = vector.shape_cast %get3A_562 : vector<1x1x16xf32> to vector<16xf32>
          %mul3A_564 = vector.broadcast %squeeze3A_557 : f32 to vector<16xf32>
          %mul3A_565 = arith.mulf %mul3A_564, %get3A_563 : vector<16xf32>
          %slice3A_566 = vector.extract_strided_slice %get3A_545 {offsets = [2], sizes = [1], strides = [1]} : vector<16xf32> to vector<1xf32>
          %squeeze3A_567 = vector.extract %slice3A_566[0] : f32 from vector<1xf32>
          %get3A_568 = arith.constant 0 : i32
          %get3A_569 = arith.index_cast %get3A_568 : i32 to index
          %get3A_570 = arith.index_cast %scan3A_539 : i32 to index
          %get3A_571 = arith.constant 32 : index
          %get3A_572 = tpu.vector_load %arg10[%get3A_569, %get3A_570, %get3A_571] {strides = array<i32>} : memref<2x128x128xf32, #tpu.memory_space<vmem>>, vector<1x1x16xf32>,
          %get3A_573 = vector.shape_cast %get3A_572 : vector<1x1x16xf32> to vector<16xf32>
          %mul3A_574 = vector.broadcast %squeeze3A_567 : f32 to vector<16xf32>
          %mul3A_575 = arith.mulf %mul3A_574, %get3A_573 : vector<16xf32>
          %slice3A_576 = vector.extract_strided_slice %get3A_545 {offsets = [3], sizes = [1], strides = [1]} : vector<16xf32> to vector<1xf32>
          %squeeze3A_577 = vector.extract %slice3A_576[0] : f32 from vector<1xf32>
          %get3A_578 = arith.constant 0 : i32
          %get3A_579 = arith.index_cast %get3A_578 : i32 to index
          %get3A_580 = arith.index_cast %scan3A_539 : i32 to index
          %get3A_581 = arith.constant 48 : index
          %get3A_582 = tpu.vector_load %arg10[%get3A_579, %get3A_580, %get3A_581] {strides = array<i32>} : memref<2x128x128xf32, #tpu.memory_space<vmem>>, vector<1x1x16xf32>,
          %get3A_583 = vector.shape_cast %get3A_582 : vector<1x1x16xf32> to vector<16xf32>
          %mul3A_584 = vector.broadcast %squeeze3A_577 : f32 to vector<16xf32>
          %mul3A_585 = arith.mulf %mul3A_584, %get3A_583 : vector<16xf32>
          %slice3A_586 = vector.extract_strided_slice %get3A_545 {offsets = [4], sizes = [1], strides = [1]} : vector<16xf32> to vector<1xf32>
          %squeeze3A_587 = vector.extract %slice3A_586[0] : f32 from vector<1xf32>
          %get3A_588 = arith.constant 0 : i32
          %get3A_589 = arith.index_cast %get3A_588 : i32 to index
          %get3A_590 = arith.index_cast %scan3A_539 : i32 to index
          %get3A_591 = arith.constant 64 : index
          %get3A_592 = tpu.vector_load %arg10[%get3A_589, %get3A_590, %get3A_591] {strides = array<i32>} : memref<2x128x128xf32, #tpu.memory_space<vmem>>, vector<1x1x16xf32>,
          %get3A_593 = vector.shape_cast %get3A_592 : vector<1x1x16xf32> to vector<16xf32>
          %mul3A_594 = vector.broadcast %squeeze3A_587 : f32 to vector<16xf32>
          %mul3A_595 = arith.mulf %mul3A_594, %get3A_593 : vector<16xf32>
          %slice3A_596 = vector.extract_strided_slice %get3A_545 {offsets = [5], sizes = [1], strides = [1]} : vector<16xf32> to vector<1xf32>
          %squeeze3A_597 = vector.extract %slice3A_596[0] : f32 from vector<1xf32>
          %get3A_598 = arith.constant 0 : i32
          %get3A_599 = arith.index_cast %get3A_598 : i32 to index
          %get3A_600 = arith.index_cast %scan3A_539 : i32 to index
          %get3A_601 = arith.constant 80 : index
          %get3A_602 = tpu.vector_load %arg10[%get3A_599, %get3A_600, %get3A_601] {strides = array<i32>} : memref<2x128x128xf32, #tpu.memory_space<vmem>>, vector<1x1x16xf32>,
          %get3A_603 = vector.shape_cast %get3A_602 : vector<1x1x16xf32> to vector<16xf32>
          %mul3A_604 = vector.broadcast %squeeze3A_597 : f32 to vector<16xf32>
          %mul3A_605 = arith.mulf %mul3A_604, %get3A_603 : vector<16xf32>
          %slice3A_606 = vector.extract_strided_slice %get3A_545 {offsets = [6], sizes = [1], strides = [1]} : vector<16xf32> to vector<1xf32>
          %squeeze3A_607 = vector.extract %slice3A_606[0] : f32 from vector<1xf32>
          %get3A_608 = arith.constant 0 : i32
          %get3A_609 = arith.index_cast %get3A_608 : i32 to index
          %get3A_610 = arith.index_cast %scan3A_539 : i32 to index
          %get3A_611 = arith.constant 96 : index
          %get3A_612 = tpu.vector_load %arg10[%get3A_609, %get3A_610, %get3A_611] {strides = array<i32>} : memref<2x128x128xf32, #tpu.memory_space<vmem>>, vector<1x1x16xf32>,
          %get3A_613 = vector.shape_cast %get3A_612 : vector<1x1x16xf32> to vector<16xf32>
          %mul3A_614 = vector.broadcast %squeeze3A_607 : f32 to vector<16xf32>
          %mul3A_615 = arith.mulf %mul3A_614, %get3A_613 : vector<16xf32>
          %slice3A_616 = vector.extract_strided_slice %get3A_545 {offsets = [7], sizes = [1], strides = [1]} : vector<16xf32> to vector<1xf32>
          %squeeze3A_617 = vector.extract %slice3A_616[0] : f32 from vector<1xf32>
          %get3A_618 = arith.constant 0 : i32
          %get3A_619 = arith.index_cast %get3A_618 : i32 to index
          %get3A_620 = arith.index_cast %scan3A_539 : i32 to index
          %get3A_621 = arith.constant 112 : index
          %get3A_622 = tpu.vector_load %arg10[%get3A_619, %get3A_620, %get3A_621] {strides = array<i32>} : memref<2x128x128xf32, #tpu.memory_space<vmem>>, vector<1x1x16xf32>,
          %get3A_623 = vector.shape_cast %get3A_622 : vector<1x1x16xf32> to vector<16xf32>
          %mul3A_624 = vector.broadcast %squeeze3A_617 : f32 to vector<16xf32>
          %mul3A_625 = arith.mulf %mul3A_624, %get3A_623 : vector<16xf32>
          %slice3A_626 = vector.extract_strided_slice %get3A_545 {offsets = [8], sizes = [1], strides = [1]} : vector<16xf32> to vector<1xf32>
          %squeeze3A_627 = vector.extract %slice3A_626[0] : f32 from vector<1xf32>
          %get3A_628 = arith.constant 0 : i32
          %get3A_629 = arith.index_cast %get3A_628 : i32 to index
          %get3A_630 = arith.index_cast %scan3A_539 : i32 to index
          %get3A_631 = arith.constant 0 : index
          %get3A_632 = tpu.vector_load %arg11[%get3A_629, %get3A_630, %get3A_631] {strides = array<i32>} : memref<2x128x128xf32, #tpu.memory_space<vmem>>, vector<1x1x16xf32>,
          %get3A_633 = vector.shape_cast %get3A_632 : vector<1x1x16xf32> to vector<16xf32>
          %mul3A_634 = vector.broadcast %squeeze3A_627 : f32 to vector<16xf32>
          %mul3A_635 = arith.mulf %mul3A_634, %get3A_633 : vector<16xf32>
          %slice3A_636 = vector.extract_strided_slice %get3A_545 {offsets = [9], sizes = [1], strides = [1]} : vector<16xf32> to vector<1xf32>
          %squeeze3A_637 = vector.extract %slice3A_636[0] : f32 from vector<1xf32>
          %get3A_638 = arith.constant 0 : i32
          %get3A_639 = arith.index_cast %get3A_638 : i32 to index
          %get3A_640 = arith.index_cast %scan3A_539 : i32 to index
          %get3A_641 = arith.constant 16 : index
          %get3A_642 = tpu.vector_load %arg11[%get3A_639, %get3A_640, %get3A_641] {strides = array<i32>} : memref<2x128x128xf32, #tpu.memory_space<vmem>>, vector<1x1x16xf32>,
          %get3A_643 = vector.shape_cast %get3A_642 : vector<1x1x16xf32> to vector<16xf32>
          %mul3A_644 = vector.broadcast %squeeze3A_637 : f32 to vector<16xf32>
          %mul3A_645 = arith.mulf %mul3A_644, %get3A_643 : vector<16xf32>
          %slice3A_646 = vector.extract_strided_slice %get3A_545 {offsets = [10], sizes = [1], strides = [1]} : vector<16xf32> to vector<1xf32>
          %squeeze3A_647 = vector.extract %slice3A_646[0] : f32 from vector<1xf32>
          %get3A_648 = arith.constant 0 : i32
          %get3A_649 = arith.index_cast %get3A_648 : i32 to index
          %get3A_650 = arith.index_cast %scan3A_539 : i32 to index
          %get3A_651 = arith.constant 32 : index
          %get3A_652 = tpu.vector_load %arg11[%get3A_649, %get3A_650, %get3A_651] {strides = array<i32>} : memref<2x128x128xf32, #tpu.memory_space<vmem>>, vector<1x1x16xf32>,
          %get3A_653 = vector.shape_cast %get3A_652 : vector<1x1x16xf32> to vector<16xf32>
          %mul3A_654 = vector.broadcast %squeeze3A_647 : f32 to vector<16xf32>
          %mul3A_655 = arith.mulf %mul3A_654, %get3A_653 : vector<16xf32>
          %slice3A_656 = vector.extract_strided_slice %get3A_545 {offsets = [11], sizes = [1], strides = [1]} : vector<16xf32> to vector<1xf32>
          %squeeze3A_657 = vector.extract %slice3A_656[0] : f32 from vector<1xf32>
          %get3A_658 = arith.constant 0 : i32
          %get3A_659 = arith.index_cast %get3A_658 : i32 to index
          %get3A_660 = arith.index_cast %scan3A_539 : i32 to index
          %get3A_661 = arith.constant 48 : index
          %get3A_662 = tpu.vector_load %arg11[%get3A_659, %get3A_660, %get3A_661] {strides = array<i32>} : memref<2x128x128xf32, #tpu.memory_space<vmem>>, vector<1x1x16xf32>,
          %get3A_663 = vector.shape_cast %get3A_662 : vector<1x1x16xf32> to vector<16xf32>
          %mul3A_664 = vector.broadcast %squeeze3A_657 : f32 to vector<16xf32>
          %mul3A_665 = arith.mulf %mul3A_664, %get3A_663 : vector<16xf32>
          %slice3A_666 = vector.extract_strided_slice %get3A_545 {offsets = [12], sizes = [1], strides = [1]} : vector<16xf32> to vector<1xf32>
          %squeeze3A_667 = vector.extract %slice3A_666[0] : f32 from vector<1xf32>
          %get3A_668 = arith.constant 0 : i32
          %get3A_669 = arith.index_cast %get3A_668 : i32 to index
          %get3A_670 = arith.index_cast %scan3A_539 : i32 to index
          %get3A_671 = arith.constant 64 : index
          %get3A_672 = tpu.vector_load %arg11[%get3A_669, %get3A_670, %get3A_671] {strides = array<i32>} : memref<2x128x128xf32, #tpu.memory_space<vmem>>, vector<1x1x16xf32>,
          %get3A_673 = vector.shape_cast %get3A_672 : vector<1x1x16xf32> to vector<16xf32>
          %mul3A_674 = vector.broadcast %squeeze3A_667 : f32 to vector<16xf32>
          %mul3A_675 = arith.mulf %mul3A_674, %get3A_673 : vector<16xf32>
          %slice3A_676 = vector.extract_strided_slice %get3A_545 {offsets = [13], sizes = [1], strides = [1]} : vector<16xf32> to vector<1xf32>
          %squeeze3A_677 = vector.extract %slice3A_676[0] : f32 from vector<1xf32>
          %get3A_678 = arith.constant 0 : i32
          %get3A_679 = arith.index_cast %get3A_678 : i32 to index
          %get3A_680 = arith.index_cast %scan3A_539 : i32 to index
          %get3A_681 = arith.constant 80 : index
          %get3A_682 = tpu.vector_load %arg11[%get3A_679, %get3A_680, %get3A_681] {strides = array<i32>} : memref<2x128x128xf32, #tpu.memory_space<vmem>>, vector<1x1x16xf32>,
          %get3A_683 = vector.shape_cast %get3A_682 : vector<1x1x16xf32> to vector<16xf32>
          %mul3A_684 = vector.broadcast %squeeze3A_677 : f32 to vector<16xf32>
          %mul3A_685 = arith.mulf %mul3A_684, %get3A_683 : vector<16xf32>
          %slice3A_686 = vector.extract_strided_slice %get3A_545 {offsets = [14], sizes = [1], strides = [1]} : vector<16xf32> to vector<1xf32>
          %squeeze3A_687 = vector.extract %slice3A_686[0] : f32 from vector<1xf32>
          %get3A_688 = arith.constant 0 : i32
          %get3A_689 = arith.index_cast %get3A_688 : i32 to index
          %get3A_690 = arith.index_cast %scan3A_539 : i32 to index
          %get3A_691 = arith.constant 96 : index
          %get3A_692 = tpu.vector_load %arg11[%get3A_689, %get3A_690, %get3A_691] {strides = array<i32>} : memref<2x128x128xf32, #tpu.memory_space<vmem>>, vector<1x1x16xf32>,
          %get3A_693 = vector.shape_cast %get3A_692 : vector<1x1x16xf32> to vector<16xf32>
          %mul3A_694 = vector.broadcast %squeeze3A_687 : f32 to vector<16xf32>
          %mul3A_695 = arith.mulf %mul3A_694, %get3A_693 : vector<16xf32>
          %slice3A_696 = vector.extract_strided_slice %get3A_545 {offsets = [15], sizes = [1], strides = [1]} : vector<16xf32> to vector<1xf32>
          %squeeze3A_697 = vector.extract %slice3A_696[0] : f32 from vector<1xf32>
          %get3A_698 = arith.constant 0 : i32
          %get3A_699 = arith.index_cast %get3A_698 : i32 to index
          %get3A_700 = arith.index_cast %scan3A_539 : i32 to index
          %get3A_701 = arith.constant 112 : index
          %get3A_702 = tpu.vector_load %arg11[%get3A_699, %get3A_700, %get3A_701] {strides = array<i32>} : memref<2x128x128xf32, #tpu.memory_space<vmem>>, vector<1x1x16xf32>,
          %get3A_703 = vector.shape_cast %get3A_702 : vector<1x1x16xf32> to vector<16xf32>
          %mul3A_704 = vector.broadcast %squeeze3A_697 : f32 to vector<16xf32>
          %mul3A_705 = arith.mulf %mul3A_704, %get3A_703 : vector<16xf32>
          %get3A_706 = arith.constant 0 : i32
          %get3A_707 = arith.index_cast %get3A_706 : i32 to index
          %get3A_708 = arith.index_cast %scan3A_539 : i32 to index
          %get3A_709 = arith.constant 0 : index
          %get3A_710 = tpu.vector_load %arg12[%get3A_707, %get3A_708, %get3A_709] {strides = array<i32>} : memref<2x128x16xf32, #tpu.memory_space<vmem>>, vector<1x1x16xf32>,
          %get3A_711 = vector.shape_cast %get3A_710 : vector<1x1x16xf32> to vector<16xf32>
          %add3A_712 = arith.addf %mul3A_555, %mul3A_565 : vector<16xf32>
          %add3A_713 = arith.addf %mul3A_575, %mul3A_585 : vector<16xf32>
          %add3A_714 = arith.addf %mul3A_595, %mul3A_605 : vector<16xf32>
          %add3A_715 = arith.addf %mul3A_615, %mul3A_625 : vector<16xf32>
          %add3A_716 = arith.addf %mul3A_635, %mul3A_645 : vector<16xf32>
          %add3A_717 = arith.addf %mul3A_655, %mul3A_665 : vector<16xf32>
          %add3A_718 = arith.addf %mul3A_675, %mul3A_685 : vector<16xf32>
          %add3A_719 = arith.addf %mul3A_695, %mul3A_705 : vector<16xf32>
          %add3A_720 = arith.addf %add3A_712, %add3A_713 : vector<16xf32>
          %add3A_721 = arith.addf %add3A_714, %add3A_715 : vector<16xf32>
          %add3A_722 = arith.addf %add3A_716, %add3A_717 : vector<16xf32>
          %add3A_723 = arith.addf %add3A_718, %add3A_719 : vector<16xf32>
          %add3A_724 = arith.addf %add3A_720, %add3A_721 : vector<16xf32>
          %add3A_725 = arith.addf %add3A_722, %add3A_723 : vector<16xf32>
          %add3A_726 = arith.addf %add3A_724, %add3A_725 : vector<16xf32>
          %add3A_727 = arith.addf %add3A_726, %get3A_711 : vector<16xf32>
          %swap3A_728 = arith.constant 0 : i32
          %swap3A_729 = arith.index_cast %swap3A_728 : i32 to index
          %swap3A_730 = arith.index_cast %scan3A_539 : i32 to index
          %swap3A_731 = arith.constant 0 : index
          %swap3A_732 = tpu.vector_load %arg14[%swap3A_729, %swap3A_730, %swap3A_731] {strides = array<i32>} : memref<2x128x16xf32, #tpu.memory_space<vmem>>, vector<1x1x16xf32>,
          %swap3A_733 = vector.shape_cast %swap3A_732 : vector<1x1x16xf32> to vector<16xf32>
          %swap3A_734 = vector.shape_cast %add3A_727 : vector<16xf32> to vector<1x1x16xf32>
          tpu.vector_store %arg14[%swap3A_729, %swap3A_730, %swap3A_731], %swap3A_734 {strides = array<i32>} : memref<2x128x16xf32, #tpu.memory_space<vmem>>, vector<1x1x16xf32>,
          %scan3A_735 = arith.constant 3 : i32
          %scan3A_736 = arith.addi %scan3A_149, %scan3A_735 : i32
          %get3A_737 = arith.constant 0 : i32
          %get3A_738 = arith.index_cast %get3A_737 : i32 to index
          %get3A_739 = arith.index_cast %scan3A_736 : i32 to index
          %get3A_740 = arith.constant 0 : index
          %get3A_741 = tpu.vector_load %arg13[%get3A_738, %get3A_739, %get3A_740] {strides = array<i32>} : memref<2x128x16xf32, #tpu.memory_space<vmem>>, vector<1x1x16xf32>,
          %get3A_742 = vector.shape_cast %get3A_741 : vector<1x1x16xf32> to vector<16xf32>
          %slice3A_743 = vector.extract_strided_slice %get3A_742 {offsets = [0], sizes = [1], strides = [1]} : vector<16xf32> to vector<1xf32>
          %squeeze3A_744 = vector.extract %slice3A_743[0] : f32 from vector<1xf32>
          %get3A_745 = arith.constant 0 : i32
          %get3A_746 = arith.index_cast %get3A_745 : i32 to index
          %get3A_747 = arith.index_cast %scan3A_736 : i32 to index
          %get3A_748 = arith.constant 0 : index
          %get3A_749 = tpu.vector_load %arg10[%get3A_746, %get3A_747, %get3A_748] {strides = array<i32>} : memref<2x128x128xf32, #tpu.memory_space<vmem>>, vector<1x1x16xf32>,
          %get3A_750 = vector.shape_cast %get3A_749 : vector<1x1x16xf32> to vector<16xf32>
          %mul3A_751 = vector.broadcast %squeeze3A_744 : f32 to vector<16xf32>
          %mul3A_752 = arith.mulf %mul3A_751, %get3A_750 : vector<16xf32>
          %slice3A_753 = vector.extract_strided_slice %get3A_742 {offsets = [1], sizes = [1], strides = [1]} : vector<16xf32> to vector<1xf32>
          %squeeze3A_754 = vector.extract %slice3A_753[0] : f32 from vector<1xf32>
          %get3A_755 = arith.constant 0 : i32
          %get3A_756 = arith.index_cast %get3A_755 : i32 to index
          %get3A_757 = arith.index_cast %scan3A_736 : i32 to index
          %get3A_758 = arith.constant 16 : index
          %get3A_759 = tpu.vector_load %arg10[%get3A_756, %get3A_757, %get3A_758] {strides = array<i32>} : memref<2x128x128xf32, #tpu.memory_space<vmem>>, vector<1x1x16xf32>,
          %get3A_760 = vector.shape_cast %get3A_759 : vector<1x1x16xf32> to vector<16xf32>
          %mul3A_761 = vector.broadcast %squeeze3A_754 : f32 to vector<16xf32>
          %mul3A_762 = arith.mulf %mul3A_761, %get3A_760 : vector<16xf32>
          %slice3A_763 = vector.extract_strided_slice %get3A_742 {offsets = [2], sizes = [1], strides = [1]} : vector<16xf32> to vector<1xf32>
          %squeeze3A_764 = vector.extract %slice3A_763[0] : f32 from vector<1xf32>
          %get3A_765 = arith.constant 0 : i32
          %get3A_766 = arith.index_cast %get3A_765 : i32 to index
          %get3A_767 = arith.index_cast %scan3A_736 : i32 to index
          %get3A_768 = arith.constant 32 : index
          %get3A_769 = tpu.vector_load %arg10[%get3A_766, %get3A_767, %get3A_768] {strides = array<i32>} : memref<2x128x128xf32, #tpu.memory_space<vmem>>, vector<1x1x16xf32>,
          %get3A_770 = vector.shape_cast %get3A_769 : vector<1x1x16xf32> to vector<16xf32>
          %mul3A_771 = vector.broadcast %squeeze3A_764 : f32 to vector<16xf32>
          %mul3A_772 = arith.mulf %mul3A_771, %get3A_770 : vector<16xf32>
          %slice3A_773 = vector.extract_strided_slice %get3A_742 {offsets = [3], sizes = [1], strides = [1]} : vector<16xf32> to vector<1xf32>
          %squeeze3A_774 = vector.extract %slice3A_773[0] : f32 from vector<1xf32>
          %get3A_775 = arith.constant 0 : i32
          %get3A_776 = arith.index_cast %get3A_775 : i32 to index
          %get3A_777 = arith.index_cast %scan3A_736 : i32 to index
          %get3A_778 = arith.constant 48 : index
          %get3A_779 = tpu.vector_load %arg10[%get3A_776, %get3A_777, %get3A_778] {strides = array<i32>} : memref<2x128x128xf32, #tpu.memory_space<vmem>>, vector<1x1x16xf32>,
          %get3A_780 = vector.shape_cast %get3A_779 : vector<1x1x16xf32> to vector<16xf32>
          %mul3A_781 = vector.broadcast %squeeze3A_774 : f32 to vector<16xf32>
          %mul3A_782 = arith.mulf %mul3A_781, %get3A_780 : vector<16xf32>
          %slice3A_783 = vector.extract_strided_slice %get3A_742 {offsets = [4], sizes = [1], strides = [1]} : vector<16xf32> to vector<1xf32>
          %squeeze3A_784 = vector.extract %slice3A_783[0] : f32 from vector<1xf32>
          %get3A_785 = arith.constant 0 : i32
          %get3A_786 = arith.index_cast %get3A_785 : i32 to index
          %get3A_787 = arith.index_cast %scan3A_736 : i32 to index
          %get3A_788 = arith.constant 64 : index
          %get3A_789 = tpu.vector_load %arg10[%get3A_786, %get3A_787, %get3A_788] {strides = array<i32>} : memref<2x128x128xf32, #tpu.memory_space<vmem>>, vector<1x1x16xf32>,
          %get3A_790 = vector.shape_cast %get3A_789 : vector<1x1x16xf32> to vector<16xf32>
          %mul3A_791 = vector.broadcast %squeeze3A_784 : f32 to vector<16xf32>
          %mul3A_792 = arith.mulf %mul3A_791, %get3A_790 : vector<16xf32>
          %slice3A_793 = vector.extract_strided_slice %get3A_742 {offsets = [5], sizes = [1], strides = [1]} : vector<16xf32> to vector<1xf32>
          %squeeze3A_794 = vector.extract %slice3A_793[0] : f32 from vector<1xf32>
          %get3A_795 = arith.constant 0 : i32
          %get3A_796 = arith.index_cast %get3A_795 : i32 to index
          %get3A_797 = arith.index_cast %scan3A_736 : i32 to index
          %get3A_798 = arith.constant 80 : index
          %get3A_799 = tpu.vector_load %arg10[%get3A_796, %get3A_797, %get3A_798] {strides = array<i32>} : memref<2x128x128xf32, #tpu.memory_space<vmem>>, vector<1x1x16xf32>,
          %get3A_800 = vector.shape_cast %get3A_799 : vector<1x1x16xf32> to vector<16xf32>
          %mul3A_801 = vector.broadcast %squeeze3A_794 : f32 to vector<16xf32>
          %mul3A_802 = arith.mulf %mul3A_801, %get3A_800 : vector<16xf32>
          %slice3A_803 = vector.extract_strided_slice %get3A_742 {offsets = [6], sizes = [1], strides = [1]} : vector<16xf32> to vector<1xf32>
          %squeeze3A_804 = vector.extract %slice3A_803[0] : f32 from vector<1xf32>
          %get3A_805 = arith.constant 0 : i32
          %get3A_806 = arith.index_cast %get3A_805 : i32 to index
          %get3A_807 = arith.index_cast %scan3A_736 : i32 to index
          %get3A_808 = arith.constant 96 : index
          %get3A_809 = tpu.vector_load %arg10[%get3A_806, %get3A_807, %get3A_808] {strides = array<i32>} : memref<2x128x128xf32, #tpu.memory_space<vmem>>, vector<1x1x16xf32>,
          %get3A_810 = vector.shape_cast %get3A_809 : vector<1x1x16xf32> to vector<16xf32>
          %mul3A_811 = vector.broadcast %squeeze3A_804 : f32 to vector<16xf32>
          %mul3A_812 = arith.mulf %mul3A_811, %get3A_810 : vector<16xf32>
          %slice3A_813 = vector.extract_strided_slice %get3A_742 {offsets = [7], sizes = [1], strides = [1]} : vector<16xf32> to vector<1xf32>
          %squeeze3A_814 = vector.extract %slice3A_813[0] : f32 from vector<1xf32>
          %get3A_815 = arith.constant 0 : i32
          %get3A_816 = arith.index_cast %get3A_815 : i32 to index
          %get3A_817 = arith.index_cast %scan3A_736 : i32 to index
          %get3A_818 = arith.constant 112 : index
          %get3A_819 = tpu.vector_load %arg10[%get3A_816, %get3A_817, %get3A_818] {strides = array<i32>} : memref<2x128x128xf32, #tpu.memory_space<vmem>>, vector<1x1x16xf32>,
          %get3A_820 = vector.shape_cast %get3A_819 : vector<1x1x16xf32> to vector<16xf32>
          %mul3A_821 = vector.broadcast %squeeze3A_814 : f32 to vector<16xf32>
          %mul3A_822 = arith.mulf %mul3A_821, %get3A_820 : vector<16xf32>
          %slice3A_823 = vector.extract_strided_slice %get3A_742 {offsets = [8], sizes = [1], strides = [1]} : vector<16xf32> to vector<1xf32>
          %squeeze3A_824 = vector.extract %slice3A_823[0] : f32 from vector<1xf32>
          %get3A_825 = arith.constant 0 : i32
          %get3A_826 = arith.index_cast %get3A_825 : i32 to index
          %get3A_827 = arith.index_cast %scan3A_736 : i32 to index
          %get3A_828 = arith.constant 0 : index
          %get3A_829 = tpu.vector_load %arg11[%get3A_826, %get3A_827, %get3A_828] {strides = array<i32>} : memref<2x128x128xf32, #tpu.memory_space<vmem>>, vector<1x1x16xf32>,
          %get3A_830 = vector.shape_cast %get3A_829 : vector<1x1x16xf32> to vector<16xf32>
          %mul3A_831 = vector.broadcast %squeeze3A_824 : f32 to vector<16xf32>
          %mul3A_832 = arith.mulf %mul3A_831, %get3A_830 : vector<16xf32>
          %slice3A_833 = vector.extract_strided_slice %get3A_742 {offsets = [9], sizes = [1], strides = [1]} : vector<16xf32> to vector<1xf32>
          %squeeze3A_834 = vector.extract %slice3A_833[0] : f32 from vector<1xf32>
          %get3A_835 = arith.constant 0 : i32
          %get3A_836 = arith.index_cast %get3A_835 : i32 to index
          %get3A_837 = arith.index_cast %scan3A_736 : i32 to index
          %get3A_838 = arith.constant 16 : index
          %get3A_839 = tpu.vector_load %arg11[%get3A_836, %get3A_837, %get3A_838] {strides = array<i32>} : memref<2x128x128xf32, #tpu.memory_space<vmem>>, vector<1x1x16xf32>,
          %get3A_840 = vector.shape_cast %get3A_839 : vector<1x1x16xf32> to vector<16xf32>
          %mul3A_841 = vector.broadcast %squeeze3A_834 : f32 to vector<16xf32>
          %mul3A_842 = arith.mulf %mul3A_841, %get3A_840 : vector<16xf32>
          %slice3A_843 = vector.extract_strided_slice %get3A_742 {offsets = [10], sizes = [1], strides = [1]} : vector<16xf32> to vector<1xf32>
          %squeeze3A_844 = vector.extract %slice3A_843[0] : f32 from vector<1xf32>
          %get3A_845 = arith.constant 0 : i32
          %get3A_846 = arith.index_cast %get3A_845 : i32 to index
          %get3A_847 = arith.index_cast %scan3A_736 : i32 to index
          %get3A_848 = arith.constant 32 : index
          %get3A_849 = tpu.vector_load %arg11[%get3A_846, %get3A_847, %get3A_848] {strides = array<i32>} : memref<2x128x128xf32, #tpu.memory_space<vmem>>, vector<1x1x16xf32>,
          %get3A_850 = vector.shape_cast %get3A_849 : vector<1x1x16xf32> to vector<16xf32>
          %mul3A_851 = vector.broadcast %squeeze3A_844 : f32 to vector<16xf32>
          %mul3A_852 = arith.mulf %mul3A_851, %get3A_850 : vector<16xf32>
          %slice3A_853 = vector.extract_strided_slice %get3A_742 {offsets = [11], sizes = [1], strides = [1]} : vector<16xf32> to vector<1xf32>
          %squeeze3A_854 = vector.extract %slice3A_853[0] : f32 from vector<1xf32>
          %get3A_855 = arith.constant 0 : i32
          %get3A_856 = arith.index_cast %get3A_855 : i32 to index
          %get3A_857 = arith.index_cast %scan3A_736 : i32 to index
          %get3A_858 = arith.constant 48 : index
          %get3A_859 = tpu.vector_load %arg11[%get3A_856, %get3A_857, %get3A_858] {strides = array<i32>} : memref<2x128x128xf32, #tpu.memory_space<vmem>>, vector<1x1x16xf32>,
          %get3A_860 = vector.shape_cast %get3A_859 : vector<1x1x16xf32> to vector<16xf32>
          %mul3A_861 = vector.broadcast %squeeze3A_854 : f32 to vector<16xf32>
          %mul3A_862 = arith.mulf %mul3A_861, %get3A_860 : vector<16xf32>
          %slice3A_863 = vector.extract_strided_slice %get3A_742 {offsets = [12], sizes = [1], strides = [1]} : vector<16xf32> to vector<1xf32>
          %squeeze3A_864 = vector.extract %slice3A_863[0] : f32 from vector<1xf32>
          %get3A_865 = arith.constant 0 : i32
          %get3A_866 = arith.index_cast %get3A_865 : i32 to index
          %get3A_867 = arith.index_cast %scan3A_736 : i32 to index
          %get3A_868 = arith.constant 64 : index
          %get3A_869 = tpu.vector_load %arg11[%get3A_866, %get3A_867, %get3A_868] {strides = array<i32>} : memref<2x128x128xf32, #tpu.memory_space<vmem>>, vector<1x1x16xf32>,
          %get3A_870 = vector.shape_cast %get3A_869 : vector<1x1x16xf32> to vector<16xf32>
          %mul3A_871 = vector.broadcast %squeeze3A_864 : f32 to vector<16xf32>
          %mul3A_872 = arith.mulf %mul3A_871, %get3A_870 : vector<16xf32>
          %slice3A_873 = vector.extract_strided_slice %get3A_742 {offsets = [13], sizes = [1], strides = [1]} : vector<16xf32> to vector<1xf32>
          %squeeze3A_874 = vector.extract %slice3A_873[0] : f32 from vector<1xf32>
          %get3A_875 = arith.constant 0 : i32
          %get3A_876 = arith.index_cast %get3A_875 : i32 to index
          %get3A_877 = arith.index_cast %scan3A_736 : i32 to index
          %get3A_878 = arith.constant 80 : index
          %get3A_879 = tpu.vector_load %arg11[%get3A_876, %get3A_877, %get3A_878] {strides = array<i32>} : memref<2x128x128xf32, #tpu.memory_space<vmem>>, vector<1x1x16xf32>,
          %get3A_880 = vector.shape_cast %get3A_879 : vector<1x1x16xf32> to vector<16xf32>
          %mul3A_881 = vector.broadcast %squeeze3A_874 : f32 to vector<16xf32>
          %mul3A_882 = arith.mulf %mul3A_881, %get3A_880 : vector<16xf32>
          %slice3A_883 = vector.extract_strided_slice %get3A_742 {offsets = [14], sizes = [1], strides = [1]} : vector<16xf32> to vector<1xf32>
          %squeeze3A_884 = vector.extract %slice3A_883[0] : f32 from vector<1xf32>
          %get3A_885 = arith.constant 0 : i32
          %get3A_886 = arith.index_cast %get3A_885 : i32 to index
          %get3A_887 = arith.index_cast %scan3A_736 : i32 to index
          %get3A_888 = arith.constant 96 : index
          %get3A_889 = tpu.vector_load %arg11[%get3A_886, %get3A_887, %get3A_888] {strides = array<i32>} : memref<2x128x128xf32, #tpu.memory_space<vmem>>, vector<1x1x16xf32>,
          %get3A_890 = vector.shape_cast %get3A_889 : vector<1x1x16xf32> to vector<16xf32>
          %mul3A_891 = vector.broadcast %squeeze3A_884 : f32 to vector<16xf32>
          %mul3A_892 = arith.mulf %mul3A_891, %get3A_890 : vector<16xf32>
          %slice3A_893 = vector.extract_strided_slice %get3A_742 {offsets = [15], sizes = [1], strides = [1]} : vector<16xf32> to vector<1xf32>
          %squeeze3A_894 = vector.extract %slice3A_893[0] : f32 from vector<1xf32>
          %get3A_895 = arith.constant 0 : i32
          %get3A_896 = arith.index_cast %get3A_895 : i32 to index
          %get3A_897 = arith.index_cast %scan3A_736 : i32 to index
          %get3A_898 = arith.constant 112 : index
          %get3A_899 = tpu.vector_load %arg11[%get3A_896, %get3A_897, %get3A_898] {strides = array<i32>} : memref<2x128x128xf32, #tpu.memory_space<vmem>>, vector<1x1x16xf32>,
          %get3A_900 = vector.shape_cast %get3A_899 : vector<1x1x16xf32> to vector<16xf32>
          %mul3A_901 = vector.broadcast %squeeze3A_894 : f32 to vector<16xf32>
          %mul3A_902 = arith.mulf %mul3A_901, %get3A_900 : vector<16xf32>
          %get3A_903 = arith.constant 0 : i32
          %get3A_904 = arith.index_cast %get3A_903 : i32 to index
          %get3A_905 = arith.index_cast %scan3A_736 : i32 to index
          %get3A_906 = arith.constant 0 : index
          %get3A_907 = tpu.vector_load %arg12[%get3A_904, %get3A_905, %get3A_906] {strides = array<i32>} : memref<2x128x16xf32, #tpu.memory_space<vmem>>, vector<1x1x16xf32>,
          %get3A_908 = vector.shape_cast %get3A_907 : vector<1x1x16xf32> to vector<16xf32>
          %add3A_909 = arith.addf %mul3A_752, %mul3A_762 : vector<16xf32>
          %add3A_910 = arith.addf %mul3A_772, %mul3A_782 : vector<16xf32>
          %add3A_911 = arith.addf %mul3A_792, %mul3A_802 : vector<16xf32>
          %add3A_912 = arith.addf %mul3A_812, %mul3A_822 : vector<16xf32>
          %add3A_913 = arith.addf %mul3A_832, %mul3A_842 : vector<16xf32>
          %add3A_914 = arith.addf %mul3A_852, %mul3A_862 : vector<16xf32>
          %add3A_915 = arith.addf %mul3A_872, %mul3A_882 : vector<16xf32>
          %add3A_916 = arith.addf %mul3A_892, %mul3A_902 : vector<16xf32>
          %add3A_917 = arith.addf %add3A_909, %add3A_910 : vector<16xf32>
          %add3A_918 = arith.addf %add3A_911, %add3A_912 : vector<16xf32>
          %add3A_919 = arith.addf %add3A_913, %add3A_914 : vector<16xf32>
          %add3A_920 = arith.addf %add3A_915, %add3A_916 : vector<16xf32>
          %add3A_921 = arith.addf %add3A_917, %add3A_918 : vector<16xf32>
          %add3A_922 = arith.addf %add3A_919, %add3A_920 : vector<16xf32>
          %add3A_923 = arith.addf %add3A_921, %add3A_922 : vector<16xf32>
          %add3A_924 = arith.addf %add3A_923, %get3A_908 : vector<16xf32>
          %swap3A_925 = arith.constant 0 : i32
          %swap3A_926 = arith.index_cast %swap3A_925 : i32 to index
          %swap3A_927 = arith.index_cast %scan3A_736 : i32 to index
          %swap3A_928 = arith.constant 0 : index
          %swap3A_929 = tpu.vector_load %arg14[%swap3A_926, %swap3A_927, %swap3A_928] {strides = array<i32>} : memref<2x128x16xf32, #tpu.memory_space<vmem>>, vector<1x1x16xf32>,
          %swap3A_930 = vector.shape_cast %swap3A_929 : vector<1x1x16xf32> to vector<16xf32>
          %swap3A_931 = vector.shape_cast %add3A_924 : vector<16xf32> to vector<1x1x16xf32>
          tpu.vector_store %arg14[%swap3A_926, %swap3A_927, %swap3A_928], %swap3A_931 {strides = array<i32>} : memref<2x128x16xf32, #tpu.memory_space<vmem>>, vector<1x1x16xf32>,
        }
        %scan3A_138 = arith.constant 128 : i32
        %mul3A_139 = arith.constant 128 : i32
        %mul3A_140 = arith.muli %mul3A_61, %mul3A_139 : i32
        %dma_start3A = arith.constant 0 : i32
        %dma_start3A_141 = arith.constant 0 : i32
        %dma_start3A_142 = arith.constant 0 : i32
        %dma_start3A_143 = tpu.memref_slice %arg14[%dma_start3A, %dma_start3A_141, %dma_start3A_142] : memref<2x128x16xf32, #tpu.memory_space<vmem>> -> memref<1x128x16xf32, #tpu.memory_space<vmem>>
        %dma_start3A_144 = tpu.memref_squeeze %dma_start3A_143 : memref<1x128x16xf32, #tpu.memory_space<vmem>> -> memref<128x16xf32, #tpu.memory_space<vmem>>
        %dma_start3A_145 = tpu.memref_slice %arg9[%mul3A_140] : memref<5120xi32, #tpu.memory_space<vmem>> -> memref<128xi32, #tpu.memory_space<vmem>>
        %dma_start3A_146 = arith.constant 0 : i32
        %dma_start3A_147 = arith.constant 0 : i32
        %dma_start3A_148 = tpu.memref_slice %arg16[%dma_start3A_146, %dma_start3A_147] : memref<10000x16xf32, #tpu.memory_space<vmem_shared>> -> memref<10000x16xf32, #tpu.memory_space<vmem_shared>>
        tpu.enqueue_indirect_dma source(%dma_start3A_144 : memref<128x16xf32, #tpu.memory_space<vmem>>) target(%dma_start3A_148 : memref<10000x16xf32, #tpu.memory_space<vmem_shared>>) offsets(%dma_start3A_145 : memref<128xi32, #tpu.memory_space<vmem>>) semaphore(%arg21 : memref<!tpu.dma_semaphore, #tpu.memory_space<semaphore_mem>>) {add = true}
      } else {
      }
      %add3A_74 = arith.constant 2 : i32
      %add3A_75 = arith.addi %mul3A_61, %add3A_74 : i32
      %lt3A_76 = arith.cmpi slt, %add3A_75, %add3A_4 : i32
      %convert_element_type3A_77 = arith.extui %lt3A_76 : i1 to i32
      %cond3A_78 = arith.constant 0 : i32
      %cond3A_79 = arith.cmpi ne, %convert_element_type3A_77, %cond3A_78 : i32
      scf.if %cond3A_79 {
        %add3A_84 = arith.constant 2 : i32
        %add3A_85 = arith.addi %mul3A_61, %add3A_84 : i32
        %mul3A_86 = arith.constant 128 : i32
        %mul3A_87 = arith.muli %add3A_85, %mul3A_86 : i32
        %dma_start3A = arith.constant 0 : i32
        %dma_start3A_88 = arith.constant 0 : i32
        %dma_start3A_89 = arith.constant 0 : i32
        %dma_start3A_90 = tpu.memref_slice %arg10[%dma_start3A, %dma_start3A_88, %dma_start3A_89] : memref<2x128x128xf32, #tpu.memory_space<vmem>> -> memref<1x128x128xf32, #tpu.memory_space<vmem>>
        %dma_start3A_91 = tpu.memref_squeeze %dma_start3A_90 : memref<1x128x128xf32, #tpu.memory_space<vmem>> -> memref<128x128xf32, #tpu.memory_space<vmem>>
        %dma_start3A_92 = tpu.memref_slice %arg8[%mul3A_87] : memref<5120xi32, #tpu.memory_space<vmem>> -> memref<128xi32, #tpu.memory_space<vmem>>
        %dma_start3A_93 = arith.constant 0 : i32
        %dma_start3A_94 = arith.constant 0 : i32
        %dma_start3A_95 = tpu.memref_slice %arg2[%dma_start3A_93, %dma_start3A_94] : memref<10000x128xf32, #tpu.memory_space<hbm>> -> memref<10000x128xf32, #tpu.memory_space<hbm>>
        tpu.enqueue_indirect_dma source(%dma_start3A_95 : memref<10000x128xf32, #tpu.memory_space<hbm>>) target(%dma_start3A_91 : memref<128x128xf32, #tpu.memory_space<vmem>>) offsets(%dma_start3A_92 : memref<128xi32, #tpu.memory_space<vmem>>) semaphore(%arg17 : memref<!tpu.dma_semaphore, #tpu.memory_space<semaphore_mem>>)
        %dma_start3A_96 = arith.constant 0 : i32
        %dma_start3A_97 = arith.constant 0 : i32
        %dma_start3A_98 = arith.constant 0 : i32
        %dma_start3A_99 = tpu.memref_slice %arg11[%dma_start3A_96, %dma_start3A_97, %dma_start3A_98] : memref<2x128x128xf32, #tpu.memory_space<vmem>> -> memref<1x128x128xf32, #tpu.memory_space<vmem>>
        %dma_start3A_100 = tpu.memref_squeeze %dma_start3A_99 : memref<1x128x128xf32, #tpu.memory_space<vmem>> -> memref<128x128xf32, #tpu.memory_space<vmem>>
        %dma_start3A_101 = tpu.memref_slice %arg8[%mul3A_87] : memref<5120xi32, #tpu.memory_space<vmem>> -> memref<128xi32, #tpu.memory_space<vmem>>
        %dma_start3A_102 = arith.constant 0 : i32
        %dma_start3A_103 = arith.constant 0 : i32
        %dma_start3A_104 = tpu.memref_slice %arg3[%dma_start3A_102, %dma_start3A_103] : memref<10000x128xf32, #tpu.memory_space<hbm>> -> memref<10000x128xf32, #tpu.memory_space<hbm>>
        tpu.enqueue_indirect_dma source(%dma_start3A_104 : memref<10000x128xf32, #tpu.memory_space<hbm>>) target(%dma_start3A_100 : memref<128x128xf32, #tpu.memory_space<vmem>>) offsets(%dma_start3A_101 : memref<128xi32, #tpu.memory_space<vmem>>) semaphore(%arg17 : memref<!tpu.dma_semaphore, #tpu.memory_space<semaphore_mem>>)
        %dma_start3A_105 = arith.constant 0 : i32
        %dma_start3A_106 = arith.constant 0 : i32
        %dma_start3A_107 = arith.constant 0 : i32
        %dma_start3A_108 = tpu.memref_slice %arg12[%dma_start3A_105, %dma_start3A_106, %dma_start3A_107] : memref<2x128x16xf32, #tpu.memory_space<vmem>> -> memref<1x128x16xf32, #tpu.memory_space<vmem>>
        %dma_start3A_109 = tpu.memref_squeeze %dma_start3A_108 : memref<1x128x16xf32, #tpu.memory_space<vmem>> -> memref<128x16xf32, #tpu.memory_space<vmem>>
        %dma_start3A_110 = tpu.memref_slice %arg8[%mul3A_87] : memref<5120xi32, #tpu.memory_space<vmem>> -> memref<128xi32, #tpu.memory_space<vmem>>
        %dma_start3A_111 = arith.constant 0 : i32
        %dma_start3A_112 = arith.constant 0 : i32
        %dma_start3A_113 = tpu.memref_slice %arg4[%dma_start3A_111, %dma_start3A_112] : memref<10000x16xf32, #tpu.memory_space<hbm>> -> memref<10000x16xf32, #tpu.memory_space<hbm>>
        tpu.enqueue_indirect_dma source(%dma_start3A_113 : memref<10000x16xf32, #tpu.memory_space<hbm>>) target(%dma_start3A_109 : memref<128x16xf32, #tpu.memory_space<vmem>>) offsets(%dma_start3A_110 : memref<128xi32, #tpu.memory_space<vmem>>) semaphore(%arg17 : memref<!tpu.dma_semaphore, #tpu.memory_space<semaphore_mem>>)
        %add3A_114 = arith.addi %add3A_8, %add3A_85 : i32
        %mul3A_115 = arith.constant 128 : i32
        %mul3A_116 = arith.muli %add3A_114, %mul3A_115 : i32
        %dma_start3A_117 = arith.constant 0 : i32
        %dma_start3A_118 = arith.constant 0 : i32
        %dma_start3A_119 = arith.constant 0 : i32
        %dma_start3A_120 = tpu.memref_slice %arg13[%dma_start3A_117, %dma_start3A_118, %dma_start3A_119] : memref<2x128x16xf32, #tpu.memory_space<vmem>> -> memref<1x128x16xf32, #tpu.memory_space<vmem>>
        %dma_start3A_121 = tpu.memref_squeeze %dma_start3A_120 : memref<1x128x16xf32, #tpu.memory_space<vmem>> -> memref<128x16xf32, #tpu.memory_space<vmem>>
        %dma_start3A_122 = arith.constant 0 : i32
        %dma_start3A_123 = tpu.memref_slice %arg6[%mul3A_116, %dma_start3A_122] : memref<160000x16xf32, #tpu.memory_space<hbm>> -> memref<128x16xf32, #tpu.memory_space<hbm>>
        %dma_start3A_124 = arith.constant 0 : i32
        %dma_start3A_125 = arith.constant 0 : i32
        %dma_start3A_126 = tpu.memref_slice %arg13[%dma_start3A_117, %dma_start3A_124, %dma_start3A_125] : memref<2x128x16xf32, #tpu.memory_space<vmem>> -> memref<1x128x16xf32, #tpu.memory_space<vmem>>
        %dma_start3A_127 = tpu.memref_squeeze %dma_start3A_126 : memref<1x128x16xf32, #tpu.memory_space<vmem>> -> memref<128x16xf32, #tpu.memory_space<vmem>>
        %dma_start3A_128 = arith.constant 0 : i32
        %dma_start3A_129 = tpu.memref_slice %arg6[%mul3A_116, %dma_start3A_128] : memref<160000x16xf32, #tpu.memory_space<hbm>> -> memref<128x16xf32, #tpu.memory_space<hbm>>
        tpu.enqueue_dma source(%dma_start3A_129 : memref<128x16xf32, #tpu.memory_space<hbm>>) target(%dma_start3A_127 : memref<128x16xf32, #tpu.memory_space<vmem>>) target_semaphore(%arg19 : memref<!tpu.dma_semaphore, #tpu.memory_space<semaphore_mem>>)
      } else {
      }
      %lt3A_80 = arith.cmpi slt, %add3A_65, %add3A_4 : i32
      %convert_element_type3A_81 = arith.extui %lt3A_80 : i1 to i32
      %cond3A_82 = arith.constant 0 : i32
      %cond3A_83 = arith.cmpi ne, %convert_element_type3A_81, %cond3A_82 : i32
      scf.if %cond3A_83 {
        %mul3A_84 = arith.constant 128 : i32
        %mul3A_85 = arith.muli %add3A_65, %mul3A_84 : i32
        %dma_wait3A_86 = arith.constant 1 : i32
        %dma_wait3A_87 = arith.constant 0 : i32
        %dma_wait3A_88 = arith.constant 0 : i32
        %dma_wait3A_89 = tpu.memref_slice %arg10[%dma_wait3A_86, %dma_wait3A_87, %dma_wait3A_88] : memref<2x128x128xf32, #tpu.memory_space<vmem>> -> memref<1x128x128xf32, #tpu.memory_space<vmem>>
        %dma_wait3A_90 = tpu.memref_squeeze %dma_wait3A_89 : memref<1x128x128xf32, #tpu.memory_space<vmem>> -> memref<128x128xf32, #tpu.memory_space<vmem>>
        %dma_wait3A_91 = tpu.memref_slice %arg8[%mul3A_85] : memref<5120xi32, #tpu.memory_space<vmem>> -> memref<128xi32, #tpu.memory_space<vmem>>
        %dma_wait3A_92 = arith.constant 0 : i32
        %dma_wait3A_93 = arith.constant 0 : i32
        %dma_wait3A_94 = tpu.memref_slice %arg2[%dma_wait3A_92, %dma_wait3A_93] : memref<10000x128xf32, #tpu.memory_space<hbm>> -> memref<10000x128xf32, #tpu.memory_space<hbm>>
        tpu.wait_indirect_dma semaphore(%arg18 : memref<!tpu.dma_semaphore, #tpu.memory_space<semaphore_mem>>) src(%dma_wait3A_94 : memref<10000x128xf32, #tpu.memory_space<hbm>>) dst(%dma_wait3A_90 : memref<128x128xf32, #tpu.memory_space<vmem>>)
        %dma_wait3A_95 = arith.constant 1 : i32
        %dma_wait3A_96 = arith.constant 0 : i32
        %dma_wait3A_97 = arith.constant 0 : i32
        %dma_wait3A_98 = tpu.memref_slice %arg11[%dma_wait3A_95, %dma_wait3A_96, %dma_wait3A_97] : memref<2x128x128xf32, #tpu.memory_space<vmem>> -> memref<1x128x128xf32, #tpu.memory_space<vmem>>
        %dma_wait3A_99 = tpu.memref_squeeze %dma_wait3A_98 : memref<1x128x128xf32, #tpu.memory_space<vmem>> -> memref<128x128xf32, #tpu.memory_space<vmem>>
        %dma_wait3A_100 = tpu.memref_slice %arg8[%mul3A_85] : memref<5120xi32, #tpu.memory_space<vmem>> -> memref<128xi32, #tpu.memory_space<vmem>>
        %dma_wait3A_101 = arith.constant 0 : i32
        %dma_wait3A_102 = arith.constant 0 : i32
        %dma_wait3A_103 = tpu.memref_slice %arg3[%dma_wait3A_101, %dma_wait3A_102] : memref<10000x128xf32, #tpu.memory_space<hbm>> -> memref<10000x128xf32, #tpu.memory_space<hbm>>
        tpu.wait_indirect_dma semaphore(%arg18 : memref<!tpu.dma_semaphore, #tpu.memory_space<semaphore_mem>>) src(%dma_wait3A_103 : memref<10000x128xf32, #tpu.memory_space<hbm>>) dst(%dma_wait3A_99 : memref<128x128xf32, #tpu.memory_space<vmem>>)
        %dma_wait3A_104 = arith.constant 1 : i32
        %dma_wait3A_105 = arith.constant 0 : i32
        %dma_wait3A_106 = arith.constant 0 : i32
        %dma_wait3A_107 = tpu.memref_slice %arg12[%dma_wait3A_104, %dma_wait3A_105, %dma_wait3A_106] : memref<2x128x16xf32, #tpu.memory_space<vmem>> -> memref<1x128x16xf32, #tpu.memory_space<vmem>>
        %dma_wait3A_108 = tpu.memref_squeeze %dma_wait3A_107 : memref<1x128x16xf32, #tpu.memory_space<vmem>> -> memref<128x16xf32, #tpu.memory_space<vmem>>
        %dma_wait3A_109 = tpu.memref_slice %arg8[%mul3A_85] : memref<5120xi32, #tpu.memory_space<vmem>> -> memref<128xi32, #tpu.memory_space<vmem>>
        %dma_wait3A_110 = arith.constant 0 : i32
        %dma_wait3A_111 = arith.constant 0 : i32
        %dma_wait3A_112 = tpu.memref_slice %arg4[%dma_wait3A_110, %dma_wait3A_111] : memref<10000x16xf32, #tpu.memory_space<hbm>> -> memref<10000x16xf32, #tpu.memory_space<hbm>>
        tpu.wait_indirect_dma semaphore(%arg18 : memref<!tpu.dma_semaphore, #tpu.memory_space<semaphore_mem>>) src(%dma_wait3A_112 : memref<10000x16xf32, #tpu.memory_space<hbm>>) dst(%dma_wait3A_108 : memref<128x16xf32, #tpu.memory_space<vmem>>)
        %add3A_113 = arith.addi %add3A_8, %add3A_65 : i32
        %mul3A_114 = arith.constant 128 : i32
        %mul3A_115 = arith.muli %add3A_113, %mul3A_114 : i32
        %dma_wait3A_116 = arith.constant 1 : i32
        %dma_wait3A_117 = arith.constant 0 : i32
        %dma_wait3A_118 = arith.constant 0 : i32
        %dma_wait3A_119 = tpu.memref_slice %arg13[%dma_wait3A_116, %dma_wait3A_117, %dma_wait3A_118] : memref<2x128x16xf32, #tpu.memory_space<vmem>> -> memref<1x128x16xf32, #tpu.memory_space<vmem>>
        %dma_wait3A_120 = tpu.memref_squeeze %dma_wait3A_119 : memref<1x128x16xf32, #tpu.memory_space<vmem>> -> memref<128x16xf32, #tpu.memory_space<vmem>>
        %dma_wait3A_121 = arith.constant 0 : i32
        %dma_wait3A_122 = tpu.memref_slice %arg6[%mul3A_115, %dma_wait3A_121] : memref<160000x16xf32, #tpu.memory_space<hbm>> -> memref<128x16xf32, #tpu.memory_space<hbm>>
        %dma_wait3A_123 = arith.constant 0 : i32
        %dma_wait3A_124 = arith.constant 0 : i32
        %dma_wait3A_125 = tpu.memref_slice %arg13[%dma_wait3A_116, %dma_wait3A_123, %dma_wait3A_124] : memref<2x128x16xf32, #tpu.memory_space<vmem>> -> memref<1x128x16xf32, #tpu.memory_space<vmem>>
        %dma_wait3A_126 = tpu.memref_squeeze %dma_wait3A_125 : memref<1x128x16xf32, #tpu.memory_space<vmem>> -> memref<128x16xf32, #tpu.memory_space<vmem>>
        %dma_wait3A_127 = arith.constant 0 : i32
        %dma_wait3A_128 = tpu.memref_slice %arg6[%mul3A_115, %dma_wait3A_127] : memref<160000x16xf32, #tpu.memory_space<hbm>> -> memref<128x16xf32, #tpu.memory_space<hbm>>
        tpu.wait_dma2 semaphore(%arg20 : memref<!tpu.dma_semaphore, #tpu.memory_space<semaphore_mem>>) src(%dma_wait3A_128 : memref<128x16xf32, #tpu.memory_space<hbm>>) dst(%dma_wait3A_126 : memref<128x16xf32, #tpu.memory_space<vmem>>)
        %ge3A = arith.constant 2 : i32
        %ge3A_129 = arith.cmpi sge, %add3A_65, %ge3A : i32
        %convert_element_type3A_130 = arith.extui %ge3A_129 : i1 to i32
        %cond3A_131 = arith.constant 0 : i32
        %cond3A_132 = arith.cmpi ne, %convert_element_type3A_130, %cond3A_131 : i32
        scf.if %cond3A_132 {
          %mul3A_149 = arith.constant 128 : i32
          %mul3A_150 = arith.muli %add3A_65, %mul3A_149 : i32
          %dma_wait3A_151 = arith.constant 1 : i32
          %dma_wait3A_152 = arith.constant 0 : i32
          %dma_wait3A_153 = arith.constant 0 : i32
          %dma_wait3A_154 = tpu.memref_slice %arg14[%dma_wait3A_151, %dma_wait3A_152, %dma_wait3A_153] : memref<2x128x16xf32, #tpu.memory_space<vmem>> -> memref<1x128x16xf32, #tpu.memory_space<vmem>>
          %dma_wait3A_155 = tpu.memref_squeeze %dma_wait3A_154 : memref<1x128x16xf32, #tpu.memory_space<vmem>> -> memref<128x16xf32, #tpu.memory_space<vmem>>
          %dma_wait3A_156 = tpu.memref_slice %arg9[%mul3A_150] : memref<5120xi32, #tpu.memory_space<vmem>> -> memref<128xi32, #tpu.memory_space<vmem>>
          %dma_wait3A_157 = arith.constant 0 : i32
          %dma_wait3A_158 = arith.constant 0 : i32
          %dma_wait3A_159 = tpu.memref_slice %arg16[%dma_wait3A_157, %dma_wait3A_158] : memref<10000x16xf32, #tpu.memory_space<vmem_shared>> -> memref<10000x16xf32, #tpu.memory_space<vmem_shared>>
          tpu.wait_indirect_dma semaphore(%arg22 : memref<!tpu.dma_semaphore, #tpu.memory_space<semaphore_mem>>) src(%dma_wait3A_155 : memref<128x16xf32, #tpu.memory_space<vmem>>) dst(%dma_wait3A_159 : memref<10000x16xf32, #tpu.memory_space<vmem_shared>>)
        } else {
        }
        %scan3A_133 = arith.constant 0 : i32
        %scan3A_134 = arith.constant 0 : i32
        %scan3A_135 = arith.constant 128 : i32
        %scan3A_136 = arith.addi %scan3A_134, %scan3A_135 : i32
        %scan3A_137 = arith.constant 4 : i32
        scf.for %scan3A_149 = %scan3A_134 to %scan3A_136 step %scan3A_137  : i32 {
          %get3A = arith.constant 1 : i32
          %get3A_150 = arith.index_cast %get3A : i32 to index
          %get3A_151 = arith.index_cast %scan3A_149 : i32 to index
          %get3A_152 = arith.constant 0 : index
          %get3A_153 = tpu.vector_load %arg13[%get3A_150, %get3A_151, %get3A_152] {strides = array<i32>} : memref<2x128x16xf32, #tpu.memory_space<vmem>>, vector<1x1x16xf32>,
          %get3A_154 = vector.shape_cast %get3A_153 : vector<1x1x16xf32> to vector<16xf32>
          %slice3A = vector.extract_strided_slice %get3A_154 {offsets = [0], sizes = [1], strides = [1]} : vector<16xf32> to vector<1xf32>
          %squeeze3A = vector.extract %slice3A[0] : f32 from vector<1xf32>
          %get3A_155 = arith.constant 1 : i32
          %get3A_156 = arith.index_cast %get3A_155 : i32 to index
          %get3A_157 = arith.index_cast %scan3A_149 : i32 to index
          %get3A_158 = arith.constant 0 : index
          %get3A_159 = tpu.vector_load %arg10[%get3A_156, %get3A_157, %get3A_158] {strides = array<i32>} : memref<2x128x128xf32, #tpu.memory_space<vmem>>, vector<1x1x16xf32>,
          %get3A_160 = vector.shape_cast %get3A_159 : vector<1x1x16xf32> to vector<16xf32>
          %mul3A_161 = vector.broadcast %squeeze3A : f32 to vector<16xf32>
          %mul3A_162 = arith.mulf %mul3A_161, %get3A_160 : vector<16xf32>
          %slice3A_163 = vector.extract_strided_slice %get3A_154 {offsets = [1], sizes = [1], strides = [1]} : vector<16xf32> to vector<1xf32>
          %squeeze3A_164 = vector.extract %slice3A_163[0] : f32 from vector<1xf32>
          %get3A_165 = arith.constant 1 : i32
          %get3A_166 = arith.index_cast %get3A_165 : i32 to index
          %get3A_167 = arith.index_cast %scan3A_149 : i32 to index
          %get3A_168 = arith.constant 16 : index
          %get3A_169 = tpu.vector_load %arg10[%get3A_166, %get3A_167, %get3A_168] {strides = array<i32>} : memref<2x128x128xf32, #tpu.memory_space<vmem>>, vector<1x1x16xf32>,
          %get3A_170 = vector.shape_cast %get3A_169 : vector<1x1x16xf32> to vector<16xf32>
          %mul3A_171 = vector.broadcast %squeeze3A_164 : f32 to vector<16xf32>
          %mul3A_172 = arith.mulf %mul3A_171, %get3A_170 : vector<16xf32>
          %slice3A_173 = vector.extract_strided_slice %get3A_154 {offsets = [2], sizes = [1], strides = [1]} : vector<16xf32> to vector<1xf32>
          %squeeze3A_174 = vector.extract %slice3A_173[0] : f32 from vector<1xf32>
          %get3A_175 = arith.constant 1 : i32
          %get3A_176 = arith.index_cast %get3A_175 : i32 to index
          %get3A_177 = arith.index_cast %scan3A_149 : i32 to index
          %get3A_178 = arith.constant 32 : index
          %get3A_179 = tpu.vector_load %arg10[%get3A_176, %get3A_177, %get3A_178] {strides = array<i32>} : memref<2x128x128xf32, #tpu.memory_space<vmem>>, vector<1x1x16xf32>,
          %get3A_180 = vector.shape_cast %get3A_179 : vector<1x1x16xf32> to vector<16xf32>
          %mul3A_181 = vector.broadcast %squeeze3A_174 : f32 to vector<16xf32>
          %mul3A_182 = arith.mulf %mul3A_181, %get3A_180 : vector<16xf32>
          %slice3A_183 = vector.extract_strided_slice %get3A_154 {offsets = [3], sizes = [1], strides = [1]} : vector<16xf32> to vector<1xf32>
          %squeeze3A_184 = vector.extract %slice3A_183[0] : f32 from vector<1xf32>
          %get3A_185 = arith.constant 1 : i32
          %get3A_186 = arith.index_cast %get3A_185 : i32 to index
          %get3A_187 = arith.index_cast %scan3A_149 : i32 to index
          %get3A_188 = arith.constant 48 : index
          %get3A_189 = tpu.vector_load %arg10[%get3A_186, %get3A_187, %get3A_188] {strides = array<i32>} : memref<2x128x128xf32, #tpu.memory_space<vmem>>, vector<1x1x16xf32>,
          %get3A_190 = vector.shape_cast %get3A_189 : vector<1x1x16xf32> to vector<16xf32>
          %mul3A_191 = vector.broadcast %squeeze3A_184 : f32 to vector<16xf32>
          %mul3A_192 = arith.mulf %mul3A_191, %get3A_190 : vector<16xf32>
          %slice3A_193 = vector.extract_strided_slice %get3A_154 {offsets = [4], sizes = [1], strides = [1]} : vector<16xf32> to vector<1xf32>
          %squeeze3A_194 = vector.extract %slice3A_193[0] : f32 from vector<1xf32>
          %get3A_195 = arith.constant 1 : i32
          %get3A_196 = arith.index_cast %get3A_195 : i32 to index
          %get3A_197 = arith.index_cast %scan3A_149 : i32 to index
          %get3A_198 = arith.constant 64 : index
          %get3A_199 = tpu.vector_load %arg10[%get3A_196, %get3A_197, %get3A_198] {strides = array<i32>} : memref<2x128x128xf32, #tpu.memory_space<vmem>>, vector<1x1x16xf32>,
          %get3A_200 = vector.shape_cast %get3A_199 : vector<1x1x16xf32> to vector<16xf32>
          %mul3A_201 = vector.broadcast %squeeze3A_194 : f32 to vector<16xf32>
          %mul3A_202 = arith.mulf %mul3A_201, %get3A_200 : vector<16xf32>
          %slice3A_203 = vector.extract_strided_slice %get3A_154 {offsets = [5], sizes = [1], strides = [1]} : vector<16xf32> to vector<1xf32>
          %squeeze3A_204 = vector.extract %slice3A_203[0] : f32 from vector<1xf32>
          %get3A_205 = arith.constant 1 : i32
          %get3A_206 = arith.index_cast %get3A_205 : i32 to index
          %get3A_207 = arith.index_cast %scan3A_149 : i32 to index
          %get3A_208 = arith.constant 80 : index
          %get3A_209 = tpu.vector_load %arg10[%get3A_206, %get3A_207, %get3A_208] {strides = array<i32>} : memref<2x128x128xf32, #tpu.memory_space<vmem>>, vector<1x1x16xf32>,
          %get3A_210 = vector.shape_cast %get3A_209 : vector<1x1x16xf32> to vector<16xf32>
          %mul3A_211 = vector.broadcast %squeeze3A_204 : f32 to vector<16xf32>
          %mul3A_212 = arith.mulf %mul3A_211, %get3A_210 : vector<16xf32>
          %slice3A_213 = vector.extract_strided_slice %get3A_154 {offsets = [6], sizes = [1], strides = [1]} : vector<16xf32> to vector<1xf32>
          %squeeze3A_214 = vector.extract %slice3A_213[0] : f32 from vector<1xf32>
          %get3A_215 = arith.constant 1 : i32
          %get3A_216 = arith.index_cast %get3A_215 : i32 to index
          %get3A_217 = arith.index_cast %scan3A_149 : i32 to index
          %get3A_218 = arith.constant 96 : index
          %get3A_219 = tpu.vector_load %arg10[%get3A_216, %get3A_217, %get3A_218] {strides = array<i32>} : memref<2x128x128xf32, #tpu.memory_space<vmem>>, vector<1x1x16xf32>,
          %get3A_220 = vector.shape_cast %get3A_219 : vector<1x1x16xf32> to vector<16xf32>
          %mul3A_221 = vector.broadcast %squeeze3A_214 : f32 to vector<16xf32>
          %mul3A_222 = arith.mulf %mul3A_221, %get3A_220 : vector<16xf32>
          %slice3A_223 = vector.extract_strided_slice %get3A_154 {offsets = [7], sizes = [1], strides = [1]} : vector<16xf32> to vector<1xf32>
          %squeeze3A_224 = vector.extract %slice3A_223[0] : f32 from vector<1xf32>
          %get3A_225 = arith.constant 1 : i32
          %get3A_226 = arith.index_cast %get3A_225 : i32 to index
          %get3A_227 = arith.index_cast %scan3A_149 : i32 to index
          %get3A_228 = arith.constant 112 : index
          %get3A_229 = tpu.vector_load %arg10[%get3A_226, %get3A_227, %get3A_228] {strides = array<i32>} : memref<2x128x128xf32, #tpu.memory_space<vmem>>, vector<1x1x16xf32>,
          %get3A_230 = vector.shape_cast %get3A_229 : vector<1x1x16xf32> to vector<16xf32>
          %mul3A_231 = vector.broadcast %squeeze3A_224 : f32 to vector<16xf32>
          %mul3A_232 = arith.mulf %mul3A_231, %get3A_230 : vector<16xf32>
          %slice3A_233 = vector.extract_strided_slice %get3A_154 {offsets = [8], sizes = [1], strides = [1]} : vector<16xf32> to vector<1xf32>
          %squeeze3A_234 = vector.extract %slice3A_233[0] : f32 from vector<1xf32>
          %get3A_235 = arith.constant 1 : i32
          %get3A_236 = arith.index_cast %get3A_235 : i32 to index
          %get3A_237 = arith.index_cast %scan3A_149 : i32 to index
          %get3A_238 = arith.constant 0 : index
          %get3A_239 = tpu.vector_load %arg11[%get3A_236, %get3A_237, %get3A_238] {strides = array<i32>} : memref<2x128x128xf32, #tpu.memory_space<vmem>>, vector<1x1x16xf32>,
          %get3A_240 = vector.shape_cast %get3A_239 : vector<1x1x16xf32> to vector<16xf32>
          %mul3A_241 = vector.broadcast %squeeze3A_234 : f32 to vector<16xf32>
          %mul3A_242 = arith.mulf %mul3A_241, %get3A_240 : vector<16xf32>
          %slice3A_243 = vector.extract_strided_slice %get3A_154 {offsets = [9], sizes = [1], strides = [1]} : vector<16xf32> to vector<1xf32>
          %squeeze3A_244 = vector.extract %slice3A_243[0] : f32 from vector<1xf32>
          %get3A_245 = arith.constant 1 : i32
          %get3A_246 = arith.index_cast %get3A_245 : i32 to index
          %get3A_247 = arith.index_cast %scan3A_149 : i32 to index
          %get3A_248 = arith.constant 16 : index
          %get3A_249 = tpu.vector_load %arg11[%get3A_246, %get3A_247, %get3A_248] {strides = array<i32>} : memref<2x128x128xf32, #tpu.memory_space<vmem>>, vector<1x1x16xf32>,
          %get3A_250 = vector.shape_cast %get3A_249 : vector<1x1x16xf32> to vector<16xf32>
          %mul3A_251 = vector.broadcast %squeeze3A_244 : f32 to vector<16xf32>
          %mul3A_252 = arith.mulf %mul3A_251, %get3A_250 : vector<16xf32>
          %slice3A_253 = vector.extract_strided_slice %get3A_154 {offsets = [10], sizes = [1], strides = [1]} : vector<16xf32> to vector<1xf32>
          %squeeze3A_254 = vector.extract %slice3A_253[0] : f32 from vector<1xf32>
          %get3A_255 = arith.constant 1 : i32
          %get3A_256 = arith.index_cast %get3A_255 : i32 to index
          %get3A_257 = arith.index_cast %scan3A_149 : i32 to index
          %get3A_258 = arith.constant 32 : index
          %get3A_259 = tpu.vector_load %arg11[%get3A_256, %get3A_257, %get3A_258] {strides = array<i32>} : memref<2x128x128xf32, #tpu.memory_space<vmem>>, vector<1x1x16xf32>,
          %get3A_260 = vector.shape_cast %get3A_259 : vector<1x1x16xf32> to vector<16xf32>
          %mul3A_261 = vector.broadcast %squeeze3A_254 : f32 to vector<16xf32>
          %mul3A_262 = arith.mulf %mul3A_261, %get3A_260 : vector<16xf32>
          %slice3A_263 = vector.extract_strided_slice %get3A_154 {offsets = [11], sizes = [1], strides = [1]} : vector<16xf32> to vector<1xf32>
          %squeeze3A_264 = vector.extract %slice3A_263[0] : f32 from vector<1xf32>
          %get3A_265 = arith.constant 1 : i32
          %get3A_266 = arith.index_cast %get3A_265 : i32 to index
          %get3A_267 = arith.index_cast %scan3A_149 : i32 to index
          %get3A_268 = arith.constant 48 : index
          %get3A_269 = tpu.vector_load %arg11[%get3A_266, %get3A_267, %get3A_268] {strides = array<i32>} : memref<2x128x128xf32, #tpu.memory_space<vmem>>, vector<1x1x16xf32>,
          %get3A_270 = vector.shape_cast %get3A_269 : vector<1x1x16xf32> to vector<16xf32>
          %mul3A_271 = vector.broadcast %squeeze3A_264 : f32 to vector<16xf32>
          %mul3A_272 = arith.mulf %mul3A_271, %get3A_270 : vector<16xf32>
          %slice3A_273 = vector.extract_strided_slice %get3A_154 {offsets = [12], sizes = [1], strides = [1]} : vector<16xf32> to vector<1xf32>
          %squeeze3A_274 = vector.extract %slice3A_273[0] : f32 from vector<1xf32>
          %get3A_275 = arith.constant 1 : i32
          %get3A_276 = arith.index_cast %get3A_275 : i32 to index
          %get3A_277 = arith.index_cast %scan3A_149 : i32 to index
          %get3A_278 = arith.constant 64 : index
          %get3A_279 = tpu.vector_load %arg11[%get3A_276, %get3A_277, %get3A_278] {strides = array<i32>} : memref<2x128x128xf32, #tpu.memory_space<vmem>>, vector<1x1x16xf32>,
          %get3A_280 = vector.shape_cast %get3A_279 : vector<1x1x16xf32> to vector<16xf32>
          %mul3A_281 = vector.broadcast %squeeze3A_274 : f32 to vector<16xf32>
          %mul3A_282 = arith.mulf %mul3A_281, %get3A_280 : vector<16xf32>
          %slice3A_283 = vector.extract_strided_slice %get3A_154 {offsets = [13], sizes = [1], strides = [1]} : vector<16xf32> to vector<1xf32>
          %squeeze3A_284 = vector.extract %slice3A_283[0] : f32 from vector<1xf32>
          %get3A_285 = arith.constant 1 : i32
          %get3A_286 = arith.index_cast %get3A_285 : i32 to index
          %get3A_287 = arith.index_cast %scan3A_149 : i32 to index
          %get3A_288 = arith.constant 80 : index
          %get3A_289 = tpu.vector_load %arg11[%get3A_286, %get3A_287, %get3A_288] {strides = array<i32>} : memref<2x128x128xf32, #tpu.memory_space<vmem>>, vector<1x1x16xf32>,
          %get3A_290 = vector.shape_cast %get3A_289 : vector<1x1x16xf32> to vector<16xf32>
          %mul3A_291 = vector.broadcast %squeeze3A_284 : f32 to vector<16xf32>
          %mul3A_292 = arith.mulf %mul3A_291, %get3A_290 : vector<16xf32>
          %slice3A_293 = vector.extract_strided_slice %get3A_154 {offsets = [14], sizes = [1], strides = [1]} : vector<16xf32> to vector<1xf32>
          %squeeze3A_294 = vector.extract %slice3A_293[0] : f32 from vector<1xf32>
          %get3A_295 = arith.constant 1 : i32
          %get3A_296 = arith.index_cast %get3A_295 : i32 to index
          %get3A_297 = arith.index_cast %scan3A_149 : i32 to index
          %get3A_298 = arith.constant 96 : index
          %get3A_299 = tpu.vector_load %arg11[%get3A_296, %get3A_297, %get3A_298] {strides = array<i32>} : memref<2x128x128xf32, #tpu.memory_space<vmem>>, vector<1x1x16xf32>,
          %get3A_300 = vector.shape_cast %get3A_299 : vector<1x1x16xf32> to vector<16xf32>
          %mul3A_301 = vector.broadcast %squeeze3A_294 : f32 to vector<16xf32>
          %mul3A_302 = arith.mulf %mul3A_301, %get3A_300 : vector<16xf32>
          %slice3A_303 = vector.extract_strided_slice %get3A_154 {offsets = [15], sizes = [1], strides = [1]} : vector<16xf32> to vector<1xf32>
          %squeeze3A_304 = vector.extract %slice3A_303[0] : f32 from vector<1xf32>
          %get3A_305 = arith.constant 1 : i32
          %get3A_306 = arith.index_cast %get3A_305 : i32 to index
          %get3A_307 = arith.index_cast %scan3A_149 : i32 to index
          %get3A_308 = arith.constant 112 : index
          %get3A_309 = tpu.vector_load %arg11[%get3A_306, %get3A_307, %get3A_308] {strides = array<i32>} : memref<2x128x128xf32, #tpu.memory_space<vmem>>, vector<1x1x16xf32>,
          %get3A_310 = vector.shape_cast %get3A_309 : vector<1x1x16xf32> to vector<16xf32>
          %mul3A_311 = vector.broadcast %squeeze3A_304 : f32 to vector<16xf32>
          %mul3A_312 = arith.mulf %mul3A_311, %get3A_310 : vector<16xf32>
          %get3A_313 = arith.constant 1 : i32
          %get3A_314 = arith.index_cast %get3A_313 : i32 to index
          %get3A_315 = arith.index_cast %scan3A_149 : i32 to index
          %get3A_316 = arith.constant 0 : index
          %get3A_317 = tpu.vector_load %arg12[%get3A_314, %get3A_315, %get3A_316] {strides = array<i32>} : memref<2x128x16xf32, #tpu.memory_space<vmem>>, vector<1x1x16xf32>,
          %get3A_318 = vector.shape_cast %get3A_317 : vector<1x1x16xf32> to vector<16xf32>
          %add3A_319 = arith.addf %mul3A_162, %mul3A_172 : vector<16xf32>
          %add3A_320 = arith.addf %mul3A_182, %mul3A_192 : vector<16xf32>
          %add3A_321 = arith.addf %mul3A_202, %mul3A_212 : vector<16xf32>
          %add3A_322 = arith.addf %mul3A_222, %mul3A_232 : vector<16xf32>
          %add3A_323 = arith.addf %mul3A_242, %mul3A_252 : vector<16xf32>
          %add3A_324 = arith.addf %mul3A_262, %mul3A_272 : vector<16xf32>
          %add3A_325 = arith.addf %mul3A_282, %mul3A_292 : vector<16xf32>
          %add3A_326 = arith.addf %mul3A_302, %mul3A_312 : vector<16xf32>
          %add3A_327 = arith.addf %add3A_319, %add3A_320 : vector<16xf32>
          %add3A_328 = arith.addf %add3A_321, %add3A_322 : vector<16xf32>
          %add3A_329 = arith.addf %add3A_323, %add3A_324 : vector<16xf32>
          %add3A_330 = arith.addf %add3A_325, %add3A_326 : vector<16xf32>
          %add3A_331 = arith.addf %add3A_327, %add3A_328 : vector<16xf32>
          %add3A_332 = arith.addf %add3A_329, %add3A_330 : vector<16xf32>
          %add3A_333 = arith.addf %add3A_331, %add3A_332 : vector<16xf32>
          %add3A_334 = arith.addf %add3A_333, %get3A_318 : vector<16xf32>
          %swap3A = arith.constant 1 : i32
          %swap3A_335 = arith.index_cast %swap3A : i32 to index
          %swap3A_336 = arith.index_cast %scan3A_149 : i32 to index
          %swap3A_337 = arith.constant 0 : index
          %swap3A_338 = tpu.vector_load %arg14[%swap3A_335, %swap3A_336, %swap3A_337] {strides = array<i32>} : memref<2x128x16xf32, #tpu.memory_space<vmem>>, vector<1x1x16xf32>,
          %swap3A_339 = vector.shape_cast %swap3A_338 : vector<1x1x16xf32> to vector<16xf32>
          %swap3A_340 = vector.shape_cast %add3A_334 : vector<16xf32> to vector<1x1x16xf32>
          tpu.vector_store %arg14[%swap3A_335, %swap3A_336, %swap3A_337], %swap3A_340 {strides = array<i32>} : memref<2x128x16xf32, #tpu.memory_space<vmem>>, vector<1x1x16xf32>,
          %scan3A_341 = arith.constant 1 : i32
          %scan3A_342 = arith.addi %scan3A_149, %scan3A_341 : i32
          %get3A_343 = arith.constant 1 : i32
          %get3A_344 = arith.index_cast %get3A_343 : i32 to index
          %get3A_345 = arith.index_cast %scan3A_342 : i32 to index
          %get3A_346 = arith.constant 0 : index
          %get3A_347 = tpu.vector_load %arg13[%get3A_344, %get3A_345, %get3A_346] {strides = array<i32>} : memref<2x128x16xf32, #tpu.memory_space<vmem>>, vector<1x1x16xf32>,
          %get3A_348 = vector.shape_cast %get3A_347 : vector<1x1x16xf32> to vector<16xf32>
          %slice3A_349 = vector.extract_strided_slice %get3A_348 {offsets = [0], sizes = [1], strides = [1]} : vector<16xf32> to vector<1xf32>
          %squeeze3A_350 = vector.extract %slice3A_349[0] : f32 from vector<1xf32>
          %get3A_351 = arith.constant 1 : i32
          %get3A_352 = arith.index_cast %get3A_351 : i32 to index
          %get3A_353 = arith.index_cast %scan3A_342 : i32 to index
          %get3A_354 = arith.constant 0 : index
          %get3A_355 = tpu.vector_load %arg10[%get3A_352, %get3A_353, %get3A_354] {strides = array<i32>} : memref<2x128x128xf32, #tpu.memory_space<vmem>>, vector<1x1x16xf32>,
          %get3A_356 = vector.shape_cast %get3A_355 : vector<1x1x16xf32> to vector<16xf32>
          %mul3A_357 = vector.broadcast %squeeze3A_350 : f32 to vector<16xf32>
          %mul3A_358 = arith.mulf %mul3A_357, %get3A_356 : vector<16xf32>
          %slice3A_359 = vector.extract_strided_slice %get3A_348 {offsets = [1], sizes = [1], strides = [1]} : vector<16xf32> to vector<1xf32>
          %squeeze3A_360 = vector.extract %slice3A_359[0] : f32 from vector<1xf32>
          %get3A_361 = arith.constant 1 : i32
          %get3A_362 = arith.index_cast %get3A_361 : i32 to index
          %get3A_363 = arith.index_cast %scan3A_342 : i32 to index
          %get3A_364 = arith.constant 16 : index
          %get3A_365 = tpu.vector_load %arg10[%get3A_362, %get3A_363, %get3A_364] {strides = array<i32>} : memref<2x128x128xf32, #tpu.memory_space<vmem>>, vector<1x1x16xf32>,
          %get3A_366 = vector.shape_cast %get3A_365 : vector<1x1x16xf32> to vector<16xf32>
          %mul3A_367 = vector.broadcast %squeeze3A_360 : f32 to vector<16xf32>
          %mul3A_368 = arith.mulf %mul3A_367, %get3A_366 : vector<16xf32>
          %slice3A_369 = vector.extract_strided_slice %get3A_348 {offsets = [2], sizes = [1], strides = [1]} : vector<16xf32> to vector<1xf32>
          %squeeze3A_370 = vector.extract %slice3A_369[0] : f32 from vector<1xf32>
          %get3A_371 = arith.constant 1 : i32
          %get3A_372 = arith.index_cast %get3A_371 : i32 to index
          %get3A_373 = arith.index_cast %scan3A_342 : i32 to index
          %get3A_374 = arith.constant 32 : index
          %get3A_375 = tpu.vector_load %arg10[%get3A_372, %get3A_373, %get3A_374] {strides = array<i32>} : memref<2x128x128xf32, #tpu.memory_space<vmem>>, vector<1x1x16xf32>,
          %get3A_376 = vector.shape_cast %get3A_375 : vector<1x1x16xf32> to vector<16xf32>
          %mul3A_377 = vector.broadcast %squeeze3A_370 : f32 to vector<16xf32>
          %mul3A_378 = arith.mulf %mul3A_377, %get3A_376 : vector<16xf32>
          %slice3A_379 = vector.extract_strided_slice %get3A_348 {offsets = [3], sizes = [1], strides = [1]} : vector<16xf32> to vector<1xf32>
          %squeeze3A_380 = vector.extract %slice3A_379[0] : f32 from vector<1xf32>
          %get3A_381 = arith.constant 1 : i32
          %get3A_382 = arith.index_cast %get3A_381 : i32 to index
          %get3A_383 = arith.index_cast %scan3A_342 : i32 to index
          %get3A_384 = arith.constant 48 : index
          %get3A_385 = tpu.vector_load %arg10[%get3A_382, %get3A_383, %get3A_384] {strides = array<i32>} : memref<2x128x128xf32, #tpu.memory_space<vmem>>, vector<1x1x16xf32>,
          %get3A_386 = vector.shape_cast %get3A_385 : vector<1x1x16xf32> to vector<16xf32>
          %mul3A_387 = vector.broadcast %squeeze3A_380 : f32 to vector<16xf32>
          %mul3A_388 = arith.mulf %mul3A_387, %get3A_386 : vector<16xf32>
          %slice3A_389 = vector.extract_strided_slice %get3A_348 {offsets = [4], sizes = [1], strides = [1]} : vector<16xf32> to vector<1xf32>
          %squeeze3A_390 = vector.extract %slice3A_389[0] : f32 from vector<1xf32>
          %get3A_391 = arith.constant 1 : i32
          %get3A_392 = arith.index_cast %get3A_391 : i32 to index
          %get3A_393 = arith.index_cast %scan3A_342 : i32 to index
          %get3A_394 = arith.constant 64 : index
          %get3A_395 = tpu.vector_load %arg10[%get3A_392, %get3A_393, %get3A_394] {strides = array<i32>} : memref<2x128x128xf32, #tpu.memory_space<vmem>>, vector<1x1x16xf32>,
          %get3A_396 = vector.shape_cast %get3A_395 : vector<1x1x16xf32> to vector<16xf32>
          %mul3A_397 = vector.broadcast %squeeze3A_390 : f32 to vector<16xf32>
          %mul3A_398 = arith.mulf %mul3A_397, %get3A_396 : vector<16xf32>
          %slice3A_399 = vector.extract_strided_slice %get3A_348 {offsets = [5], sizes = [1], strides = [1]} : vector<16xf32> to vector<1xf32>
          %squeeze3A_400 = vector.extract %slice3A_399[0] : f32 from vector<1xf32>
          %get3A_401 = arith.constant 1 : i32
          %get3A_402 = arith.index_cast %get3A_401 : i32 to index
          %get3A_403 = arith.index_cast %scan3A_342 : i32 to index
          %get3A_404 = arith.constant 80 : index
          %get3A_405 = tpu.vector_load %arg10[%get3A_402, %get3A_403, %get3A_404] {strides = array<i32>} : memref<2x128x128xf32, #tpu.memory_space<vmem>>, vector<1x1x16xf32>,
          %get3A_406 = vector.shape_cast %get3A_405 : vector<1x1x16xf32> to vector<16xf32>
          %mul3A_407 = vector.broadcast %squeeze3A_400 : f32 to vector<16xf32>
          %mul3A_408 = arith.mulf %mul3A_407, %get3A_406 : vector<16xf32>
          %slice3A_409 = vector.extract_strided_slice %get3A_348 {offsets = [6], sizes = [1], strides = [1]} : vector<16xf32> to vector<1xf32>
          %squeeze3A_410 = vector.extract %slice3A_409[0] : f32 from vector<1xf32>
          %get3A_411 = arith.constant 1 : i32
          %get3A_412 = arith.index_cast %get3A_411 : i32 to index
          %get3A_413 = arith.index_cast %scan3A_342 : i32 to index
          %get3A_414 = arith.constant 96 : index
          %get3A_415 = tpu.vector_load %arg10[%get3A_412, %get3A_413, %get3A_414] {strides = array<i32>} : memref<2x128x128xf32, #tpu.memory_space<vmem>>, vector<1x1x16xf32>,
          %get3A_416 = vector.shape_cast %get3A_415 : vector<1x1x16xf32> to vector<16xf32>
          %mul3A_417 = vector.broadcast %squeeze3A_410 : f32 to vector<16xf32>
          %mul3A_418 = arith.mulf %mul3A_417, %get3A_416 : vector<16xf32>
          %slice3A_419 = vector.extract_strided_slice %get3A_348 {offsets = [7], sizes = [1], strides = [1]} : vector<16xf32> to vector<1xf32>
          %squeeze3A_420 = vector.extract %slice3A_419[0] : f32 from vector<1xf32>
          %get3A_421 = arith.constant 1 : i32
          %get3A_422 = arith.index_cast %get3A_421 : i32 to index
          %get3A_423 = arith.index_cast %scan3A_342 : i32 to index
          %get3A_424 = arith.constant 112 : index
          %get3A_425 = tpu.vector_load %arg10[%get3A_422, %get3A_423, %get3A_424] {strides = array<i32>} : memref<2x128x128xf32, #tpu.memory_space<vmem>>, vector<1x1x16xf32>,
          %get3A_426 = vector.shape_cast %get3A_425 : vector<1x1x16xf32> to vector<16xf32>
          %mul3A_427 = vector.broadcast %squeeze3A_420 : f32 to vector<16xf32>
          %mul3A_428 = arith.mulf %mul3A_427, %get3A_426 : vector<16xf32>
          %slice3A_429 = vector.extract_strided_slice %get3A_348 {offsets = [8], sizes = [1], strides = [1]} : vector<16xf32> to vector<1xf32>
          %squeeze3A_430 = vector.extract %slice3A_429[0] : f32 from vector<1xf32>
          %get3A_431 = arith.constant 1 : i32
          %get3A_432 = arith.index_cast %get3A_431 : i32 to index
          %get3A_433 = arith.index_cast %scan3A_342 : i32 to index
          %get3A_434 = arith.constant 0 : index
          %get3A_435 = tpu.vector_load %arg11[%get3A_432, %get3A_433, %get3A_434] {strides = array<i32>} : memref<2x128x128xf32, #tpu.memory_space<vmem>>, vector<1x1x16xf32>,
          %get3A_436 = vector.shape_cast %get3A_435 : vector<1x1x16xf32> to vector<16xf32>
          %mul3A_437 = vector.broadcast %squeeze3A_430 : f32 to vector<16xf32>
          %mul3A_438 = arith.mulf %mul3A_437, %get3A_436 : vector<16xf32>
          %slice3A_439 = vector.extract_strided_slice %get3A_348 {offsets = [9], sizes = [1], strides = [1]} : vector<16xf32> to vector<1xf32>
          %squeeze3A_440 = vector.extract %slice3A_439[0] : f32 from vector<1xf32>
          %get3A_441 = arith.constant 1 : i32
          %get3A_442 = arith.index_cast %get3A_441 : i32 to index
          %get3A_443 = arith.index_cast %scan3A_342 : i32 to index
          %get3A_444 = arith.constant 16 : index
          %get3A_445 = tpu.vector_load %arg11[%get3A_442, %get3A_443, %get3A_444] {strides = array<i32>} : memref<2x128x128xf32, #tpu.memory_space<vmem>>, vector<1x1x16xf32>,
          %get3A_446 = vector.shape_cast %get3A_445 : vector<1x1x16xf32> to vector<16xf32>
          %mul3A_447 = vector.broadcast %squeeze3A_440 : f32 to vector<16xf32>
          %mul3A_448 = arith.mulf %mul3A_447, %get3A_446 : vector<16xf32>
          %slice3A_449 = vector.extract_strided_slice %get3A_348 {offsets = [10], sizes = [1], strides = [1]} : vector<16xf32> to vector<1xf32>
          %squeeze3A_450 = vector.extract %slice3A_449[0] : f32 from vector<1xf32>
          %get3A_451 = arith.constant 1 : i32
          %get3A_452 = arith.index_cast %get3A_451 : i32 to index
          %get3A_453 = arith.index_cast %scan3A_342 : i32 to index
          %get3A_454 = arith.constant 32 : index
          %get3A_455 = tpu.vector_load %arg11[%get3A_452, %get3A_453, %get3A_454] {strides = array<i32>} : memref<2x128x128xf32, #tpu.memory_space<vmem>>, vector<1x1x16xf32>,
          %get3A_456 = vector.shape_cast %get3A_455 : vector<1x1x16xf32> to vector<16xf32>
          %mul3A_457 = vector.broadcast %squeeze3A_450 : f32 to vector<16xf32>
          %mul3A_458 = arith.mulf %mul3A_457, %get3A_456 : vector<16xf32>
          %slice3A_459 = vector.extract_strided_slice %get3A_348 {offsets = [11], sizes = [1], strides = [1]} : vector<16xf32> to vector<1xf32>
          %squeeze3A_460 = vector.extract %slice3A_459[0] : f32 from vector<1xf32>
          %get3A_461 = arith.constant 1 : i32
          %get3A_462 = arith.index_cast %get3A_461 : i32 to index
          %get3A_463 = arith.index_cast %scan3A_342 : i32 to index
          %get3A_464 = arith.constant 48 : index
          %get3A_465 = tpu.vector_load %arg11[%get3A_462, %get3A_463, %get3A_464] {strides = array<i32>} : memref<2x128x128xf32, #tpu.memory_space<vmem>>, vector<1x1x16xf32>,
          %get3A_466 = vector.shape_cast %get3A_465 : vector<1x1x16xf32> to vector<16xf32>
          %mul3A_467 = vector.broadcast %squeeze3A_460 : f32 to vector<16xf32>
          %mul3A_468 = arith.mulf %mul3A_467, %get3A_466 : vector<16xf32>
          %slice3A_469 = vector.extract_strided_slice %get3A_348 {offsets = [12], sizes = [1], strides = [1]} : vector<16xf32> to vector<1xf32>
          %squeeze3A_470 = vector.extract %slice3A_469[0] : f32 from vector<1xf32>
          %get3A_471 = arith.constant 1 : i32
          %get3A_472 = arith.index_cast %get3A_471 : i32 to index
          %get3A_473 = arith.index_cast %scan3A_342 : i32 to index
          %get3A_474 = arith.constant 64 : index
          %get3A_475 = tpu.vector_load %arg11[%get3A_472, %get3A_473, %get3A_474] {strides = array<i32>} : memref<2x128x128xf32, #tpu.memory_space<vmem>>, vector<1x1x16xf32>,
          %get3A_476 = vector.shape_cast %get3A_475 : vector<1x1x16xf32> to vector<16xf32>
          %mul3A_477 = vector.broadcast %squeeze3A_470 : f32 to vector<16xf32>
          %mul3A_478 = arith.mulf %mul3A_477, %get3A_476 : vector<16xf32>
          %slice3A_479 = vector.extract_strided_slice %get3A_348 {offsets = [13], sizes = [1], strides = [1]} : vector<16xf32> to vector<1xf32>
          %squeeze3A_480 = vector.extract %slice3A_479[0] : f32 from vector<1xf32>
          %get3A_481 = arith.constant 1 : i32
          %get3A_482 = arith.index_cast %get3A_481 : i32 to index
          %get3A_483 = arith.index_cast %scan3A_342 : i32 to index
          %get3A_484 = arith.constant 80 : index
          %get3A_485 = tpu.vector_load %arg11[%get3A_482, %get3A_483, %get3A_484] {strides = array<i32>} : memref<2x128x128xf32, #tpu.memory_space<vmem>>, vector<1x1x16xf32>,
          %get3A_486 = vector.shape_cast %get3A_485 : vector<1x1x16xf32> to vector<16xf32>
          %mul3A_487 = vector.broadcast %squeeze3A_480 : f32 to vector<16xf32>
          %mul3A_488 = arith.mulf %mul3A_487, %get3A_486 : vector<16xf32>
          %slice3A_489 = vector.extract_strided_slice %get3A_348 {offsets = [14], sizes = [1], strides = [1]} : vector<16xf32> to vector<1xf32>
          %squeeze3A_490 = vector.extract %slice3A_489[0] : f32 from vector<1xf32>
          %get3A_491 = arith.constant 1 : i32
          %get3A_492 = arith.index_cast %get3A_491 : i32 to index
          %get3A_493 = arith.index_cast %scan3A_342 : i32 to index
          %get3A_494 = arith.constant 96 : index
          %get3A_495 = tpu.vector_load %arg11[%get3A_492, %get3A_493, %get3A_494] {strides = array<i32>} : memref<2x128x128xf32, #tpu.memory_space<vmem>>, vector<1x1x16xf32>,
          %get3A_496 = vector.shape_cast %get3A_495 : vector<1x1x16xf32> to vector<16xf32>
          %mul3A_497 = vector.broadcast %squeeze3A_490 : f32 to vector<16xf32>
          %mul3A_498 = arith.mulf %mul3A_497, %get3A_496 : vector<16xf32>
          %slice3A_499 = vector.extract_strided_slice %get3A_348 {offsets = [15], sizes = [1], strides = [1]} : vector<16xf32> to vector<1xf32>
          %squeeze3A_500 = vector.extract %slice3A_499[0] : f32 from vector<1xf32>
          %get3A_501 = arith.constant 1 : i32
          %get3A_502 = arith.index_cast %get3A_501 : i32 to index
          %get3A_503 = arith.index_cast %scan3A_342 : i32 to index
          %get3A_504 = arith.constant 112 : index
          %get3A_505 = tpu.vector_load %arg11[%get3A_502, %get3A_503, %get3A_504] {strides = array<i32>} : memref<2x128x128xf32, #tpu.memory_space<vmem>>, vector<1x1x16xf32>,
          %get3A_506 = vector.shape_cast %get3A_505 : vector<1x1x16xf32> to vector<16xf32>
          %mul3A_507 = vector.broadcast %squeeze3A_500 : f32 to vector<16xf32>
          %mul3A_508 = arith.mulf %mul3A_507, %get3A_506 : vector<16xf32>
          %get3A_509 = arith.constant 1 : i32
          %get3A_510 = arith.index_cast %get3A_509 : i32 to index
          %get3A_511 = arith.index_cast %scan3A_342 : i32 to index
          %get3A_512 = arith.constant 0 : index
          %get3A_513 = tpu.vector_load %arg12[%get3A_510, %get3A_511, %get3A_512] {strides = array<i32>} : memref<2x128x16xf32, #tpu.memory_space<vmem>>, vector<1x1x16xf32>,
          %get3A_514 = vector.shape_cast %get3A_513 : vector<1x1x16xf32> to vector<16xf32>
          %add3A_515 = arith.addf %mul3A_358, %mul3A_368 : vector<16xf32>
          %add3A_516 = arith.addf %mul3A_378, %mul3A_388 : vector<16xf32>
          %add3A_517 = arith.addf %mul3A_398, %mul3A_408 : vector<16xf32>
          %add3A_518 = arith.addf %mul3A_418, %mul3A_428 : vector<16xf32>
          %add3A_519 = arith.addf %mul3A_438, %mul3A_448 : vector<16xf32>
          %add3A_520 = arith.addf %mul3A_458, %mul3A_468 : vector<16xf32>
          %add3A_521 = arith.addf %mul3A_478, %mul3A_488 : vector<16xf32>
          %add3A_522 = arith.addf %mul3A_498, %mul3A_508 : vector<16xf32>
          %add3A_523 = arith.addf %add3A_515, %add3A_516 : vector<16xf32>
          %add3A_524 = arith.addf %add3A_517, %add3A_518 : vector<16xf32>
          %add3A_525 = arith.addf %add3A_519, %add3A_520 : vector<16xf32>
          %add3A_526 = arith.addf %add3A_521, %add3A_522 : vector<16xf32>
          %add3A_527 = arith.addf %add3A_523, %add3A_524 : vector<16xf32>
          %add3A_528 = arith.addf %add3A_525, %add3A_526 : vector<16xf32>
          %add3A_529 = arith.addf %add3A_527, %add3A_528 : vector<16xf32>
          %add3A_530 = arith.addf %add3A_529, %get3A_514 : vector<16xf32>
          %swap3A_531 = arith.constant 1 : i32
          %swap3A_532 = arith.index_cast %swap3A_531 : i32 to index
          %swap3A_533 = arith.index_cast %scan3A_342 : i32 to index
          %swap3A_534 = arith.constant 0 : index
          %swap3A_535 = tpu.vector_load %arg14[%swap3A_532, %swap3A_533, %swap3A_534] {strides = array<i32>} : memref<2x128x16xf32, #tpu.memory_space<vmem>>, vector<1x1x16xf32>,
          %swap3A_536 = vector.shape_cast %swap3A_535 : vector<1x1x16xf32> to vector<16xf32>
          %swap3A_537 = vector.shape_cast %add3A_530 : vector<16xf32> to vector<1x1x16xf32>
          tpu.vector_store %arg14[%swap3A_532, %swap3A_533, %swap3A_534], %swap3A_537 {strides = array<i32>} : memref<2x128x16xf32, #tpu.memory_space<vmem>>, vector<1x1x16xf32>,
          %scan3A_538 = arith.constant 2 : i32
          %scan3A_539 = arith.addi %scan3A_149, %scan3A_538 : i32
          %get3A_540 = arith.constant 1 : i32
          %get3A_541 = arith.index_cast %get3A_540 : i32 to index
          %get3A_542 = arith.index_cast %scan3A_539 : i32 to index
          %get3A_543 = arith.constant 0 : index
          %get3A_544 = tpu.vector_load %arg13[%get3A_541, %get3A_542, %get3A_543] {strides = array<i32>} : memref<2x128x16xf32, #tpu.memory_space<vmem>>, vector<1x1x16xf32>,
          %get3A_545 = vector.shape_cast %get3A_544 : vector<1x1x16xf32> to vector<16xf32>
          %slice3A_546 = vector.extract_strided_slice %get3A_545 {offsets = [0], sizes = [1], strides = [1]} : vector<16xf32> to vector<1xf32>
          %squeeze3A_547 = vector.extract %slice3A_546[0] : f32 from vector<1xf32>
          %get3A_548 = arith.constant 1 : i32
          %get3A_549 = arith.index_cast %get3A_548 : i32 to index
          %get3A_550 = arith.index_cast %scan3A_539 : i32 to index
          %get3A_551 = arith.constant 0 : index
          %get3A_552 = tpu.vector_load %arg10[%get3A_549, %get3A_550, %get3A_551] {strides = array<i32>} : memref<2x128x128xf32, #tpu.memory_space<vmem>>, vector<1x1x16xf32>,
          %get3A_553 = vector.shape_cast %get3A_552 : vector<1x1x16xf32> to vector<16xf32>
          %mul3A_554 = vector.broadcast %squeeze3A_547 : f32 to vector<16xf32>
          %mul3A_555 = arith.mulf %mul3A_554, %get3A_553 : vector<16xf32>
          %slice3A_556 = vector.extract_strided_slice %get3A_545 {offsets = [1], sizes = [1], strides = [1]} : vector<16xf32> to vector<1xf32>
          %squeeze3A_557 = vector.extract %slice3A_556[0] : f32 from vector<1xf32>
          %get3A_558 = arith.constant 1 : i32
          %get3A_559 = arith.index_cast %get3A_558 : i32 to index
          %get3A_560 = arith.index_cast %scan3A_539 : i32 to index
          %get3A_561 = arith.constant 16 : index
          %get3A_562 = tpu.vector_load %arg10[%get3A_559, %get3A_560, %get3A_561] {strides = array<i32>} : memref<2x128x128xf32, #tpu.memory_space<vmem>>, vector<1x1x16xf32>,
          %get3A_563 = vector.shape_cast %get3A_562 : vector<1x1x16xf32> to vector<16xf32>
          %mul3A_564 = vector.broadcast %squeeze3A_557 : f32 to vector<16xf32>
          %mul3A_565 = arith.mulf %mul3A_564, %get3A_563 : vector<16xf32>
          %slice3A_566 = vector.extract_strided_slice %get3A_545 {offsets = [2], sizes = [1], strides = [1]} : vector<16xf32> to vector<1xf32>
          %squeeze3A_567 = vector.extract %slice3A_566[0] : f32 from vector<1xf32>
          %get3A_568 = arith.constant 1 : i32
          %get3A_569 = arith.index_cast %get3A_568 : i32 to index
          %get3A_570 = arith.index_cast %scan3A_539 : i32 to index
          %get3A_571 = arith.constant 32 : index
          %get3A_572 = tpu.vector_load %arg10[%get3A_569, %get3A_570, %get3A_571] {strides = array<i32>} : memref<2x128x128xf32, #tpu.memory_space<vmem>>, vector<1x1x16xf32>,
          %get3A_573 = vector.shape_cast %get3A_572 : vector<1x1x16xf32> to vector<16xf32>
          %mul3A_574 = vector.broadcast %squeeze3A_567 : f32 to vector<16xf32>
          %mul3A_575 = arith.mulf %mul3A_574, %get3A_573 : vector<16xf32>
          %slice3A_576 = vector.extract_strided_slice %get3A_545 {offsets = [3], sizes = [1], strides = [1]} : vector<16xf32> to vector<1xf32>
          %squeeze3A_577 = vector.extract %slice3A_576[0] : f32 from vector<1xf32>
          %get3A_578 = arith.constant 1 : i32
          %get3A_579 = arith.index_cast %get3A_578 : i32 to index
          %get3A_580 = arith.index_cast %scan3A_539 : i32 to index
          %get3A_581 = arith.constant 48 : index
          %get3A_582 = tpu.vector_load %arg10[%get3A_579, %get3A_580, %get3A_581] {strides = array<i32>} : memref<2x128x128xf32, #tpu.memory_space<vmem>>, vector<1x1x16xf32>,
          %get3A_583 = vector.shape_cast %get3A_582 : vector<1x1x16xf32> to vector<16xf32>
          %mul3A_584 = vector.broadcast %squeeze3A_577 : f32 to vector<16xf32>
          %mul3A_585 = arith.mulf %mul3A_584, %get3A_583 : vector<16xf32>
          %slice3A_586 = vector.extract_strided_slice %get3A_545 {offsets = [4], sizes = [1], strides = [1]} : vector<16xf32> to vector<1xf32>
          %squeeze3A_587 = vector.extract %slice3A_586[0] : f32 from vector<1xf32>
          %get3A_588 = arith.constant 1 : i32
          %get3A_589 = arith.index_cast %get3A_588 : i32 to index
          %get3A_590 = arith.index_cast %scan3A_539 : i32 to index
          %get3A_591 = arith.constant 64 : index
          %get3A_592 = tpu.vector_load %arg10[%get3A_589, %get3A_590, %get3A_591] {strides = array<i32>} : memref<2x128x128xf32, #tpu.memory_space<vmem>>, vector<1x1x16xf32>,
          %get3A_593 = vector.shape_cast %get3A_592 : vector<1x1x16xf32> to vector<16xf32>
          %mul3A_594 = vector.broadcast %squeeze3A_587 : f32 to vector<16xf32>
          %mul3A_595 = arith.mulf %mul3A_594, %get3A_593 : vector<16xf32>
          %slice3A_596 = vector.extract_strided_slice %get3A_545 {offsets = [5], sizes = [1], strides = [1]} : vector<16xf32> to vector<1xf32>
          %squeeze3A_597 = vector.extract %slice3A_596[0] : f32 from vector<1xf32>
          %get3A_598 = arith.constant 1 : i32
          %get3A_599 = arith.index_cast %get3A_598 : i32 to index
          %get3A_600 = arith.index_cast %scan3A_539 : i32 to index
          %get3A_601 = arith.constant 80 : index
          %get3A_602 = tpu.vector_load %arg10[%get3A_599, %get3A_600, %get3A_601] {strides = array<i32>} : memref<2x128x128xf32, #tpu.memory_space<vmem>>, vector<1x1x16xf32>,
          %get3A_603 = vector.shape_cast %get3A_602 : vector<1x1x16xf32> to vector<16xf32>
          %mul3A_604 = vector.broadcast %squeeze3A_597 : f32 to vector<16xf32>
          %mul3A_605 = arith.mulf %mul3A_604, %get3A_603 : vector<16xf32>
          %slice3A_606 = vector.extract_strided_slice %get3A_545 {offsets = [6], sizes = [1], strides = [1]} : vector<16xf32> to vector<1xf32>
          %squeeze3A_607 = vector.extract %slice3A_606[0] : f32 from vector<1xf32>
          %get3A_608 = arith.constant 1 : i32
          %get3A_609 = arith.index_cast %get3A_608 : i32 to index
          %get3A_610 = arith.index_cast %scan3A_539 : i32 to index
          %get3A_611 = arith.constant 96 : index
          %get3A_612 = tpu.vector_load %arg10[%get3A_609, %get3A_610, %get3A_611] {strides = array<i32>} : memref<2x128x128xf32, #tpu.memory_space<vmem>>, vector<1x1x16xf32>,
          %get3A_613 = vector.shape_cast %get3A_612 : vector<1x1x16xf32> to vector<16xf32>
          %mul3A_614 = vector.broadcast %squeeze3A_607 : f32 to vector<16xf32>
          %mul3A_615 = arith.mulf %mul3A_614, %get3A_613 : vector<16xf32>
          %slice3A_616 = vector.extract_strided_slice %get3A_545 {offsets = [7], sizes = [1], strides = [1]} : vector<16xf32> to vector<1xf32>
          %squeeze3A_617 = vector.extract %slice3A_616[0] : f32 from vector<1xf32>
          %get3A_618 = arith.constant 1 : i32
          %get3A_619 = arith.index_cast %get3A_618 : i32 to index
          %get3A_620 = arith.index_cast %scan3A_539 : i32 to index
          %get3A_621 = arith.constant 112 : index
          %get3A_622 = tpu.vector_load %arg10[%get3A_619, %get3A_620, %get3A_621] {strides = array<i32>} : memref<2x128x128xf32, #tpu.memory_space<vmem>>, vector<1x1x16xf32>,
          %get3A_623 = vector.shape_cast %get3A_622 : vector<1x1x16xf32> to vector<16xf32>
          %mul3A_624 = vector.broadcast %squeeze3A_617 : f32 to vector<16xf32>
          %mul3A_625 = arith.mulf %mul3A_624, %get3A_623 : vector<16xf32>
          %slice3A_626 = vector.extract_strided_slice %get3A_545 {offsets = [8], sizes = [1], strides = [1]} : vector<16xf32> to vector<1xf32>
          %squeeze3A_627 = vector.extract %slice3A_626[0] : f32 from vector<1xf32>
          %get3A_628 = arith.constant 1 : i32
          %get3A_629 = arith.index_cast %get3A_628 : i32 to index
          %get3A_630 = arith.index_cast %scan3A_539 : i32 to index
          %get3A_631 = arith.constant 0 : index
          %get3A_632 = tpu.vector_load %arg11[%get3A_629, %get3A_630, %get3A_631] {strides = array<i32>} : memref<2x128x128xf32, #tpu.memory_space<vmem>>, vector<1x1x16xf32>,
          %get3A_633 = vector.shape_cast %get3A_632 : vector<1x1x16xf32> to vector<16xf32>
          %mul3A_634 = vector.broadcast %squeeze3A_627 : f32 to vector<16xf32>
          %mul3A_635 = arith.mulf %mul3A_634, %get3A_633 : vector<16xf32>
          %slice3A_636 = vector.extract_strided_slice %get3A_545 {offsets = [9], sizes = [1], strides = [1]} : vector<16xf32> to vector<1xf32>
          %squeeze3A_637 = vector.extract %slice3A_636[0] : f32 from vector<1xf32>
          %get3A_638 = arith.constant 1 : i32
          %get3A_639 = arith.index_cast %get3A_638 : i32 to index
          %get3A_640 = arith.index_cast %scan3A_539 : i32 to index
          %get3A_641 = arith.constant 16 : index
          %get3A_642 = tpu.vector_load %arg11[%get3A_639, %get3A_640, %get3A_641] {strides = array<i32>} : memref<2x128x128xf32, #tpu.memory_space<vmem>>, vector<1x1x16xf32>,
          %get3A_643 = vector.shape_cast %get3A_642 : vector<1x1x16xf32> to vector<16xf32>
          %mul3A_644 = vector.broadcast %squeeze3A_637 : f32 to vector<16xf32>
          %mul3A_645 = arith.mulf %mul3A_644, %get3A_643 : vector<16xf32>
          %slice3A_646 = vector.extract_strided_slice %get3A_545 {offsets = [10], sizes = [1], strides = [1]} : vector<16xf32> to vector<1xf32>
          %squeeze3A_647 = vector.extract %slice3A_646[0] : f32 from vector<1xf32>
          %get3A_648 = arith.constant 1 : i32
          %get3A_649 = arith.index_cast %get3A_648 : i32 to index
          %get3A_650 = arith.index_cast %scan3A_539 : i32 to index
          %get3A_651 = arith.constant 32 : index
          %get3A_652 = tpu.vector_load %arg11[%get3A_649, %get3A_650, %get3A_651] {strides = array<i32>} : memref<2x128x128xf32, #tpu.memory_space<vmem>>, vector<1x1x16xf32>,
          %get3A_653 = vector.shape_cast %get3A_652 : vector<1x1x16xf32> to vector<16xf32>
          %mul3A_654 = vector.broadcast %squeeze3A_647 : f32 to vector<16xf32>
          %mul3A_655 = arith.mulf %mul3A_654, %get3A_653 : vector<16xf32>
          %slice3A_656 = vector.extract_strided_slice %get3A_545 {offsets = [11], sizes = [1], strides = [1]} : vector<16xf32> to vector<1xf32>
          %squeeze3A_657 = vector.extract %slice3A_656[0] : f32 from vector<1xf32>
          %get3A_658 = arith.constant 1 : i32
          %get3A_659 = arith.index_cast %get3A_658 : i32 to index
          %get3A_660 = arith.index_cast %scan3A_539 : i32 to index
          %get3A_661 = arith.constant 48 : index
          %get3A_662 = tpu.vector_load %arg11[%get3A_659, %get3A_660, %get3A_661] {strides = array<i32>} : memref<2x128x128xf32, #tpu.memory_space<vmem>>, vector<1x1x16xf32>,
          %get3A_663 = vector.shape_cast %get3A_662 : vector<1x1x16xf32> to vector<16xf32>
          %mul3A_664 = vector.broadcast %squeeze3A_657 : f32 to vector<16xf32>
          %mul3A_665 = arith.mulf %mul3A_664, %get3A_663 : vector<16xf32>
          %slice3A_666 = vector.extract_strided_slice %get3A_545 {offsets = [12], sizes = [1], strides = [1]} : vector<16xf32> to vector<1xf32>
          %squeeze3A_667 = vector.extract %slice3A_666[0] : f32 from vector<1xf32>
          %get3A_668 = arith.constant 1 : i32
          %get3A_669 = arith.index_cast %get3A_668 : i32 to index
          %get3A_670 = arith.index_cast %scan3A_539 : i32 to index
          %get3A_671 = arith.constant 64 : index
          %get3A_672 = tpu.vector_load %arg11[%get3A_669, %get3A_670, %get3A_671] {strides = array<i32>} : memref<2x128x128xf32, #tpu.memory_space<vmem>>, vector<1x1x16xf32>,
          %get3A_673 = vector.shape_cast %get3A_672 : vector<1x1x16xf32> to vector<16xf32>
          %mul3A_674 = vector.broadcast %squeeze3A_667 : f32 to vector<16xf32>
          %mul3A_675 = arith.mulf %mul3A_674, %get3A_673 : vector<16xf32>
          %slice3A_676 = vector.extract_strided_slice %get3A_545 {offsets = [13], sizes = [1], strides = [1]} : vector<16xf32> to vector<1xf32>
          %squeeze3A_677 = vector.extract %slice3A_676[0] : f32 from vector<1xf32>
          %get3A_678 = arith.constant 1 : i32
          %get3A_679 = arith.index_cast %get3A_678 : i32 to index
          %get3A_680 = arith.index_cast %scan3A_539 : i32 to index
          %get3A_681 = arith.constant 80 : index
          %get3A_682 = tpu.vector_load %arg11[%get3A_679, %get3A_680, %get3A_681] {strides = array<i32>} : memref<2x128x128xf32, #tpu.memory_space<vmem>>, vector<1x1x16xf32>,
          %get3A_683 = vector.shape_cast %get3A_682 : vector<1x1x16xf32> to vector<16xf32>
          %mul3A_684 = vector.broadcast %squeeze3A_677 : f32 to vector<16xf32>
          %mul3A_685 = arith.mulf %mul3A_684, %get3A_683 : vector<16xf32>
          %slice3A_686 = vector.extract_strided_slice %get3A_545 {offsets = [14], sizes = [1], strides = [1]} : vector<16xf32> to vector<1xf32>
          %squeeze3A_687 = vector.extract %slice3A_686[0] : f32 from vector<1xf32>
          %get3A_688 = arith.constant 1 : i32
          %get3A_689 = arith.index_cast %get3A_688 : i32 to index
          %get3A_690 = arith.index_cast %scan3A_539 : i32 to index
          %get3A_691 = arith.constant 96 : index
          %get3A_692 = tpu.vector_load %arg11[%get3A_689, %get3A_690, %get3A_691] {strides = array<i32>} : memref<2x128x128xf32, #tpu.memory_space<vmem>>, vector<1x1x16xf32>,
          %get3A_693 = vector.shape_cast %get3A_692 : vector<1x1x16xf32> to vector<16xf32>
          %mul3A_694 = vector.broadcast %squeeze3A_687 : f32 to vector<16xf32>
          %mul3A_695 = arith.mulf %mul3A_694, %get3A_693 : vector<16xf32>
          %slice3A_696 = vector.extract_strided_slice %get3A_545 {offsets = [15], sizes = [1], strides = [1]} : vector<16xf32> to vector<1xf32>
          %squeeze3A_697 = vector.extract %slice3A_696[0] : f32 from vector<1xf32>
          %get3A_698 = arith.constant 1 : i32
          %get3A_699 = arith.index_cast %get3A_698 : i32 to index
          %get3A_700 = arith.index_cast %scan3A_539 : i32 to index
          %get3A_701 = arith.constant 112 : index
          %get3A_702 = tpu.vector_load %arg11[%get3A_699, %get3A_700, %get3A_701] {strides = array<i32>} : memref<2x128x128xf32, #tpu.memory_space<vmem>>, vector<1x1x16xf32>,
          %get3A_703 = vector.shape_cast %get3A_702 : vector<1x1x16xf32> to vector<16xf32>
          %mul3A_704 = vector.broadcast %squeeze3A_697 : f32 to vector<16xf32>
          %mul3A_705 = arith.mulf %mul3A_704, %get3A_703 : vector<16xf32>
          %get3A_706 = arith.constant 1 : i32
          %get3A_707 = arith.index_cast %get3A_706 : i32 to index
          %get3A_708 = arith.index_cast %scan3A_539 : i32 to index
          %get3A_709 = arith.constant 0 : index
          %get3A_710 = tpu.vector_load %arg12[%get3A_707, %get3A_708, %get3A_709] {strides = array<i32>} : memref<2x128x16xf32, #tpu.memory_space<vmem>>, vector<1x1x16xf32>,
          %get3A_711 = vector.shape_cast %get3A_710 : vector<1x1x16xf32> to vector<16xf32>
          %add3A_712 = arith.addf %mul3A_555, %mul3A_565 : vector<16xf32>
          %add3A_713 = arith.addf %mul3A_575, %mul3A_585 : vector<16xf32>
          %add3A_714 = arith.addf %mul3A_595, %mul3A_605 : vector<16xf32>
          %add3A_715 = arith.addf %mul3A_615, %mul3A_625 : vector<16xf32>
          %add3A_716 = arith.addf %mul3A_635, %mul3A_645 : vector<16xf32>
          %add3A_717 = arith.addf %mul3A_655, %mul3A_665 : vector<16xf32>
          %add3A_718 = arith.addf %mul3A_675, %mul3A_685 : vector<16xf32>
          %add3A_719 = arith.addf %mul3A_695, %mul3A_705 : vector<16xf32>
          %add3A_720 = arith.addf %add3A_712, %add3A_713 : vector<16xf32>
          %add3A_721 = arith.addf %add3A_714, %add3A_715 : vector<16xf32>
          %add3A_722 = arith.addf %add3A_716, %add3A_717 : vector<16xf32>
          %add3A_723 = arith.addf %add3A_718, %add3A_719 : vector<16xf32>
          %add3A_724 = arith.addf %add3A_720, %add3A_721 : vector<16xf32>
          %add3A_725 = arith.addf %add3A_722, %add3A_723 : vector<16xf32>
          %add3A_726 = arith.addf %add3A_724, %add3A_725 : vector<16xf32>
          %add3A_727 = arith.addf %add3A_726, %get3A_711 : vector<16xf32>
          %swap3A_728 = arith.constant 1 : i32
          %swap3A_729 = arith.index_cast %swap3A_728 : i32 to index
          %swap3A_730 = arith.index_cast %scan3A_539 : i32 to index
          %swap3A_731 = arith.constant 0 : index
          %swap3A_732 = tpu.vector_load %arg14[%swap3A_729, %swap3A_730, %swap3A_731] {strides = array<i32>} : memref<2x128x16xf32, #tpu.memory_space<vmem>>, vector<1x1x16xf32>,
          %swap3A_733 = vector.shape_cast %swap3A_732 : vector<1x1x16xf32> to vector<16xf32>
          %swap3A_734 = vector.shape_cast %add3A_727 : vector<16xf32> to vector<1x1x16xf32>
          tpu.vector_store %arg14[%swap3A_729, %swap3A_730, %swap3A_731], %swap3A_734 {strides = array<i32>} : memref<2x128x16xf32, #tpu.memory_space<vmem>>, vector<1x1x16xf32>,
          %scan3A_735 = arith.constant 3 : i32
          %scan3A_736 = arith.addi %scan3A_149, %scan3A_735 : i32
          %get3A_737 = arith.constant 1 : i32
          %get3A_738 = arith.index_cast %get3A_737 : i32 to index
          %get3A_739 = arith.index_cast %scan3A_736 : i32 to index
          %get3A_740 = arith.constant 0 : index
          %get3A_741 = tpu.vector_load %arg13[%get3A_738, %get3A_739, %get3A_740] {strides = array<i32>} : memref<2x128x16xf32, #tpu.memory_space<vmem>>, vector<1x1x16xf32>,
          %get3A_742 = vector.shape_cast %get3A_741 : vector<1x1x16xf32> to vector<16xf32>
          %slice3A_743 = vector.extract_strided_slice %get3A_742 {offsets = [0], sizes = [1], strides = [1]} : vector<16xf32> to vector<1xf32>
          %squeeze3A_744 = vector.extract %slice3A_743[0] : f32 from vector<1xf32>
          %get3A_745 = arith.constant 1 : i32
          %get3A_746 = arith.index_cast %get3A_745 : i32 to index
          %get3A_747 = arith.index_cast %scan3A_736 : i32 to index
          %get3A_748 = arith.constant 0 : index
          %get3A_749 = tpu.vector_load %arg10[%get3A_746, %get3A_747, %get3A_748] {strides = array<i32>} : memref<2x128x128xf32, #tpu.memory_space<vmem>>, vector<1x1x16xf32>,
          %get3A_750 = vector.shape_cast %get3A_749 : vector<1x1x16xf32> to vector<16xf32>
          %mul3A_751 = vector.broadcast %squeeze3A_744 : f32 to vector<16xf32>
          %mul3A_752 = arith.mulf %mul3A_751, %get3A_750 : vector<16xf32>
          %slice3A_753 = vector.extract_strided_slice %get3A_742 {offsets = [1], sizes = [1], strides = [1]} : vector<16xf32> to vector<1xf32>
          %squeeze3A_754 = vector.extract %slice3A_753[0] : f32 from vector<1xf32>
          %get3A_755 = arith.constant 1 : i32
          %get3A_756 = arith.index_cast %get3A_755 : i32 to index
          %get3A_757 = arith.index_cast %scan3A_736 : i32 to index
          %get3A_758 = arith.constant 16 : index
          %get3A_759 = tpu.vector_load %arg10[%get3A_756, %get3A_757, %get3A_758] {strides = array<i32>} : memref<2x128x128xf32, #tpu.memory_space<vmem>>, vector<1x1x16xf32>,
          %get3A_760 = vector.shape_cast %get3A_759 : vector<1x1x16xf32> to vector<16xf32>
          %mul3A_761 = vector.broadcast %squeeze3A_754 : f32 to vector<16xf32>
          %mul3A_762 = arith.mulf %mul3A_761, %get3A_760 : vector<16xf32>
          %slice3A_763 = vector.extract_strided_slice %get3A_742 {offsets = [2], sizes = [1], strides = [1]} : vector<16xf32> to vector<1xf32>
          %squeeze3A_764 = vector.extract %slice3A_763[0] : f32 from vector<1xf32>
          %get3A_765 = arith.constant 1 : i32
          %get3A_766 = arith.index_cast %get3A_765 : i32 to index
          %get3A_767 = arith.index_cast %scan3A_736 : i32 to index
          %get3A_768 = arith.constant 32 : index
          %get3A_769 = tpu.vector_load %arg10[%get3A_766, %get3A_767, %get3A_768] {strides = array<i32>} : memref<2x128x128xf32, #tpu.memory_space<vmem>>, vector<1x1x16xf32>,
          %get3A_770 = vector.shape_cast %get3A_769 : vector<1x1x16xf32> to vector<16xf32>
          %mul3A_771 = vector.broadcast %squeeze3A_764 : f32 to vector<16xf32>
          %mul3A_772 = arith.mulf %mul3A_771, %get3A_770 : vector<16xf32>
          %slice3A_773 = vector.extract_strided_slice %get3A_742 {offsets = [3], sizes = [1], strides = [1]} : vector<16xf32> to vector<1xf32>
          %squeeze3A_774 = vector.extract %slice3A_773[0] : f32 from vector<1xf32>
          %get3A_775 = arith.constant 1 : i32
          %get3A_776 = arith.index_cast %get3A_775 : i32 to index
          %get3A_777 = arith.index_cast %scan3A_736 : i32 to index
          %get3A_778 = arith.constant 48 : index
          %get3A_779 = tpu.vector_load %arg10[%get3A_776, %get3A_777, %get3A_778] {strides = array<i32>} : memref<2x128x128xf32, #tpu.memory_space<vmem>>, vector<1x1x16xf32>,
          %get3A_780 = vector.shape_cast %get3A_779 : vector<1x1x16xf32> to vector<16xf32>
          %mul3A_781 = vector.broadcast %squeeze3A_774 : f32 to vector<16xf32>
          %mul3A_782 = arith.mulf %mul3A_781, %get3A_780 : vector<16xf32>
          %slice3A_783 = vector.extract_strided_slice %get3A_742 {offsets = [4], sizes = [1], strides = [1]} : vector<16xf32> to vector<1xf32>
          %squeeze3A_784 = vector.extract %slice3A_783[0] : f32 from vector<1xf32>
          %get3A_785 = arith.constant 1 : i32
          %get3A_786 = arith.index_cast %get3A_785 : i32 to index
          %get3A_787 = arith.index_cast %scan3A_736 : i32 to index
          %get3A_788 = arith.constant 64 : index
          %get3A_789 = tpu.vector_load %arg10[%get3A_786, %get3A_787, %get3A_788] {strides = array<i32>} : memref<2x128x128xf32, #tpu.memory_space<vmem>>, vector<1x1x16xf32>,
          %get3A_790 = vector.shape_cast %get3A_789 : vector<1x1x16xf32> to vector<16xf32>
          %mul3A_791 = vector.broadcast %squeeze3A_784 : f32 to vector<16xf32>
          %mul3A_792 = arith.mulf %mul3A_791, %get3A_790 : vector<16xf32>
          %slice3A_793 = vector.extract_strided_slice %get3A_742 {offsets = [5], sizes = [1], strides = [1]} : vector<16xf32> to vector<1xf32>
          %squeeze3A_794 = vector.extract %slice3A_793[0] : f32 from vector<1xf32>
          %get3A_795 = arith.constant 1 : i32
          %get3A_796 = arith.index_cast %get3A_795 : i32 to index
          %get3A_797 = arith.index_cast %scan3A_736 : i32 to index
          %get3A_798 = arith.constant 80 : index
          %get3A_799 = tpu.vector_load %arg10[%get3A_796, %get3A_797, %get3A_798] {strides = array<i32>} : memref<2x128x128xf32, #tpu.memory_space<vmem>>, vector<1x1x16xf32>,
          %get3A_800 = vector.shape_cast %get3A_799 : vector<1x1x16xf32> to vector<16xf32>
          %mul3A_801 = vector.broadcast %squeeze3A_794 : f32 to vector<16xf32>
          %mul3A_802 = arith.mulf %mul3A_801, %get3A_800 : vector<16xf32>
          %slice3A_803 = vector.extract_strided_slice %get3A_742 {offsets = [6], sizes = [1], strides = [1]} : vector<16xf32> to vector<1xf32>
          %squeeze3A_804 = vector.extract %slice3A_803[0] : f32 from vector<1xf32>
          %get3A_805 = arith.constant 1 : i32
          %get3A_806 = arith.index_cast %get3A_805 : i32 to index
          %get3A_807 = arith.index_cast %scan3A_736 : i32 to index
          %get3A_808 = arith.constant 96 : index
          %get3A_809 = tpu.vector_load %arg10[%get3A_806, %get3A_807, %get3A_808] {strides = array<i32>} : memref<2x128x128xf32, #tpu.memory_space<vmem>>, vector<1x1x16xf32>,
          %get3A_810 = vector.shape_cast %get3A_809 : vector<1x1x16xf32> to vector<16xf32>
          %mul3A_811 = vector.broadcast %squeeze3A_804 : f32 to vector<16xf32>
          %mul3A_812 = arith.mulf %mul3A_811, %get3A_810 : vector<16xf32>
          %slice3A_813 = vector.extract_strided_slice %get3A_742 {offsets = [7], sizes = [1], strides = [1]} : vector<16xf32> to vector<1xf32>
          %squeeze3A_814 = vector.extract %slice3A_813[0] : f32 from vector<1xf32>
          %get3A_815 = arith.constant 1 : i32
          %get3A_816 = arith.index_cast %get3A_815 : i32 to index
          %get3A_817 = arith.index_cast %scan3A_736 : i32 to index
          %get3A_818 = arith.constant 112 : index
          %get3A_819 = tpu.vector_load %arg10[%get3A_816, %get3A_817, %get3A_818] {strides = array<i32>} : memref<2x128x128xf32, #tpu.memory_space<vmem>>, vector<1x1x16xf32>,
          %get3A_820 = vector.shape_cast %get3A_819 : vector<1x1x16xf32> to vector<16xf32>
          %mul3A_821 = vector.broadcast %squeeze3A_814 : f32 to vector<16xf32>
          %mul3A_822 = arith.mulf %mul3A_821, %get3A_820 : vector<16xf32>
          %slice3A_823 = vector.extract_strided_slice %get3A_742 {offsets = [8], sizes = [1], strides = [1]} : vector<16xf32> to vector<1xf32>
          %squeeze3A_824 = vector.extract %slice3A_823[0] : f32 from vector<1xf32>
          %get3A_825 = arith.constant 1 : i32
          %get3A_826 = arith.index_cast %get3A_825 : i32 to index
          %get3A_827 = arith.index_cast %scan3A_736 : i32 to index
          %get3A_828 = arith.constant 0 : index
          %get3A_829 = tpu.vector_load %arg11[%get3A_826, %get3A_827, %get3A_828] {strides = array<i32>} : memref<2x128x128xf32, #tpu.memory_space<vmem>>, vector<1x1x16xf32>,
          %get3A_830 = vector.shape_cast %get3A_829 : vector<1x1x16xf32> to vector<16xf32>
          %mul3A_831 = vector.broadcast %squeeze3A_824 : f32 to vector<16xf32>
          %mul3A_832 = arith.mulf %mul3A_831, %get3A_830 : vector<16xf32>
          %slice3A_833 = vector.extract_strided_slice %get3A_742 {offsets = [9], sizes = [1], strides = [1]} : vector<16xf32> to vector<1xf32>
          %squeeze3A_834 = vector.extract %slice3A_833[0] : f32 from vector<1xf32>
          %get3A_835 = arith.constant 1 : i32
          %get3A_836 = arith.index_cast %get3A_835 : i32 to index
          %get3A_837 = arith.index_cast %scan3A_736 : i32 to index
          %get3A_838 = arith.constant 16 : index
          %get3A_839 = tpu.vector_load %arg11[%get3A_836, %get3A_837, %get3A_838] {strides = array<i32>} : memref<2x128x128xf32, #tpu.memory_space<vmem>>, vector<1x1x16xf32>,
          %get3A_840 = vector.shape_cast %get3A_839 : vector<1x1x16xf32> to vector<16xf32>
          %mul3A_841 = vector.broadcast %squeeze3A_834 : f32 to vector<16xf32>
          %mul3A_842 = arith.mulf %mul3A_841, %get3A_840 : vector<16xf32>
          %slice3A_843 = vector.extract_strided_slice %get3A_742 {offsets = [10], sizes = [1], strides = [1]} : vector<16xf32> to vector<1xf32>
          %squeeze3A_844 = vector.extract %slice3A_843[0] : f32 from vector<1xf32>
          %get3A_845 = arith.constant 1 : i32
          %get3A_846 = arith.index_cast %get3A_845 : i32 to index
          %get3A_847 = arith.index_cast %scan3A_736 : i32 to index
          %get3A_848 = arith.constant 32 : index
          %get3A_849 = tpu.vector_load %arg11[%get3A_846, %get3A_847, %get3A_848] {strides = array<i32>} : memref<2x128x128xf32, #tpu.memory_space<vmem>>, vector<1x1x16xf32>,
          %get3A_850 = vector.shape_cast %get3A_849 : vector<1x1x16xf32> to vector<16xf32>
          %mul3A_851 = vector.broadcast %squeeze3A_844 : f32 to vector<16xf32>
          %mul3A_852 = arith.mulf %mul3A_851, %get3A_850 : vector<16xf32>
          %slice3A_853 = vector.extract_strided_slice %get3A_742 {offsets = [11], sizes = [1], strides = [1]} : vector<16xf32> to vector<1xf32>
          %squeeze3A_854 = vector.extract %slice3A_853[0] : f32 from vector<1xf32>
          %get3A_855 = arith.constant 1 : i32
          %get3A_856 = arith.index_cast %get3A_855 : i32 to index
          %get3A_857 = arith.index_cast %scan3A_736 : i32 to index
          %get3A_858 = arith.constant 48 : index
          %get3A_859 = tpu.vector_load %arg11[%get3A_856, %get3A_857, %get3A_858] {strides = array<i32>} : memref<2x128x128xf32, #tpu.memory_space<vmem>>, vector<1x1x16xf32>,
          %get3A_860 = vector.shape_cast %get3A_859 : vector<1x1x16xf32> to vector<16xf32>
          %mul3A_861 = vector.broadcast %squeeze3A_854 : f32 to vector<16xf32>
          %mul3A_862 = arith.mulf %mul3A_861, %get3A_860 : vector<16xf32>
          %slice3A_863 = vector.extract_strided_slice %get3A_742 {offsets = [12], sizes = [1], strides = [1]} : vector<16xf32> to vector<1xf32>
          %squeeze3A_864 = vector.extract %slice3A_863[0] : f32 from vector<1xf32>
          %get3A_865 = arith.constant 1 : i32
          %get3A_866 = arith.index_cast %get3A_865 : i32 to index
          %get3A_867 = arith.index_cast %scan3A_736 : i32 to index
          %get3A_868 = arith.constant 64 : index
          %get3A_869 = tpu.vector_load %arg11[%get3A_866, %get3A_867, %get3A_868] {strides = array<i32>} : memref<2x128x128xf32, #tpu.memory_space<vmem>>, vector<1x1x16xf32>,
          %get3A_870 = vector.shape_cast %get3A_869 : vector<1x1x16xf32> to vector<16xf32>
          %mul3A_871 = vector.broadcast %squeeze3A_864 : f32 to vector<16xf32>
          %mul3A_872 = arith.mulf %mul3A_871, %get3A_870 : vector<16xf32>
          %slice3A_873 = vector.extract_strided_slice %get3A_742 {offsets = [13], sizes = [1], strides = [1]} : vector<16xf32> to vector<1xf32>
          %squeeze3A_874 = vector.extract %slice3A_873[0] : f32 from vector<1xf32>
          %get3A_875 = arith.constant 1 : i32
          %get3A_876 = arith.index_cast %get3A_875 : i32 to index
          %get3A_877 = arith.index_cast %scan3A_736 : i32 to index
          %get3A_878 = arith.constant 80 : index
          %get3A_879 = tpu.vector_load %arg11[%get3A_876, %get3A_877, %get3A_878] {strides = array<i32>} : memref<2x128x128xf32, #tpu.memory_space<vmem>>, vector<1x1x16xf32>,
          %get3A_880 = vector.shape_cast %get3A_879 : vector<1x1x16xf32> to vector<16xf32>
          %mul3A_881 = vector.broadcast %squeeze3A_874 : f32 to vector<16xf32>
          %mul3A_882 = arith.mulf %mul3A_881, %get3A_880 : vector<16xf32>
          %slice3A_883 = vector.extract_strided_slice %get3A_742 {offsets = [14], sizes = [1], strides = [1]} : vector<16xf32> to vector<1xf32>
          %squeeze3A_884 = vector.extract %slice3A_883[0] : f32 from vector<1xf32>
          %get3A_885 = arith.constant 1 : i32
          %get3A_886 = arith.index_cast %get3A_885 : i32 to index
          %get3A_887 = arith.index_cast %scan3A_736 : i32 to index
          %get3A_888 = arith.constant 96 : index
          %get3A_889 = tpu.vector_load %arg11[%get3A_886, %get3A_887, %get3A_888] {strides = array<i32>} : memref<2x128x128xf32, #tpu.memory_space<vmem>>, vector<1x1x16xf32>,
          %get3A_890 = vector.shape_cast %get3A_889 : vector<1x1x16xf32> to vector<16xf32>
          %mul3A_891 = vector.broadcast %squeeze3A_884 : f32 to vector<16xf32>
          %mul3A_892 = arith.mulf %mul3A_891, %get3A_890 : vector<16xf32>
          %slice3A_893 = vector.extract_strided_slice %get3A_742 {offsets = [15], sizes = [1], strides = [1]} : vector<16xf32> to vector<1xf32>
          %squeeze3A_894 = vector.extract %slice3A_893[0] : f32 from vector<1xf32>
          %get3A_895 = arith.constant 1 : i32
          %get3A_896 = arith.index_cast %get3A_895 : i32 to index
          %get3A_897 = arith.index_cast %scan3A_736 : i32 to index
          %get3A_898 = arith.constant 112 : index
          %get3A_899 = tpu.vector_load %arg11[%get3A_896, %get3A_897, %get3A_898] {strides = array<i32>} : memref<2x128x128xf32, #tpu.memory_space<vmem>>, vector<1x1x16xf32>,
          %get3A_900 = vector.shape_cast %get3A_899 : vector<1x1x16xf32> to vector<16xf32>
          %mul3A_901 = vector.broadcast %squeeze3A_894 : f32 to vector<16xf32>
          %mul3A_902 = arith.mulf %mul3A_901, %get3A_900 : vector<16xf32>
          %get3A_903 = arith.constant 1 : i32
          %get3A_904 = arith.index_cast %get3A_903 : i32 to index
          %get3A_905 = arith.index_cast %scan3A_736 : i32 to index
          %get3A_906 = arith.constant 0 : index
          %get3A_907 = tpu.vector_load %arg12[%get3A_904, %get3A_905, %get3A_906] {strides = array<i32>} : memref<2x128x16xf32, #tpu.memory_space<vmem>>, vector<1x1x16xf32>,
          %get3A_908 = vector.shape_cast %get3A_907 : vector<1x1x16xf32> to vector<16xf32>
          %add3A_909 = arith.addf %mul3A_752, %mul3A_762 : vector<16xf32>
          %add3A_910 = arith.addf %mul3A_772, %mul3A_782 : vector<16xf32>
          %add3A_911 = arith.addf %mul3A_792, %mul3A_802 : vector<16xf32>
          %add3A_912 = arith.addf %mul3A_812, %mul3A_822 : vector<16xf32>
          %add3A_913 = arith.addf %mul3A_832, %mul3A_842 : vector<16xf32>
          %add3A_914 = arith.addf %mul3A_852, %mul3A_862 : vector<16xf32>
          %add3A_915 = arith.addf %mul3A_872, %mul3A_882 : vector<16xf32>
          %add3A_916 = arith.addf %mul3A_892, %mul3A_902 : vector<16xf32>
          %add3A_917 = arith.addf %add3A_909, %add3A_910 : vector<16xf32>
          %add3A_918 = arith.addf %add3A_911, %add3A_912 : vector<16xf32>
          %add3A_919 = arith.addf %add3A_913, %add3A_914 : vector<16xf32>
          %add3A_920 = arith.addf %add3A_915, %add3A_916 : vector<16xf32>
          %add3A_921 = arith.addf %add3A_917, %add3A_918 : vector<16xf32>
          %add3A_922 = arith.addf %add3A_919, %add3A_920 : vector<16xf32>
          %add3A_923 = arith.addf %add3A_921, %add3A_922 : vector<16xf32>
          %add3A_924 = arith.addf %add3A_923, %get3A_908 : vector<16xf32>
          %swap3A_925 = arith.constant 1 : i32
          %swap3A_926 = arith.index_cast %swap3A_925 : i32 to index
          %swap3A_927 = arith.index_cast %scan3A_736 : i32 to index
          %swap3A_928 = arith.constant 0 : index
          %swap3A_929 = tpu.vector_load %arg14[%swap3A_926, %swap3A_927, %swap3A_928] {strides = array<i32>} : memref<2x128x16xf32, #tpu.memory_space<vmem>>, vector<1x1x16xf32>,
          %swap3A_930 = vector.shape_cast %swap3A_929 : vector<1x1x16xf32> to vector<16xf32>
          %swap3A_931 = vector.shape_cast %add3A_924 : vector<16xf32> to vector<1x1x16xf32>
          tpu.vector_store %arg14[%swap3A_926, %swap3A_927, %swap3A_928], %swap3A_931 {strides = array<i32>} : memref<2x128x16xf32, #tpu.memory_space<vmem>>, vector<1x1x16xf32>,
        }
        %scan3A_138 = arith.constant 128 : i32
        %mul3A_139 = arith.constant 128 : i32
        %mul3A_140 = arith.muli %add3A_65, %mul3A_139 : i32
        %dma_start3A = arith.constant 1 : i32
        %dma_start3A_141 = arith.constant 0 : i32
        %dma_start3A_142 = arith.constant 0 : i32
        %dma_start3A_143 = tpu.memref_slice %arg14[%dma_start3A, %dma_start3A_141, %dma_start3A_142] : memref<2x128x16xf32, #tpu.memory_space<vmem>> -> memref<1x128x16xf32, #tpu.memory_space<vmem>>
        %dma_start3A_144 = tpu.memref_squeeze %dma_start3A_143 : memref<1x128x16xf32, #tpu.memory_space<vmem>> -> memref<128x16xf32, #tpu.memory_space<vmem>>
        %dma_start3A_145 = tpu.memref_slice %arg9[%mul3A_140] : memref<5120xi32, #tpu.memory_space<vmem>> -> memref<128xi32, #tpu.memory_space<vmem>>
        %dma_start3A_146 = arith.constant 0 : i32
        %dma_start3A_147 = arith.constant 0 : i32
        %dma_start3A_148 = tpu.memref_slice %arg16[%dma_start3A_146, %dma_start3A_147] : memref<10000x16xf32, #tpu.memory_space<vmem_shared>> -> memref<10000x16xf32, #tpu.memory_space<vmem_shared>>
        tpu.enqueue_indirect_dma source(%dma_start3A_144 : memref<128x16xf32, #tpu.memory_space<vmem>>) target(%dma_start3A_148 : memref<10000x16xf32, #tpu.memory_space<vmem_shared>>) offsets(%dma_start3A_145 : memref<128xi32, #tpu.memory_space<vmem>>) semaphore(%arg22 : memref<!tpu.dma_semaphore, #tpu.memory_space<semaphore_mem>>) {add = true}
      } else {
      }
    }
    %scan3A_34 = arith.constant 20 : i32
    %dma_wait3A = arith.constant 0 : i32
    %dma_wait3A_35 = arith.constant 0 : i32
    %dma_wait3A_36 = arith.constant 0 : i32
    %dma_wait3A_37 = tpu.memref_slice %arg14[%dma_wait3A, %dma_wait3A_35, %dma_wait3A_36] : memref<2x128x16xf32, #tpu.memory_space<vmem>> -> memref<1x128x16xf32, #tpu.memory_space<vmem>>
    %dma_wait3A_38 = tpu.memref_squeeze %dma_wait3A_37 : memref<1x128x16xf32, #tpu.memory_space<vmem>> -> memref<128x16xf32, #tpu.memory_space<vmem>>
    %dma_wait3A_39 = arith.constant 0 : i32
    %dma_wait3A_40 = tpu.memref_slice %arg9[%dma_wait3A_39] : memref<5120xi32, #tpu.memory_space<vmem>> -> memref<128xi32, #tpu.memory_space<vmem>>
    %dma_wait3A_41 = arith.constant 0 : i32
    %dma_wait3A_42 = arith.constant 0 : i32
    %dma_wait3A_43 = tpu.memref_slice %arg16[%dma_wait3A_41, %dma_wait3A_42] : memref<10000x16xf32, #tpu.memory_space<vmem_shared>> -> memref<10000x16xf32, #tpu.memory_space<vmem_shared>>
    tpu.wait_indirect_dma semaphore(%arg21 : memref<!tpu.dma_semaphore, #tpu.memory_space<semaphore_mem>>) src(%dma_wait3A_38 : memref<128x16xf32, #tpu.memory_space<vmem>>) dst(%dma_wait3A_43 : memref<10000x16xf32, #tpu.memory_space<vmem_shared>>)
    %dma_wait3A_44 = arith.constant 1 : i32
    %dma_wait3A_45 = arith.constant 0 : i32
    %dma_wait3A_46 = arith.constant 0 : i32
    %dma_wait3A_47 = tpu.memref_slice %arg14[%dma_wait3A_44, %dma_wait3A_45, %dma_wait3A_46] : memref<2x128x16xf32, #tpu.memory_space<vmem>> -> memref<1x128x16xf32, #tpu.memory_space<vmem>>
    %dma_wait3A_48 = tpu.memref_squeeze %dma_wait3A_47 : memref<1x128x16xf32, #tpu.memory_space<vmem>> -> memref<128x16xf32, #tpu.memory_space<vmem>>
    %dma_wait3A_49 = arith.constant 0 : i32
    %dma_wait3A_50 = tpu.memref_slice %arg9[%dma_wait3A_49] : memref<5120xi32, #tpu.memory_space<vmem>> -> memref<128xi32, #tpu.memory_space<vmem>>
    %dma_wait3A_51 = arith.constant 0 : i32
    %dma_wait3A_52 = arith.constant 0 : i32
    %dma_wait3A_53 = tpu.memref_slice %arg16[%dma_wait3A_51, %dma_wait3A_52] : memref<10000x16xf32, #tpu.memory_space<vmem_shared>> -> memref<10000x16xf32, #tpu.memory_space<vmem_shared>>
    tpu.wait_indirect_dma semaphore(%arg22 : memref<!tpu.dma_semaphore, #tpu.memory_space<semaphore_mem>>) src(%dma_wait3A_48 : memref<128x16xf32, #tpu.memory_space<vmem>>) dst(%dma_wait3A_53 : memref<10000x16xf32, #tpu.memory_space<vmem_shared>>)
    %barrier3A_54 = arith.constant 0 : index
    tpu.barrier barrier_id(%barrier3A_54)
    %mul3A_55 = arith.constant 625 : i32
    %mul3A_56 = arith.muli %arg1, %mul3A_55 : i32
    %mul3A_57 = arith.constant 625 : i32
    %mul3A_58 = arith.muli %arg1, %mul3A_57 : i32
    "tpu.region"() ({
      %run_scoped3A_59 = tpu.sem_alloc : memref<!tpu.dma_semaphore, #tpu.memory_space<semaphore_mem>>
      %dma_start3A = arith.constant 0 : i32
      %dma_start3A_60 = tpu.memref_slice %arg7[%arg0, %mul3A_58, %dma_start3A] : memref<2x10000x16xf32, #tpu.memory_space<hbm>> -> memref<1x625x16xf32, #tpu.memory_space<hbm>>
      %dma_start3A_61 = tpu.memref_squeeze %dma_start3A_60 : memref<1x625x16xf32, #tpu.memory_space<hbm>> -> memref<625x16xf32, #tpu.memory_space<hbm>>
      %dma_start3A_62 = arith.constant 0 : i32
      %dma_start3A_63 = tpu.memref_slice %arg16[%mul3A_56, %dma_start3A_62] : memref<10000x16xf32, #tpu.memory_space<vmem_shared>> -> memref<625x16xf32, #tpu.memory_space<vmem_shared>>
      tpu.enqueue_dma source(%dma_start3A_63 : memref<625x16xf32, #tpu.memory_space<vmem_shared>>) target(%dma_start3A_61 : memref<625x16xf32, #tpu.memory_space<hbm>>) target_semaphore(%run_scoped3A_59 : memref<!tpu.dma_semaphore, #tpu.memory_space<semaphore_mem>>)
      %dma_wait3A_64 = arith.constant 0 : i32
      %dma_wait3A_65 = tpu.memref_slice %arg7[%arg0, %mul3A_58, %dma_wait3A_64] : memref<2x10000x16xf32, #tpu.memory_space<hbm>> -> memref<1x625x16xf32, #tpu.memory_space<hbm>>
      %dma_wait3A_66 = tpu.memref_squeeze %dma_wait3A_65 : memref<1x625x16xf32, #tpu.memory_space<hbm>> -> memref<625x16xf32, #tpu.memory_space<hbm>>
      %dma_wait3A_67 = arith.constant 0 : i32
      %dma_wait3A_68 = tpu.memref_slice %arg16[%mul3A_56, %dma_wait3A_67] : memref<10000x16xf32, #tpu.memory_space<vmem_shared>> -> memref<625x16xf32, #tpu.memory_space<vmem_shared>>
      tpu.wait_dma2 semaphore(%run_scoped3A_59 : memref<!tpu.dma_semaphore, #tpu.memory_space<semaphore_mem>>) src(%dma_wait3A_68 : memref<625x16xf32, #tpu.memory_space<vmem_shared>>) dst(%dma_wait3A_66 : memref<625x16xf32, #tpu.memory_space<hbm>>)
      tpu.yield
    }) : () -> ()
    return
  }
}

module attributes {stable_mosaic.version = 14 : i64} {
  func.func @_precompute_body(%arg0: memref<10000x128xf32, #tpu.memory_space<vmem>>, %arg1: memref<128x272xf32, #tpu.memory_space<vmem>>, %arg2: memref<128x16xf32, #tpu.memory_space<vmem>>, %arg3: memref<10000x128xf32, #tpu.memory_space<vmem>>, %arg4: memref<10000x128xf32, #tpu.memory_space<vmem>>, %arg5: memref<10000x16xf32, #tpu.memory_space<vmem>>, %arg6: memref<10000x16xf32, #tpu.memory_space<vmem>>) attributes {dimension_semantics = [], scalar_prefetch = 0 : i64, scratch_operands = 0 : i64, tpu.core_type = #tpu.core_type<tc>} {
    %get3A = arith.constant 0 : index
    %get3A_0 = arith.constant 0 : index
    %get3A_1 = vector.load %arg0[%get3A, %get3A_0] : memref<10000x128xf32, #tpu.memory_space<vmem>>, vector<10000x128xf32>
    %get3A_2 = arith.constant 0 : index
    %get3A_3 = arith.constant 0 : index
    %get3A_4 = vector.load %arg1[%get3A_2, %get3A_3] : memref<128x272xf32, #tpu.memory_space<vmem>>, vector<128x272xf32>
    %dot_general3A = arith.constant dense<0.000000e+00> : vector<10000x272xf32>
    %dot_general3A_5 = tpu.matmul %get3A_1, %get3A_4, %dot_general3A {dimension_numbers = #tpu.dot_dimension_numbers<[1], [0], [0], [1], [0, 0, 1, 1], [], []>, transpose_lhs_hint = false} : vector<10000x128xf32>, vector<128x272xf32>, vector<10000x272xf32> -> vector<10000x272xf32>
    %slice3A = vector.extract_strided_slice %dot_general3A_5 {offsets = [0, 0], sizes = [10000, 128], strides = [1, 1]} : vector<10000x272xf32> to vector<10000x128xf32>
    %swap3A = arith.constant 0 : index
    %swap3A_6 = arith.constant 0 : index
    %swap3A_7 = vector.load %arg3[%swap3A, %swap3A_6] : memref<10000x128xf32, #tpu.memory_space<vmem>>, vector<10000x128xf32>
    tpu.vector_store %arg3[%swap3A, %swap3A_6], %slice3A {strides = array<i32>} : memref<10000x128xf32, #tpu.memory_space<vmem>>, vector<10000x128xf32>,
    %slice3A_8 = vector.extract_strided_slice %dot_general3A_5 {offsets = [0, 128], sizes = [10000, 128], strides = [1, 1]} : vector<10000x272xf32> to vector<10000x128xf32>
    %swap3A_9 = arith.constant 0 : index
    %swap3A_10 = arith.constant 0 : index
    %swap3A_11 = vector.load %arg4[%swap3A_9, %swap3A_10] : memref<10000x128xf32, #tpu.memory_space<vmem>>, vector<10000x128xf32>
    tpu.vector_store %arg4[%swap3A_9, %swap3A_10], %slice3A_8 {strides = array<i32>} : memref<10000x128xf32, #tpu.memory_space<vmem>>, vector<10000x128xf32>,
    %slice3A_12 = vector.extract_strided_slice %dot_general3A_5 {offsets = [0, 256], sizes = [10000, 16], strides = [1, 1]} : vector<10000x272xf32> to vector<10000x16xf32>
    %swap3A_13 = arith.constant 0 : index
    %swap3A_14 = arith.constant 0 : index
    %swap3A_15 = vector.load %arg5[%swap3A_13, %swap3A_14] : memref<10000x16xf32, #tpu.memory_space<vmem>>, vector<10000x16xf32>
    tpu.vector_store %arg5[%swap3A_13, %swap3A_14], %slice3A_12 {strides = array<i32>} : memref<10000x16xf32, #tpu.memory_space<vmem>>, vector<10000x16xf32>,
    %get3A_16 = arith.constant 0 : index
    %get3A_17 = arith.constant 0 : index
    %get3A_18 = vector.load %arg2[%get3A_16, %get3A_17] : memref<128x16xf32, #tpu.memory_space<vmem>>, vector<128x16xf32>
    %dot_general3A_19 = arith.constant dense<0.000000e+00> : vector<10000x16xf32>
    %dot_general3A_20 = tpu.matmul %get3A_1, %get3A_18, %dot_general3A_19 {dimension_numbers = #tpu.dot_dimension_numbers<[1], [0], [0], [1], [0, 0, 1, 1], [], []>, transpose_lhs_hint = false} : vector<10000x128xf32>, vector<128x16xf32>, vector<10000x16xf32> -> vector<10000x16xf32>
    %swap3A_21 = arith.constant 0 : index
    %swap3A_22 = arith.constant 0 : index
    %swap3A_23 = vector.load %arg6[%swap3A_21, %swap3A_22] : memref<10000x16xf32, #tpu.memory_space<vmem>>, vector<10000x16xf32>
    tpu.vector_store %arg6[%swap3A_21, %swap3A_22], %dot_general3A_20 {strides = array<i32>} : memref<10000x16xf32, #tpu.memory_space<vmem>>, vector<10000x16xf32>,
    return
  }
}

module attributes {stable_mosaic.version = 14 : i64} {
  func.func @_epilogue_body(%arg0: memref<2500x128xf32, #tpu.memory_space<vmem>>, %arg1: memref<1250x128xf32, #tpu.memory_space<vmem>>, %arg2: memref<1x128xf32, #tpu.memory_space<vmem>>, %arg3: memref<1x128xf32, #tpu.memory_space<vmem>>, %arg4: memref<1x128xf32, #tpu.memory_space<vmem>>, %arg5: memref<1x128xf32, #tpu.memory_space<vmem>>, %arg6: memref<1x128xf32, #tpu.memory_space<vmem>>, %arg7: memref<16x3xf32, #tpu.memory_space<vmem>>, %arg8: memref<1x3xf32, #tpu.memory_space<vmem>>, %arg9: memref<1x3xf32, #tpu.memory_space<vmem>>) attributes {dimension_semantics = [], scalar_prefetch = 0 : i64, scratch_operands = 0 : i64, tpu.core_type = #tpu.core_type<tc>} {
    %get3A = arith.constant 0 : index
    %get3A_0 = arith.constant 0 : index
    %get3A_1 = vector.load %arg0[%get3A, %get3A_0] : memref<2500x128xf32, #tpu.memory_space<vmem>>, vector<1250x128xf32>
    %get3A_2 = arith.constant 1250 : index
    %get3A_3 = arith.constant 0 : index
    %get3A_4 = vector.load %arg0[%get3A_2, %get3A_3] : memref<2500x128xf32, #tpu.memory_space<vmem>>, vector<1250x128xf32>
    %add3A = arith.addf %get3A_1, %get3A_4 : vector<1250x128xf32>
    %get3A_5 = arith.constant 0 : index
    %get3A_6 = arith.constant 0 : index
    %get3A_7 = vector.load %arg1[%get3A_5, %get3A_6] : memref<1250x128xf32, #tpu.memory_space<vmem>>, vector<1250x128xf32>
    %add3A_8 = arith.addf %add3A, %get3A_7 : vector<1250x128xf32>
    %get3A_9 = arith.constant 0 : index
    %get3A_10 = arith.constant 0 : index
    %get3A_11 = vector.load %arg2[%get3A_9, %get3A_10] : memref<1x128xf32, #tpu.memory_space<vmem>>, vector<1x128xf32>
    %add3A_12 = vector.broadcast %get3A_11 : vector<1x128xf32> to vector<1250x128xf32>
    %add3A_13 = arith.addf %add3A_8, %add3A_12 : vector<1250x128xf32>
    %max3A = arith.constant 0.000000e+00 : f32
    %max3A_14 = vector.broadcast %max3A : f32 to vector<1250x128xf32>
    %max3A_15 = arith.maximumf %add3A_13, %max3A_14 : vector<1250x128xf32>
    %get3A_16 = arith.constant 0 : index
    %get3A_17 = arith.constant 0 : index
    %get3A_18 = vector.load %arg3[%get3A_16, %get3A_17] : memref<1x128xf32, #tpu.memory_space<vmem>>, vector<1x128xf32>
    %get3A_19 = arith.constant 0 : index
    %get3A_20 = arith.constant 0 : index
    %get3A_21 = vector.load %arg6[%get3A_19, %get3A_20] : memref<1x128xf32, #tpu.memory_space<vmem>>, vector<1x128xf32>
    %add3A_22 = arith.constant 1.000000e-03 : f32
    %add3A_23 = vector.broadcast %add3A_22 : f32 to vector<1x128xf32>
    %add3A_24 = arith.addf %get3A_21, %add3A_23 : vector<1x128xf32>
    %rsqrt3A = math.rsqrt %add3A_24 : vector<1x128xf32>
    %mul3A = arith.mulf %get3A_18, %rsqrt3A : vector<1x128xf32>
    %get3A_25 = arith.constant 0 : index
    %get3A_26 = arith.constant 0 : index
    %get3A_27 = vector.load %arg5[%get3A_25, %get3A_26] : memref<1x128xf32, #tpu.memory_space<vmem>>, vector<1x128xf32>
    %sub3A = vector.broadcast %get3A_27 : vector<1x128xf32> to vector<1250x128xf32>
    %sub3A_28 = arith.subf %max3A_15, %sub3A : vector<1250x128xf32>
    %mul3A_29 = vector.broadcast %mul3A : vector<1x128xf32> to vector<1250x128xf32>
    %mul3A_30 = arith.mulf %sub3A_28, %mul3A_29 : vector<1250x128xf32>
    %get3A_31 = arith.constant 0 : index
    %get3A_32 = arith.constant 0 : index
    %get3A_33 = vector.load %arg4[%get3A_31, %get3A_32] : memref<1x128xf32, #tpu.memory_space<vmem>>, vector<1x128xf32>
    %add3A_34 = vector.broadcast %get3A_33 : vector<1x128xf32> to vector<1250x128xf32>
    %add3A_35 = arith.addf %mul3A_30, %add3A_34 : vector<1250x128xf32>
    %reduce_max3A = arith.constant dense<0xFF800000> : vector<128xf32>
    %reduce_max3A_36 = vector.multi_reduction <maximumf>, %add3A_35, %reduce_max3A [0] : vector<1250x128xf32> to vector<128xf32>
    %broadcast_in_dim3A = vector.shape_cast %reduce_max3A_36 : vector<128xf32> to vector<1x128xf32>
    %slice3A = vector.extract_strided_slice %broadcast_in_dim3A {offsets = [0, 0], sizes = [1, 16], strides = [1, 1]} : vector<1x128xf32> to vector<1x16xf32>
    %slice3A_37 = vector.extract_strided_slice %broadcast_in_dim3A {offsets = [0, 16], sizes = [1, 16], strides = [1, 1]} : vector<1x128xf32> to vector<1x16xf32>
    %max3A_38 = arith.maximumf %slice3A, %slice3A_37 : vector<1x16xf32>
    %slice3A_39 = vector.extract_strided_slice %broadcast_in_dim3A {offsets = [0, 32], sizes = [1, 16], strides = [1, 1]} : vector<1x128xf32> to vector<1x16xf32>
    %max3A_40 = arith.maximumf %max3A_38, %slice3A_39 : vector<1x16xf32>
    %slice3A_41 = vector.extract_strided_slice %broadcast_in_dim3A {offsets = [0, 48], sizes = [1, 16], strides = [1, 1]} : vector<1x128xf32> to vector<1x16xf32>
    %max3A_42 = arith.maximumf %max3A_40, %slice3A_41 : vector<1x16xf32>
    %slice3A_43 = vector.extract_strided_slice %broadcast_in_dim3A {offsets = [0, 64], sizes = [1, 16], strides = [1, 1]} : vector<1x128xf32> to vector<1x16xf32>
    %max3A_44 = arith.maximumf %max3A_42, %slice3A_43 : vector<1x16xf32>
    %slice3A_45 = vector.extract_strided_slice %broadcast_in_dim3A {offsets = [0, 80], sizes = [1, 16], strides = [1, 1]} : vector<1x128xf32> to vector<1x16xf32>
    %max3A_46 = arith.maximumf %max3A_44, %slice3A_45 : vector<1x16xf32>
    %slice3A_47 = vector.extract_strided_slice %broadcast_in_dim3A {offsets = [0, 96], sizes = [1, 16], strides = [1, 1]} : vector<1x128xf32> to vector<1x16xf32>
    %max3A_48 = arith.maximumf %max3A_46, %slice3A_47 : vector<1x16xf32>
    %slice3A_49 = vector.extract_strided_slice %broadcast_in_dim3A {offsets = [0, 112], sizes = [1, 16], strides = [1, 1]} : vector<1x128xf32> to vector<1x16xf32>
    %max3A_50 = arith.maximumf %max3A_48, %slice3A_49 : vector<1x16xf32>
    %get3A_51 = arith.constant 0 : index
    %get3A_52 = arith.constant 0 : index
    %get3A_53 = vector.load %arg7[%get3A_51, %get3A_52] : memref<16x3xf32, #tpu.memory_space<vmem>>, vector<16x3xf32>
    %dot_general3A = arith.constant dense<0.000000e+00> : vector<1x3xf32>
    %dot_general3A_54 = tpu.matmul %max3A_50, %get3A_53, %dot_general3A {dimension_numbers = #tpu.dot_dimension_numbers<[1], [0], [0], [1], [0, 0, 1, 1], [], []>, transpose_lhs_hint = false} : vector<1x16xf32>, vector<16x3xf32>, vector<1x3xf32> -> vector<1x3xf32>
    %get3A_55 = arith.constant 0 : index
    %get3A_56 = arith.constant 0 : index
    %get3A_57 = vector.load %arg8[%get3A_55, %get3A_56] : memref<1x3xf32, #tpu.memory_space<vmem>>, vector<1x3xf32>
    %add3A_58 = arith.addf %dot_general3A_54, %get3A_57 : vector<1x3xf32>
    %swap3A = arith.constant 0 : index
    %swap3A_59 = arith.constant 0 : index
    %swap3A_60 = vector.load %arg9[%swap3A, %swap3A_59] : memref<1x3xf32, #tpu.memory_space<vmem>>, vector<1x3xf32>
    tpu.vector_store %arg9[%swap3A, %swap3A_59], %add3A_58 {strides = array<i32>} : memref<1x3xf32, #tpu.memory_space<vmem>>, vector<1x3xf32>,
    return
  }
}

</mosaic_0001>

<sc_bundles>
// kernel: kernel.5.cloned.1.call-start
scs
__scs_entry_jumppad:
0x0: {  	(pc) =	sbr.rel $0x88, $3  }
0x1: {  	(tag) =	ssettag $0x0;
	lr =	simm.s32 $0x1  }
0x2: {  	[smem:$0x3F94] =	sst lr;
	_ =	strace $0xD0000000  }
0x3: {  	_ = 	snop  }
0x4: {  	_ = 	snop  }
0x5: {  	_ = 	snop  }
0x6: {  	_ = 	snop  }
0x7: {  	_ = 	snop  }
__scs_overlays_trampoline_lowered:
0x8: {  	[smem:$0x3FA3] =	sst s0  }
0x9: {  	[smem:$0x3FA4] =	sst s1  }
0xa: {  	[smem:$0x3FA5] =	sst s2  }
0xb: {  	[smem:$0x3FA6] =	sst s3  }
0xc: {  	[smem:$0x3FA7] =	sst s4  }
0xd: {  	[smem:$0x3FA8] =	sst s5  }
0xe: {  	[smem:$0x3FA9] =	sst s6  }
0xf: {  	[smem:$0x3FAA] =	sst s7  }
0x10: {  	[smem:$0x3FAB] =	sst s8  }
0x11: {  	[smem:$0x3FAC] =	sst s9;
	s0 =	simm.s32 @!p0 $0x0  }
0x12: {  	s1 =	sld [smem:$0x3F92];
	s0 =	simm.s32 @p0 $0x1  }
0x13: {  	[smem:$0x3FAD] =	sst s0;
	s0 =	simm.s32 @!p1 $0x0  }
0x14: {  	s2 =	sld [smem:$0x3F91];
	s0 =	simm.s32 @p1 $0x1  }
0x15: {  	[smem:$0x3FAE] =	sst s0;
	s0 =	simm.s32 @!p2 $0x0  }
0x16: {  	s3 =	sld [smem:$0x3FDB];
	s0 =	simm.s32 @p2 $0x1  }
0x17: {  	s4 =	simm.s32 $0x1BF5;
	[smem:$0x3FB0] =	sst s0  }
0x18: {  	s0 =	sld [smem:$0x3F93];
	_ =	swait.ge [sflag:s4], $0x0  }
0x19: {  	s7 =	sld [smem:$0x3F94]  }
0x1a: {  	s8 =	sadd.s32 $0xFFFFE003, lr  }
0x1b: {  	s9 =	sadd.s32 $0xFFFFFEF7, lr;
	s5 =	simm.s32 $0xFFFFFFFF;
	p2 =	slt.u32 s8, $0xFFFFF086  }
0x1c: {  	p1 =	slt.u32 s9, $0xF7A;
	s5 =	simm.s32 @!p2 $0x0  }
0x1d: {  	s5 =	simm.s32 @p1 $0x1;
	p0 =	seq.s32 s7, s2  }
0x1e: {  	s7 =	smul.u32 @!p0 $0xF7A, s2;
	p2 =	seq.s32 @!p0 s5, $0x0  }
0x1f: {  	s9 =	smul.u32 $0xF7A, s1;
	s8 =	simm.s32 @!p0 $0x1BF5;
	p2 =	por !p2, p0  }
0x20: {  	[sflag:s8] =	ssyncset.s32 @!p0 $0xFFFFF086;
	s6 =	sadd.s32 @!p0 s3, s7;
	s7 =	simm.s32 @!p0 $0x108  }
0x21: {  	s3 =	sadd.s32 s3, s9;
	s6 =	sadd.s32 @!p0 $0x88, s6;
	s7 =	simm.s32 @p2 $0x1082  }
0x22: {  	[simem:s7], [sflag:s8] =	dma.local @!p0 [hbm:s6], $0xF7A  }
0x23: {  	s9 =	sor.u32 $0xD0000000, s2;
	s6 =	simm.s32 $0x108;
	_ =	swait.ge @!p0 [sflag:s8], $0x0  }
0x24: {  	s3 =	sadd.s32 $0x88, s3;
	s6 =	simm.s32 @!p1 $0x1082;
	[sflag:s4] =	ssyncset.s32 $0xFFFFF086  }
0x25: {  	[simem:s6], [sflag:s4] =	dma.local [hbm:s3], $0xF7A  }
0x26: {  	[smem:$0x3F94] =	sst s1;
	(tag) =	ssettag s2;
	_ =	strace s9  }
0x27: {  	s1 =	sld [smem:$0x3FA4]  }
0x28: {  	s2 =	sld [smem:$0x3FA5]  }
0x29: {  	s4 =	sld [smem:$0x3FA7]  }
0x2a: {  	p0 =	seq.s32 s5, $0x0;
	s5 =	sld [smem:$0x3FA8]  }
0x2b: {  	s6 =	sld [smem:$0x3FA9]  }
0x2c: {  	s7 =	sld [smem:$0x3FAA]  }
0x2d: {  	s3 =	simm.s32 $0x108;
	s8 =	sld [smem:$0x3FAB]  }
0x2e: {  	s3 =	simm.s32 @!p0 $0x1082;
	s9 =	sld [smem:$0x3FAC]  }
0x2f: {  	lr =	sadd.s32 s0, s3;
	s0 =	sld [smem:$0x3FA3]  }
0x30: {  	s3 =	sld [smem:$0x3FA6]  }
0x31: {  	[smem:$0x3FAF] =	sst s10  }
0x32: {  	s10 =	sld [smem:$0x3FAD];
	_ =	sdelay $0x3  }
0x33: {  	p0 =	seq.s32 s10, $0x1;
	s10 =	sld [smem:$0x3FAF];
	_ =	sdelay $0x3  }
0x34: {  	[smem:$0x3FAF] =	sst s10  }
0x35: {  	s10 =	sld [smem:$0x3FAE];
	_ =	sdelay $0x3  }
0x36: {  	p1 =	seq.s32 s10, $0x1;
	s10 =	sld [smem:$0x3FAF];
	_ =	sdelay $0x3  }
0x37: {  	[smem:$0x3FAF] =	sst s10  }
0x38: {  	s10 =	sld [smem:$0x3FB0]  }
0x39: {  	_ = 	snop;
	(pc) =	sbr.ind lr, $3  }
0x3a: {  	_ = 	snop  }
0x3b: {  	_ = 	snop  }
0x3c: {  	p2 =	seq.s32 s10, $0x1;
	s10 =	sld [smem:$0x3FAF]  }
0x3d: {  	_ =	shalt  }
0x3e: {  	_ =	shalt  }
0x3f: {  	_ =	shalt  }
0x40: {  	_ =	shalt  }
0x41: {  	_ =	shalt  }
0x42: {  	_ =	shalt  }
0x43: {  	_ =	shalt  }
0x44: {  	_ =	shalt  }
0x45: {  	_ =	shalt  }
0x46: {  	_ =	shalt  }
0x47: {  	_ =	shalt  }
0x48: {  	_ =	shalt  }
0x49: {  	_ =	shalt  }
0x4a: {  	_ =	shalt  }
0x4b: {  	_ =	shalt  }
0x4c: {  	_ =	shalt  }
0x4d: {  	_ =	shalt  }
0x4e: {  	_ =	shalt  }
0x4f: {  	_ =	shalt  }
0x50: {  	_ =	shalt  }
0x51: {  	_ =	shalt  }
0x52: {  	_ =	shalt  }
0x53: {  	_ =	shalt  }
0x54: {  	_ =	shalt  }
0x55: {  	_ =	shalt  }
0x56: {  	_ =	shalt  }
0x57: {  	_ =	shalt  }
0x58: {  	_ =	shalt  }
0x59: {  	_ =	shalt  }
0x5a: {  	_ =	shalt  }
0x5b: {  	_ =	shalt  }
0x5c: {  	_ =	shalt  }
0x5d: {  	_ =	shalt  }
0x5e: {  	_ =	shalt  }
0x5f: {  	_ =	shalt  }
0x60: {  	_ =	shalt  }
0x61: {  	_ =	shalt  }
0x62: {  	_ =	shalt  }
0x63: {  	_ =	shalt  }
0x64: {  	_ =	shalt  }
0x65: {  	_ =	shalt  }
0x66: {  	_ =	shalt  }
0x67: {  	_ =	shalt  }
0x68: {  	_ =	shalt  }
0x69: {  	_ =	shalt  }
0x6a: {  	_ =	shalt  }
0x6b: {  	_ =	shalt  }
0x6c: {  	_ =	shalt  }
0x6d: {  	_ =	shalt  }
0x6e: {  	_ =	shalt  }
0x6f: {  	_ =	shalt  }
0x70: {  	_ =	shalt  }
0x71: {  	_ =	shalt  }
0x72: {  	_ =	shalt  }
0x73: {  	_ =	shalt  }
0x74: {  	_ =	shalt  }
0x75: {  	_ =	shalt  }
0x76: {  	_ =	shalt  }
0x77: {  	_ =	shalt  }
0x78: {  	_ =	shalt  }
0x79: {  	_ =	shalt  }
0x7a: {  	_ =	shalt  }
0x7b: {  	_ =	shalt  }
0x7c: {  	_ =	shalt  }
0x7d: {  	_ =	shalt  }
0x7e: {  	_ =	shalt  }
0x7f: {  	_ =	shalt  }
0x80: {  	_ =	shalt  }
0x81: {  	_ =	shalt  }
0x82: {  	_ =	shalt  }
0x83: {  	_ =	shalt  }
0x84: {  	_ =	shalt  }
0x85: {  	_ =	shalt  }
0x86: {  	_ =	shalt  }
0x87: {  	_ =	shalt  }
.Lfunc_end0:
.L_simem_size_0:
called_computation_lowered:
.L_overlay_start_0:
0x88: {  	s2 =	sld [smem:$0x3FD9]  }
0x89: {  	s3 =	sld [smem:$0x3FFE];
	_ =	sdelay $0x1  }
0x8a: {  	s1 =	srdreg.scid  }
0x8b: {  	s0 =	sand.u32 $0x1, s1  }
0x8c: {  	s16 =	sshll.u32 s0, $0xA;
	s2 =	sadd.s32 s3, s2  }
0x8d: {  	s2 =	sadd.s32 s2, s16  }
0x8e: {  	[smem:$0x3FBB] =	sst s2  }
0x8f: {  	_ = 	snop  }
0x90: {  	(tm) =	ssettm $0x1  }
0x91: {  	s17 =	sld [smem:$0x3FFB];
	_ =	sdelay $0x3  }
0x92: {  	_ =	strace s17  }
0x93: {  	s2 =	sld [smem:$0x3FFC];
	_ =	sdelay $0x3  }
0x94: {  	_ =	strace s2  }
0x95: {  	s2 =	sld [smem:$0x3FFD];
	_ =	sdelay $0x3  }
0x96: {  	_ =	strace s2  }
0x97: {  	_ =	strace $0x8FFFFFFF  }
0x98: {  	s18 =	sld [smem:$0x3FDB];
	_ =	sdelay $0x1  }
0x99: {  	s19 =	simm.s32 $_scs_section_size  }
0x9a: {  	s4 =	simm.s32 $_size__tile_overlayer_lowered;
	s5 =	simm.s32 $_tile_overlayer_lowered  }
0x9b: {  	s22 =	simm.s32 $0x1BFF;
	s21 =	sshll.u32 s5, $0x1;
	s2 =	sadd.s32 s19, s18  }
0x9c: {  	s6 =	simm.s32 $0x0;
	s20 =	sshll.u32 s4, $0x1;
	s4 =	sadd.s32 s21, s2  }
0x9d: {  	[timem:s6], [sflag:s22] =	dma.local [hbm:s4], s20  }
0x9e: {  	_ =	swait.ge [sflag:s22], s20  }
0x9f: {  	s3 =	ssub.s32 $0x0, s20;
	[sflag:s22] =	ssyncset.done $0x0  }
0xa0: {  	[sflag:s22] =	ssyncadd.s32 s3;
	_ =	sdelay $0x1  }
0xa1: {  	s23 =	simm.s32 $0x1B8B  }
0xa2: {  	_ =	swait.ge [sflag:s23], $0x1  }
0xa3: {  	[sflag:s23] =	ssyncset.done $0x0  }
0xa4: {  	s25 =	simm.s32 $0x1B8E;
	s24 =	sld [smem:$0x3FFE];
	[sflag:s23] =	ssyncadd.s32 $0xFFFFFFFF  }
0xa5: {  	s26 =	simm.s32 $execute0_lowered;
	[smem:$0x3FD2] =	sst s25  }
0xa6: {  	s4 =	sshll.u32 s26, $0x1;
	_ =	strace $0x80000046;
	[dreg:$0x1] =	wrdreg $0xFFFFFFFF  }
0xa7: {  	s28 =	simm.s32 $_size_execute0_lowered;
	s2 =	sadd.s32 s2, s4;
	[dreg:$0x0] =	wrdreg $0x0  }
0xa8: {  	s4 =	sshll.u32 s28, $0x1;
	[dreg:$0x2] =	wrdreg s2  }
0xa9: {  	[dreg:$0x3] =	wrdreg s4  }
0xaa: {  	[dreg:$0x4] =	wrdreg $0xC0  }
0xab: {  	_ =	task [dreg:s6], $0x5FFFF  }
0xac: {  	[dreg:$0x1] =	wrdreg $0xFFFFFFFF  }
0xad: {  	[dreg:$0x0] =	wrdreg $0x60  }
0xae: {  	[dreg:$0x2] =	wrdreg s24  }
0xaf: {  	[dreg:$0x3] =	wrdreg $0x17F100  }
0xb0: {  	[dreg:$0x4] =	wrdreg $0x9  }
0xb1: {  	_ =	task.clear_ibuf [dreg:s6], $0x5FFFF;
	_ =	strace $0x90000046  }
0xb2: {  	s29 =	simm.s32 $0x9;
	_ =	strace $0x80000048  }
0xb3: {  	_ =	swait.ge [sflag:s29], $0x1  }
0xb4: {  	[sflag:s29] =	ssyncadd.s32 $0xFFFFFFFF  }
0xb5: {  	_ =	strace $0x90000048  }
0xb6: {  	_ =	sfence  }
0xb7: {  	s30 =	sld [smem:$0x0];
	_ =	sdelay $0x2  }
0xb8: {  	s31 =	sshll.u32 s1, $0xD;
	s1 =	sshrl.u32 s1, $0x2  }
0xb9: {  	s3 =	sand.u32 $0x4000, s31;
	s1 =	sadd.s32 s1, s30  }
0xba: {  	s0 =	sor.u32 s3, s0;
	s1 =	sshll.u32 s1, $0x11  }
0xbb: {  	s0 =	sor.u32 s1, s0  }
0xbc: {  	s0 =	sadd.s32 $0x8F2B, s0  }
0xbd: {  	[sflag:s0] =	ssyncadd.remote.s32 $0x1  }
0xbe: {  	_ =	sfence.sel $0xFFFF  }
0xbf: {  	[dreg:$0x0] =	wrdreg $0xFFFFFFFF;
	(pc) =	sbr.abs _section_cstart, $3  }
0xc0: {  	[dreg:$0x1] =	wrdreg $0xFFFFFFFF  }
0xc1: {  	_ =	task.clear_ibuf [dreg:s6], $0x2FFFF;
	_ =	strace $0x9FFFFFFF  }
0xc2: {  	(tm) =	ssettm $0x7FFFFFFF  }
0xc3: {  	_ =	shalt  }
tec
execute0_lowered:
.L_overlay_start_1:
0x0: {  	(tag) =	ssettag $0x1  }
0x1: {  	s0 =	srdreg.scid;
	s1 =	rddreg [dreg:$0x0]  }
0x2: {  	s13 =	stileid.u32;
	s2 =	rddreg [dreg:$0x1];
	s5 =	simm.s32 $0x0  }
0x3: {  	s9 =	simm.s32 $0x28;
	s18 =	simm.s32 $0x7;
	s28 =	simm.s32 $0x3  }
0x4: {  	s29 =	simm.s32 $0x14800;
	s30 =	simm.s32 $0x2;
	s31 =	simm.s32 $0x4  }
0x5: {  	s19 =	simm.s32 $0x5;
	s20 =	simm.s32 $0x6;
	s0 =	sand.u32 $0x1, s0  }
0x6: {  	s3 =	sshll.u32 s13, $0x1;
	[smem:$0x7FF] =	sst s5;
	s10 =	smul.u32 $0x2710, s13  }
0x7: {  	s5 =	sadd.s32 $0xBA00, s1;
	s6 =	sadd.s32 $0x32C00, s1;
	s7 =	sadd.s32 $0x59E00, s1  }
0x8: {  	p0 =	seq.s32 s13, $0x0;
	s3 =	sor.u32 s0, s3;
	_ =	strace $0x80000047  }
0x9: {  	s21 =	smul.u32 $0x27100, s0;
	s0 =	ssub.s32 $0x2, s0;
	s9 =	simm.s32 @!p0 $0x27  }
0xa: {  	p0 =	sne.s32 s13, $0x0;
	s4 =	smul.u32 $0x27, s3;
	s12 =	sshrl.u32 s0, $0x1  }
0xb: {  	s3 =	smin.u32 s3, $0x2;
	s14 =	sadd.s32 s10, s2;
	s0 =	ssub.s32 s0, s12  }
0xc: {  	s4 =	sadd.s32 s3, s4;
	s3 =	sadd.s32 s10, s21;
	s17 =	smax.u32 s0, $0x1  }
0xd: {  	s21 =	simm.s32 $0x80;
	s8 =	sshll.u32 s4, $0x4;
	s3 =	sshrl.u32 s3, $0x3  }
0xe: {  	s26 =	sshll.u32 s4, $0x8;
	s11 =	sadd.s32 s8, s1;
	s8 =	sadd.s32 $0x2CFE00, s1  }
.Ltmp0:
0xf: {  	s1 =	sadd.s32 s3, s1;
	s22 =	sadd.s32 $0x1C00, s11;
	(pc) =	sbr.rel .LBB2_1-.Ltmp0, $4  }
0x10: {  	s23 =	sadd.s32 $0x6A20, s11;
	s24 =	sadd.s32 $0x1E70, s11;
	[dreg:$0x3] =	wrdreg s22  }
0x11: {  	s25 =	sadd.s32 $0x6C90, s11;
	s15 =	sadd.s32 s8, s26;
	[dreg:$0x4] =	wrdreg s23  }
0x12: {  	s16 =	sadd.s32 $0x5EE00, s1;
	s26 =	simm.s32 $0x1;
	[dreg:$0x5] =	wrdreg s24  }
0x13: {  	v0 =	vimm.f32 $0.0e+00;
	s1 =	simm.s32 $0x15000;
	[dreg:$0x6] =	wrdreg s25;
	s22 =	simm.s32 $0x0  }
.LBB2_13:
0x14: {  	_ =	swait.ge [sflag:s19], $0x800  }
0x15: {  	[sflag:s19] =	ssyncset.done $0x0  }
0x16: {  	[sflag:s19] =	ssyncadd.s32 $0xFFFFF800  }
0x17: {  	s0 =	stileid.u32;
	_ =	swait.ge [sflag:s20], $0x800  }
0x18: {  	s3 =	sshrl.u32 s14, $0x3;
	s22 =	sadd.s32 $0x1, s22;
	[sflag:s20] =	ssyncset.done $0x0  }
0x19: {  	s0 =	sshll.u32 s0, $0x6;
	p1 =	sne.s32 s22, s17;
	[sflag:s20] =	ssyncadd.s32 $0xFFFFF800  }
.Ltmp1:
0x1a: {  	s0 =	sor.u32 $0x1C07, s0;
	[bflag:$0x0] =	sbarrier.arrive $0xFFFF;
	(pc) =	sbr.rel @!p1 .LBB2_14-.Ltmp1, $4  }
0x1b: {  	[hbm:s16], [sflag:s0] =	dma.local [spmem:s3], $0x4E2  }
0x1c: {  	_ =	swait.ge [sflag:s18], $0x4E2  }
0x1d: {  	[sflag:s18] =	ssyncset.done $0x0  }
0x1e: {  	[sflag:s18] =	ssyncadd.s32 $0xFFFFFB1E  }
.LBB2_1:
0x1f: {  	s0 =	simm.s32 $0x0;
	s3 =	rddreg [dreg:$0x3]  }
0x20: {  	[tilespmem:s0], [sflag:$0x7] =	stream.linear.gather [hbm4b:s3+s0], $0x1380, $0x38;
	[tilespmem:$0x1A620] =	vst v63  }
0x21: {  	_ =	swait.ge [sflag:s18], $0x1380  }
0x22: {  	[sflag:s18] =	ssyncset.done $0x0  }
0x23: {  	s10 =	simm.s32 $0x1400;
	s25 =	rddreg [dreg:$0x4];
	[sflag:s18] =	ssyncadd.s32 $0xFFFFEC80  }
0x24: {  	[tilespmem:s10], [sflag:$0x7] =	stream.linear.gather [hbm4b:s25+s0], $0x1380, $0x38;
	[tilespmem:$0x1A620] =	vst v63  }
0x25: {  	_ =	swait.ge [sflag:s18], $0x1380  }
0x26: {  	s3 =	simm.s32 @!p0 $0x1380;
	[sflag:s18] =	ssyncset.done $0x0  }
0x27: {  	s0 =	simm.s32 @!p0 $0x0;
	s10 =	rddreg [dreg:$0x5];
	[sflag:s18] =	ssyncadd.s32 $0xFFFFEC80  }
0x28: {  	[tilespmem:s3], [sflag:$0x7] =	stream.linear.gather @!p0 [hbm4b:s10+s0], $0x80, $0x38;
	[tilespmem:$0x1A620] =	vst v63  }
0x29: {  	s3 =	simm.s32 @!p0 $0x7  }
0x2a: {  	_ =	swait.ge @!p0 [sflag:s3], $0x80  }
0x2b: {  	[sflag:s3] =	ssyncset.done @!p0 $0x0  }
0x2c: {  	s10 =	simm.s32 @!p0 $0x2780;
	s11 =	rddreg [dreg:$0x6];
	[sflag:s3] =	ssyncadd.s32 @!p0 $0xFFFFFF80  }
0x2d: {  	[tilespmem:s10], [sflag:$0x7] =	stream.linear.gather @!p0 [hbm4b:s11+s0], $0x80, $0x38;
	[tilespmem:$0x1A620] =	vst v63  }
0x2e: {  	_ =	swait.ge @!p0 [sflag:s3], $0x80  }
0x2f: {  	[sflag:s3] =	ssyncset.done @!p0 $0x0  }
0x30: {  	s0 =	simm.s32 $0x40;
	[sflag:s3] =	ssyncadd.s32 @!p0 $0xFFFFFF80;
	s3 =	simm.s32 $0x0  }
.LBB2_2:
0x31: {  	p1 =	sne.s32 s0, $0x9C00;
	[tilespmem:s3+$0x15800] =	vst v0;
	s3 =	smov.u32 s0;
	s0 =	sadd.s32 $0x40, s0  }
.Ltmp2:
0x32: {  	(pc) =	sbr.rel @p1 .LBB2_2-.Ltmp2, $2  }
0x33: {  	_ =	sdelay $0x2  }
0x34: {  	s3 =	sshra.s32 s3, $0x2  }
0x35: {  	[tilespmem:s3+$0x15800] =	vst v0;
	s0 =	simm.s32 $0x15800  }
0x36: {  	[spmem:s14] =	stream.linear.scatter [tilespmem:s0], [sflag:$0x7], $0x2710, $0x38;
	[tilespmem:$0x1A620] =	vst v63  }
0x37: {  	_ =	swait.ge [sflag:s18], $0x2710  }
0x38: {  	[sflag:s18] =	ssyncset.done $0x0  }
0x39: {  	[sflag:s18] =	ssyncadd.s32 $0xFFFFD8F0  }
0x3a: {  	s23 =	simm.s32 $0x0;
	s12 =	simm.s32 $0x2800;
	[bflag:$0x0] =	sbarrier.arrive $0xFFFF  }
0x3b: {  	[tilespmem:s12], [sflag:$0x1] =	stream.indirect.gather [hbm4b:s5+s21], $0x80, s23, s21, $0xb8;
	[tilespmem:$0x1A620] =	vst v63  }
0x3c: {  	s13 =	simm.s32 $0xA800  }
0x3d: {  	[tilespmem:s13], [sflag:$0x1] =	stream.indirect.gather [hbm4b:s6+s21], $0x80, s23, s21, $0xb8;
	[tilespmem:$0x1A620] =	vst v63  }
.Ltmp3:
0x3e: {  	_ = 	snop;
	(pc) =	sbr.rel .LBB2_4-.Ltmp3, $4  }
0x3f: {  	s24 =	simm.s32 $0x12800  }
0x40: {  	[tilespmem:s24], [sflag:$0x1] =	stream.indirect.gather [hbm4b:s7+s21], $0x10, s23, s21, $0xb8;
	[tilespmem:$0x1A620] =	vst v63  }
0x41: {  	s25 =	simm.s32 $0x13800  }
0x42: {  	[tilespmem:s25], [sflag:$0x3] =	stream.linear.gather [hbm4b:s15+s23], $0x800, $0x38;
	[tilespmem:$0x1A620] =	vst v63  }
.LBB2_12:
0x43: {  	s23 =	sadd.s32 $0x1, s23  }
0x44: {  	p1 =	sne.s32 s23, $0x14  }
.Ltmp4:
0x45: {  	_ = 	snop;
	(pc) =	sbr.rel @!p1 .LBB2_13-.Ltmp4, $1  }
0x46: {  	_ =	sdelay $0x3  }
.LBB2_4:
0x47: {  	s24 =	sshllo.u32 s23, $0x1  }
0x48: {  	p1 =	sge.u32 s24, s9  }
0x49: {  	s0 =	sshll.u32 @!p1 s24, $0x7  }
0x4a: {  	s3 =	simm.s32 @!p1 $0x80;
	s10 =	simm.s32 @!p1 $0x6800;
	s0 =	sand.u32 @!p1 $0x3FFFFF80, s0  }
0x4b: {  	[tilespmem:s10], [sflag:$0x2] =	stream.indirect.gather @!p1 [hbm4b:s5+s3], $0x80, s0, s3, $0xb8;
	[tilespmem:$0x1A620] =	vst v63  }
0x4c: {  	s25 =	sshll.u32 s23, $0x1;
	s10 =	simm.s32 @!p1 $0xE800  }
0x4d: {  	[tilespmem:s10], [sflag:$0x2] =	stream.indirect.gather @!p1 [hbm4b:s6+s3], $0x80, s0, s3, $0xb8;
	[tilespmem:$0x1A620] =	vst v63  }
0x4e: {  	p2 =	sge.u32 s25, s9;
	s10 =	simm.s32 @!p1 $0x13000  }
0x4f: {  	[tilespmem:s10], [sflag:$0x2] =	stream.indirect.gather @!p1 [hbm4b:s7+s3], $0x10, s0, s3, $0xb8;
	[tilespmem:$0x1A620] =	vst v63  }
.Ltmp5:
0x50: {  	s0 =	sadd.s32 @!p1 s4, s24;
	(pc) =	sbr.rel @p2 .LBB2_8-.Ltmp5, $4  }
0x51: {  	s0 =	sshll.u32 @!p1 s0, $0x8  }
0x52: {  	s0 =	sand.u32 @!p1 $0x1FFFFF00, s0  }
0x53: {  	s3 =	simm.s32 @!p1 $0x0;
	s10 =	simm.s32 @!p1 $0x14000;
	s0 =	sadd.s32 @!p1 s8, s0  }
0x54: {  	[tilespmem:s10], [sflag:$0x4] =	stream.linear.gather @!p1 [hbm4b:s0+s3], $0x800, $0x38;
	[tilespmem:$0x1A620] =	vst v63  }
0x55: {  	_ =	swait.ge [sflag:s26], $0x4000  }
0x56: {  	[sflag:s26] =	ssyncset.done $0x0  }
0x57: {  	[sflag:s26] =	ssyncadd.s32 $0xFFFFC000  }
0x58: {  	_ =	swait.ge [sflag:s26], $0x4000  }
0x59: {  	[sflag:s26] =	ssyncset.done $0x0  }
0x5a: {  	[sflag:s26] =	ssyncadd.s32 $0xFFFFC000  }
0x5b: {  	_ =	swait.ge [sflag:s26], $0x800  }
0x5c: {  	[sflag:s26] =	ssyncset.done $0x0  }
0x5d: {  	[sflag:s26] =	ssyncadd.s32 $0xFFFFF800  }
0x5e: {  	_ =	swait.ge [sflag:s28], $0x800  }
0x5f: {  	p2 =	seq.s32 s23, $0x0;
	[sflag:s28] =	ssyncset.done $0x0  }
0x60: {  	s0 =	simm.s32 @!p2 $0x5;
	[sflag:s28] =	ssyncadd.s32 $0xFFFFF800  }
0x61: {  	s3 =	simm.s32 $0x2900;
	s10 =	simm.s32 $0xA900;
	_ =	swait.ge @!p2 [sflag:s0], $0x800  }
0x62: {  	s11 =	simm.s32 $0x14820;
	s12 =	simm.s32 $0x12820;
	[sflag:s0] =	ssyncset.done @!p2 $0x0  }
0x63: {  	s13 =	simm.s32 $0x13820;
	[sflag:s0] =	ssyncadd.s32 @!p2 $0xFFFFF800;
	s0 =	simm.s32 $0xFFFFFFFC  }
.LBB2_6:
0x64: {  	v1 =	vld [tilespmem:s13+$0xFFFFFFE0]  }
0x65: {  	v2 =	vld [tilespmem:s3+$0xFFFFFF00]  }
0x66: {  	v3 =	vld [tilespmem:s3+$0xFFFFFF10]  }
0x67: {  	v4 =	vld [tilespmem:s3+$0xFFFFFF20]  }
0x68: {  	v6 =	vld [tilespmem:s3+$0xFFFFFF30]  }
0x69: {  	v8 =	vld [tilespmem:s3+$0xFFFFFF40];
	v5 =	vbroadcast v1, $0x0;
	v7 =	vbroadcast v1, $0x1  }
0x6a: {  	v9 =	vld [tilespmem:s3+$0xFFFFFF50];
	v23 =	vbroadcast v1, $0x2;
	v24 =	vbroadcast v1, $0x3  }
0x6b: {  	v10 =	vld [tilespmem:s3+$0xFFFFFF60];
	v25 =	vbroadcast v1, $0x4;
	v26 =	vbroadcast v1, $0x5  }
0x6c: {  	v11 =	vld [tilespmem:s3+$0xFFFFFF70];
	v27 =	vbroadcast v1, $0x6;
	v28 =	vbroadcast v1, $0x7  }
0x6d: {  	v12 =	vld [tilespmem:s10+$0xFFFFFF00];
	v29 =	vbroadcast v1, $0x8;
	v30 =	vbroadcast v1, $0x9  }
0x6e: {  	v13 =	vld [tilespmem:s10+$0xFFFFFF10];
	v31 =	vbroadcast v1, $0xA;
	v32 =	vbroadcast v1, $0xB  }
0x6f: {  	v14 =	vld [tilespmem:s10+$0xFFFFFF20];
	v33 =	vbroadcast v1, $0xC;
	v34 =	vbroadcast v1, $0xD  }
0x70: {  	v15 =	vld [tilespmem:s10+$0xFFFFFF30];
	v35 =	vbroadcast v1, $0xE;
	v1 =	vbroadcast v1, $0xF  }
0x71: {  	v16 =	vld [tilespmem:s10+$0xFFFFFF40];
	v2 =	vmul.f32 v2, v5;
	v3 =	vmul.f32 v3, v7  }
0x72: {  	v17 =	vld [tilespmem:s10+$0xFFFFFF50];
	v4 =	vmul.f32 v4, v23;
	v6 =	vmul.f32 v6, v24  }
0x73: {  	v18 =	vld [tilespmem:s10+$0xFFFFFF60];
	v5 =	vmul.f32 v8, v25;
	v7 =	vmul.f32 v9, v26  }
0x74: {  	v19 =	vld [tilespmem:s10+$0xFFFFFF70];
	v8 =	vmul.f32 v10, v27;
	v9 =	vmul.f32 v11, v28  }
0x75: {  	v10 =	vmul.f32 v12, v29;
	v11 =	vmul.f32 v13, v30  }
0x76: {  	v12 =	vmul.f32 v14, v31;
	v13 =	vmul.f32 v15, v32  }
0x77: {  	v14 =	vmul.f32 v16, v33;
	v15 =	vmul.f32 v17, v34  }
0x78: {  	v16 =	vmul.f32 v18, v35;
	v2 =	vadd.f32 v3, v2;
	v3 =	vadd.f32 v6, v4  }
0x79: {  	v1 =	vmul.f32 v19, v1;
	v36 =	vadd.f32 v7, v5;
	v37 =	vadd.f32 v9, v8  }
0x7a: {  	v38 =	vadd.f32 v11, v10;
	v39 =	vadd.f32 v13, v12  }
0x7b: {  	v40 =	vadd.f32 v15, v14;
	v1 =	vadd.f32 v1, v16  }
0x7c: {  	v2 =	vadd.f32 v3, v2;
	v3 =	vadd.f32 v37, v36  }
0x7d: {  	v41 =	vadd.f32 v39, v38;
	v1 =	vadd.f32 v1, v40  }
0x7e: {  	v42 =	vld [tilespmem:s12+$0xFFFFFFE0]  }
0x7f: {  	v2 =	vadd.f32 v3, v2;
	v1 =	vadd.f32 v1, v41;
	_ =	sdelay $0x1  }
0x80: {  	v1 =	vadd.f32 v1, v2;
	_ =	sdelay $0x1  }
0x81: {  	v1 =	vadd.f32 v1, v42;
	_ =	sdelay $0x1  }
0x82: {  	[tilespmem:s11+$0xFFFFFFE0] =	vst v1  }
0x83: {  	v1 =	vld [tilespmem:s13+$0xFFFFFFF0]  }
0x84: {  	v2 =	vld [tilespmem:s3+$0xFFFFFF80]  }
0x85: {  	v3 =	vld [tilespmem:s3+$0xFFFFFF90]  }
0x86: {  	v43 =	vld [tilespmem:s3+$0xFFFFFFA0]  }
0x87: {  	v45 =	vld [tilespmem:s3+$0xFFFFFFB0]  }
0x88: {  	v47 =	vld [tilespmem:s3+$0xFFFFFFC0];
	v44 =	vbroadcast v1, $0x0;
	v46 =	vbroadcast v1, $0x1  }
0x89: {  	v49 =	vld [tilespmem:s3+$0xFFFFFFD0];
	v48 =	vbroadcast v1, $0x2;
	v50 =	vbroadcast v1, $0x3  }
0x8a: {  	v51 =	vld [tilespmem:s3+$0xFFFFFFE0];
	v52 =	vbroadcast v1, $0x4;
	v54 =	vbroadcast v1, $0x5  }
0x8b: {  	v53 =	vld [tilespmem:s3+$0xFFFFFFF0];
	v56 =	vbroadcast v1, $0x6;
	v58 =	vbroadcast v1, $0x7  }
0x8c: {  	v55 =	vld [tilespmem:s10+$0xFFFFFF80];
	v60 =	vbroadcast v1, $0x8;
	v62 =	vbroadcast v1, $0x9  }
0x8d: {  	v57 =	vld [tilespmem:s10+$0xFFFFFF90];
	v21 =	vbroadcast v1, $0xA;
	v23 =	vbroadcast v1, $0xB  }
0x8e: {  	v59 =	vld [tilespmem:s10+$0xFFFFFFA0];
	v25 =	vbroadcast v1, $0xC;
	v27 =	vbroadcast v1, $0xD  }
0x8f: {  	v61 =	vld [tilespmem:s10+$0xFFFFFFB0];
	v28 =	vbroadcast v1, $0xE;
	v1 =	vbroadcast v1, $0xF  }
0x90: {  	v63 =	vld [tilespmem:s10+$0xFFFFFFC0];
	v2 =	vmul.f32 v2, v44;
	v3 =	vmul.f32 v3, v46  }
0x91: {  	v22 =	vld [tilespmem:s10+$0xFFFFFFD0];
	v4 =	vmul.f32 v43, v48;
	v6 =	vmul.f32 v45, v50  }
0x92: {  	v24 =	vld [tilespmem:s10+$0xFFFFFFE0];
	v5 =	vmul.f32 v47, v52;
	v7 =	vmul.f32 v49, v54  }
0x93: {  	v26 =	vld [tilespmem:s10+$0xFFFFFFF0];
	v8 =	vmul.f32 v51, v56;
	v9 =	vmul.f32 v53, v58  }
0x94: {  	v10 =	vmul.f32 v55, v60;
	v11 =	vmul.f32 v57, v62  }
0x95: {  	v12 =	vmul.f32 v59, v21;
	v13 =	vmul.f32 v61, v23  }
0x96: {  	v14 =	vmul.f32 v63, v25;
	v15 =	vmul.f32 v22, v27  }
0x97: {  	v16 =	vmul.f32 v24, v28;
	v2 =	vadd.f32 v3, v2;
	v3 =	vadd.f32 v6, v4  }
0x98: {  	v1 =	vmul.f32 v26, v1;
	v29 =	vadd.f32 v7, v5;
	v30 =	vadd.f32 v9, v8  }
0x99: {  	v31 =	vadd.f32 v11, v10;
	v32 =	vadd.f32 v13, v12  }
0x9a: {  	v33 =	vadd.f32 v15, v14;
	v1 =	vadd.f32 v1, v16  }
0x9b: {  	v2 =	vadd.f32 v3, v2;
	v3 =	vadd.f32 v30, v29  }
0x9c: {  	v34 =	vadd.f32 v32, v31;
	v1 =	vadd.f32 v1, v33  }
0x9d: {  	v35 =	vld [tilespmem:s12+$0xFFFFFFF0]  }
0x9e: {  	v2 =	vadd.f32 v3, v2;
	v1 =	vadd.f32 v1, v34;
	_ =	sdelay $0x1  }
0x9f: {  	v1 =	vadd.f32 v1, v2;
	_ =	sdelay $0x1  }
0xa0: {  	v1 =	vadd.f32 v1, v35;
	_ =	sdelay $0x1  }
0xa1: {  	[tilespmem:s11+$0xFFFFFFF0] =	vst v1  }
0xa2: {  	v1 =	vld [tilespmem:s13+$0x0]  }
0xa3: {  	v2 =	vld [tilespmem:s3+$0x0]  }
0xa4: {  	v3 =	vld [tilespmem:s3+$0x10]  }
0xa5: {  	v36 =	vld [tilespmem:s3+$0x20]  }
0xa6: {  	v38 =	vld [tilespmem:s3+$0x30]  }
0xa7: {  	v40 =	vld [tilespmem:s3+$0x40];
	v37 =	vbroadcast v1, $0x0;
	v39 =	vbroadcast v1, $0x1  }
0xa8: {  	v42 =	vld [tilespmem:s3+$0x50];
	v41 =	vbroadcast v1, $0x2;
	v43 =	vbroadcast v1, $0x3  }
0xa9: {  	v44 =	vld [tilespmem:s3+$0x60];
	v45 =	vbroadcast v1, $0x4;
	v47 =	vbroadcast v1, $0x5  }
0xaa: {  	v46 =	vld [tilespmem:s3+$0x70];
	v49 =	vbroadcast v1, $0x6;
	v51 =	vbroadcast v1, $0x7  }
0xab: {  	v48 =	vld [tilespmem:s10+$0x0];
	v53 =	vbroadcast v1, $0x8;
	v55 =	vbroadcast v1, $0x9  }
0xac: {  	v50 =	vld [tilespmem:s10+$0x10];
	v57 =	vbroadcast v1, $0xA;
	v59 =	vbroadcast v1, $0xB  }
0xad: {  	v52 =	vld [tilespmem:s10+$0x20];
	v61 =	vbroadcast v1, $0xC;
	v63 =	vbroadcast v1, $0xD  }
0xae: {  	v54 =	vld [tilespmem:s10+$0x30];
	v20 =	vbroadcast v1, $0xE;
	v1 =	vbroadcast v1, $0xF  }
0xaf: {  	v56 =	vld [tilespmem:s10+$0x40];
	v2 =	vmul.f32 v2, v37;
	v3 =	vmul.f32 v3, v39  }
0xb0: {  	v58 =	vld [tilespmem:s10+$0x50];
	v4 =	vmul.f32 v36, v41;
	v6 =	vmul.f32 v38, v43  }
0xb1: {  	v60 =	vld [tilespmem:s10+$0x60];
	v5 =	vmul.f32 v40, v45;
	v7 =	vmul.f32 v42, v47  }
0xb2: {  	v62 =	vld [tilespmem:s10+$0x70];
	v8 =	vmul.f32 v44, v49;
	v9 =	vmul.f32 v46, v51  }
0xb3: {  	v10 =	vmul.f32 v48, v53;
	v11 =	vmul.f32 v50, v55  }
0xb4: {  	v12 =	vmul.f32 v52, v57;
	v13 =	vmul.f32 v54, v59  }
0xb5: {  	v14 =	vmul.f32 v56, v61;
	v15 =	vmul.f32 v58, v63  }
0xb6: {  	v16 =	vmul.f32 v60, v20;
	v2 =	vadd.f32 v3, v2;
	v3 =	vadd.f32 v6, v4  }
0xb7: {  	v1 =	vmul.f32 v62, v1;
	v21 =	vadd.f32 v7, v5;
	v22 =	vadd.f32 v9, v8  }
0xb8: {  	v23 =	vadd.f32 v11, v10;
	v24 =	vadd.f32 v13, v12  }
0xb9: {  	v25 =	vadd.f32 v15, v14;
	v1 =	vadd.f32 v1, v16  }
0xba: {  	v2 =	vadd.f32 v3, v2;
	v3 =	vadd.f32 v22, v21  }
0xbb: {  	v26 =	vadd.f32 v24, v23;
	v1 =	vadd.f32 v1, v25  }
0xbc: {  	v27 =	vld [tilespmem:s12+$0x0]  }
0xbd: {  	v2 =	vadd.f32 v3, v2;
	v1 =	vadd.f32 v1, v26;
	_ =	sdelay $0x1  }
0xbe: {  	v1 =	vadd.f32 v1, v2;
	_ =	sdelay $0x1  }
0xbf: {  	v1 =	vadd.f32 v1, v27;
	_ =	sdelay $0x1  }
0xc0: {  	[tilespmem:s11+$0x0] =	vst v1  }
0xc1: {  	v1 =	vld [tilespmem:s13+$0x10]  }
0xc2: {  	v2 =	vld [tilespmem:s3+$0x80]  }
0xc3: {  	v3 =	vld [tilespmem:s3+$0x90]  }
0xc4: {  	v28 =	vld [tilespmem:s3+$0xA0]  }
0xc5: {  	v30 =	vld [tilespmem:s3+$0xB0]  }
0xc6: {  	v32 =	vld [tilespmem:s3+$0xC0];
	v29 =	vbroadcast v1, $0x0;
	v31 =	vbroadcast v1, $0x1  }
0xc7: {  	v34 =	vld [tilespmem:s3+$0xD0];
	v33 =	vbroadcast v1, $0x2;
	v35 =	vbroadcast v1, $0x3  }
0xc8: {  	v36 =	vld [tilespmem:s3+$0xE0];
	v37 =	vbroadcast v1, $0x4;
	v39 =	vbroadcast v1, $0x5  }
0xc9: {  	v38 =	vld [tilespmem:s3+$0xF0];
	v41 =	vbroadcast v1, $0x6;
	v43 =	vbroadcast v1, $0x7  }
0xca: {  	v40 =	vld [tilespmem:s10+$0x80];
	v45 =	vbroadcast v1, $0x8;
	v47 =	vbroadcast v1, $0x9  }
0xcb: {  	v42 =	vld [tilespmem:s10+$0x90];
	v49 =	vbroadcast v1, $0xA;
	v51 =	vbroadcast v1, $0xB  }
0xcc: {  	v44 =	vld [tilespmem:s10+$0xA0];
	v53 =	vbroadcast v1, $0xC;
	v55 =	vbroadcast v1, $0xD  }
0xcd: {  	v46 =	vld [tilespmem:s10+$0xB0];
	v56 =	vbroadcast v1, $0xE;
	v1 =	vbroadcast v1, $0xF  }
0xce: {  	v48 =	vld [tilespmem:s10+$0xC0];
	v2 =	vmul.f32 v2, v29;
	v3 =	vmul.f32 v3, v31  }
0xcf: {  	v50 =	vld [tilespmem:s10+$0xD0];
	v4 =	vmul.f32 v28, v33;
	v6 =	vmul.f32 v30, v35  }
0xd0: {  	v52 =	vld [tilespmem:s10+$0xE0];
	v5 =	vmul.f32 v32, v37;
	v7 =	vmul.f32 v34, v39  }
0xd1: {  	v54 =	vld [tilespmem:s10+$0xF0];
	v8 =	vmul.f32 v36, v41;
	v9 =	vmul.f32 v38, v43  }
0xd2: {  	v10 =	vmul.f32 v40, v45;
	v11 =	vmul.f32 v42, v47  }
0xd3: {  	v12 =	vmul.f32 v44, v49;
	v13 =	vmul.f32 v46, v51  }
0xd4: {  	v14 =	vmul.f32 v48, v53;
	v15 =	vmul.f32 v50, v55  }
0xd5: {  	v16 =	vmul.f32 v52, v56;
	v2 =	vadd.f32 v3, v2;
	v3 =	vadd.f32 v6, v4  }
0xd6: {  	v1 =	vmul.f32 v54, v1;
	v57 =	vadd.f32 v7, v5;
	v58 =	vadd.f32 v9, v8  }
0xd7: {  	v59 =	vadd.f32 v11, v10;
	v60 =	vadd.f32 v13, v12  }
0xd8: {  	v61 =	vadd.f32 v15, v14;
	v1 =	vadd.f32 v1, v16  }
0xd9: {  	v2 =	vadd.f32 v3, v2;
	v3 =	vadd.f32 v58, v57  }
0xda: {  	v62 =	vadd.f32 v60, v59;
	v1 =	vadd.f32 v1, v61  }
0xdb: {  	v63 =	vld [tilespmem:s12+$0x10]  }
0xdc: {  	s0 =	sadd.s32 $0x4, s0;
	v2 =	vadd.f32 v3, v2;
	v1 =	vadd.f32 v1, v62  }
0xdd: {  	p2 =	slt.u32 s0, $0x7C  }
.Ltmp6:
0xde: {  	v1 =	vadd.f32 v1, v2;
	(pc) =	sbr.rel @p2 .LBB2_6-.Ltmp6, $4  }
0xdf: {  	_ = 	snop  }
0xe0: {  	v1 =	vadd.f32 v1, v63  }
0xe1: {  	s3 =	sadd.s32 $0x200, s3;
	s10 =	sadd.s32 $0x200, s10  }
0xe2: {  	s12 =	sadd.s32 $0x40, s12;
	s13 =	sadd.s32 $0x40, s13;
	[tilespmem:s11+$0x10] =	vst v1;
	s11 =	sadd.s32 $0x40, s11  }
0xe3: {  	s0 =	sshll.u32 s23, $0x8  }
0xe4: {  	s0 =	sand.u32 $0x3FFFFF00, s0  }
0xe5: {  	s0 =	sadd.s32 $0x1400, s0  }
0xe6: {  	[spmem:s2] =	stream.indirect.scatter.add.f32 [tilespmem:s29], [sflag:$0x5], $0x10, s0, s21, $0xb8;
	[tilespmem:$0x1A620] =	vst v63  }
.LBB2_8:
0xe7: {  	s0 =	sadd.s32 $0x2, s25  }
0xe8: {  	p2 =	sge.u32 s0, s9  }
0xe9: {  	s3 =	sshll.u32 @!p2 s0, $0x7  }
0xea: {  	s10 =	simm.s32 @!p2 $0x80;
	s11 =	simm.s32 @!p2 $0x2800;
	s3 =	sand.u32 @!p2 $0x3FFFFF80, s3  }
0xeb: {  	[tilespmem:s11], [sflag:$0x1] =	stream.indirect.gather @!p2 [hbm4b:s5+s10], $0x80, s3, s10, $0xb8;
	[tilespmem:$0x1A620] =	vst v63  }
0xec: {  	s0 =	sadd.s32 @!p2 s4, s0;
	s11 =	simm.s32 @!p2 $0xA800  }
0xed: {  	[tilespmem:s11], [sflag:$0x1] =	stream.indirect.gather @!p2 [hbm4b:s6+s10], $0x80, s3, s10, $0xb8;
	[tilespmem:$0x1A620] =	vst v63  }
.Ltmp7:
0xee: {  	s0 =	sshll.u32 @!p2 s0, $0x8;
	(pc) =	sbr.rel @p1 .LBB2_12-.Ltmp7, $4  }
0xef: {  	s0 =	sand.u32 @!p2 $0x1FFFFF00, s0;
	s11 =	simm.s32 @!p2 $0x12800  }
0xf0: {  	[tilespmem:s11], [sflag:$0x1] =	stream.indirect.gather @!p2 [hbm4b:s7+s10], $0x10, s3, s10, $0xb8;
	[tilespmem:$0x1A620] =	vst v63  }
0xf1: {  	s0 =	sadd.s32 @!p2 s8, s0;
	s3 =	simm.s32 @!p2 $0x0;
	s10 =	simm.s32 @!p2 $0x13800  }
0xf2: {  	[tilespmem:s10], [sflag:$0x3] =	stream.linear.gather @!p2 [hbm4b:s0+s3], $0x800, $0x38;
	[tilespmem:$0x1A620] =	vst v63  }
0xf3: {  	_ =	swait.ge [sflag:s30], $0x4000  }
0xf4: {  	[sflag:s30] =	ssyncset.done $0x0  }
0xf5: {  	[sflag:s30] =	ssyncadd.s32 $0xFFFFC000  }
0xf6: {  	_ =	swait.ge [sflag:s30], $0x4000  }
0xf7: {  	[sflag:s30] =	ssyncset.done $0x0  }
0xf8: {  	[sflag:s30] =	ssyncadd.s32 $0xFFFFC000  }
0xf9: {  	_ =	swait.ge [sflag:s30], $0x800  }
0xfa: {  	[sflag:s30] =	ssyncset.done $0x0  }
0xfb: {  	[sflag:s30] =	ssyncadd.s32 $0xFFFFF800  }
0xfc: {  	_ =	swait.ge [sflag:s31], $0x800  }
0xfd: {  	p1 =	seq.s32 s23, $0x0;
	[sflag:s31] =	ssyncset.done $0x0  }
0xfe: {  	s0 =	simm.s32 @!p1 $0x6;
	[sflag:s31] =	ssyncadd.s32 $0xFFFFF800  }
0xff: {  	s3 =	simm.s32 $0x0;
	_ =	swait.ge @!p1 [sflag:s0], $0x800  }
0x100: {  	s10 =	simm.s32 $0x15030;
	s11 =	simm.s32 $0x13030;
	[sflag:s0] =	ssyncset.done @!p1 $0x0  }
0x101: {  	s12 =	simm.s32 $0x14030;
	[sflag:s0] =	ssyncadd.s32 @!p1 $0xFFFFF800;
	s0 =	simm.s32 $0xFFFFFFFC  }
.LBB2_10:
0x102: {  	v1 =	vld [tilespmem:s12+$0xFFFFFFD0];
	s13 =	sshra.s32 s3, $0x2  }
0x103: {  	v2 =	vld [tilespmem:s13+$0x6800]  }
0x104: {  	v3 =	vld [tilespmem:s13+$0x6810]  }
0x105: {  	v4 =	vld [tilespmem:s13+$0x6820]  }
0x106: {  	v6 =	vld [tilespmem:s13+$0x6830]  }
0x107: {  	v8 =	vld [tilespmem:s13+$0x6840];
	v5 =	vbroadcast v1, $0x0;
	v7 =	vbroadcast v1, $0x1  }
0x108: {  	v9 =	vld [tilespmem:s13+$0x6850];
	v23 =	vbroadcast v1, $0x2;
	v24 =	vbroadcast v1, $0x3  }
0x109: {  	v10 =	vld [tilespmem:s13+$0x6860];
	v25 =	vbroadcast v1, $0x4;
	v26 =	vbroadcast v1, $0x5  }
0x10a: {  	v11 =	vld [tilespmem:s13+$0x6870];
	v27 =	vbroadcast v1, $0x6;
	v28 =	vbroadcast v1, $0x7  }
0x10b: {  	v12 =	vld [tilespmem:s13+$0xE800];
	v29 =	vbroadcast v1, $0x8;
	v30 =	vbroadcast v1, $0x9  }
0x10c: {  	v13 =	vld [tilespmem:s13+$0xE810];
	v31 =	vbroadcast v1, $0xA;
	v32 =	vbroadcast v1, $0xB  }
0x10d: {  	v14 =	vld [tilespmem:s13+$0xE820];
	v33 =	vbroadcast v1, $0xC;
	v34 =	vbroadcast v1, $0xD  }
0x10e: {  	v15 =	vld [tilespmem:s13+$0xE830];
	v35 =	vbroadcast v1, $0xE;
	v1 =	vbroadcast v1, $0xF  }
0x10f: {  	v16 =	vld [tilespmem:s13+$0xE840];
	v2 =	vmul.f32 v2, v5;
	v3 =	vmul.f32 v3, v7  }
0x110: {  	v17 =	vld [tilespmem:s13+$0xE850];
	v4 =	vmul.f32 v4, v23;
	v6 =	vmul.f32 v6, v24  }
0x111: {  	v18 =	vld [tilespmem:s13+$0xE860];
	v5 =	vmul.f32 v8, v25;
	v7 =	vmul.f32 v9, v26  }
0x112: {  	v19 =	vld [tilespmem:s13+$0xE870];
	v8 =	vmul.f32 v10, v27;
	v9 =	vmul.f32 v11, v28  }
0x113: {  	v10 =	vmul.f32 v12, v29;
	v11 =	vmul.f32 v13, v30  }
0x114: {  	v12 =	vmul.f32 v14, v31;
	v13 =	vmul.f32 v15, v32  }
0x115: {  	v14 =	vmul.f32 v16, v33;
	v15 =	vmul.f32 v17, v34  }
0x116: {  	v16 =	vmul.f32 v18, v35;
	v2 =	vadd.f32 v3, v2;
	v3 =	vadd.f32 v6, v4  }
0x117: {  	v1 =	vmul.f32 v19, v1;
	v36 =	vadd.f32 v7, v5;
	v37 =	vadd.f32 v9, v8  }
0x118: {  	v38 =	vadd.f32 v11, v10;
	v39 =	vadd.f32 v13, v12  }
0x119: {  	v40 =	vadd.f32 v15, v14;
	v1 =	vadd.f32 v1, v16  }
0x11a: {  	v2 =	vadd.f32 v3, v2;
	v3 =	vadd.f32 v37, v36  }
0x11b: {  	v41 =	vadd.f32 v39, v38;
	v1 =	vadd.f32 v1, v40  }
0x11c: {  	v42 =	vld [tilespmem:s11+$0xFFFFFFD0]  }
0x11d: {  	v2 =	vadd.f32 v3, v2;
	v1 =	vadd.f32 v1, v41;
	_ =	sdelay $0x1  }
0x11e: {  	v1 =	vadd.f32 v1, v2;
	_ =	sdelay $0x1  }
0x11f: {  	v1 =	vadd.f32 v1, v42;
	_ =	sdelay $0x1  }
0x120: {  	[tilespmem:s10+$0xFFFFFFD0] =	vst v1  }
0x121: {  	v1 =	vld [tilespmem:s12+$0xFFFFFFE0]  }
0x122: {  	v2 =	vld [tilespmem:s13+$0x6880]  }
0x123: {  	v3 =	vld [tilespmem:s13+$0x6890]  }
0x124: {  	v43 =	vld [tilespmem:s13+$0x68A0]  }
0x125: {  	v45 =	vld [tilespmem:s13+$0x68B0]  }
0x126: {  	v47 =	vld [tilespmem:s13+$0x68C0];
	v44 =	vbroadcast v1, $0x0;
	v46 =	vbroadcast v1, $0x1  }
0x127: {  	v49 =	vld [tilespmem:s13+$0x68D0];
	v48 =	vbroadcast v1, $0x2;
	v50 =	vbroadcast v1, $0x3  }
0x128: {  	v51 =	vld [tilespmem:s13+$0x68E0];
	v52 =	vbroadcast v1, $0x4;
	v54 =	vbroadcast v1, $0x5  }
0x129: {  	v53 =	vld [tilespmem:s13+$0x68F0];
	v56 =	vbroadcast v1, $0x6;
	v58 =	vbroadcast v1, $0x7  }
0x12a: {  	v55 =	vld [tilespmem:s13+$0xE880];
	v60 =	vbroadcast v1, $0x8;
	v62 =	vbroadcast v1, $0x9  }
0x12b: {  	v57 =	vld [tilespmem:s13+$0xE890];
	v21 =	vbroadcast v1, $0xA;
	v23 =	vbroadcast v1, $0xB  }
0x12c: {  	v59 =	vld [tilespmem:s13+$0xE8A0];
	v25 =	vbroadcast v1, $0xC;
	v27 =	vbroadcast v1, $0xD  }
0x12d: {  	v61 =	vld [tilespmem:s13+$0xE8B0];
	v28 =	vbroadcast v1, $0xE;
	v1 =	vbroadcast v1, $0xF  }
0x12e: {  	v63 =	vld [tilespmem:s13+$0xE8C0];
	v2 =	vmul.f32 v2, v44;
	v3 =	vmul.f32 v3, v46  }
0x12f: {  	v22 =	vld [tilespmem:s13+$0xE8D0];
	v4 =	vmul.f32 v43, v48;
	v6 =	vmul.f32 v45, v50  }
0x130: {  	v24 =	vld [tilespmem:s13+$0xE8E0];
	v5 =	vmul.f32 v47, v52;
	v7 =	vmul.f32 v49, v54  }
0x131: {  	v26 =	vld [tilespmem:s13+$0xE8F0];
	v8 =	vmul.f32 v51, v56;
	v9 =	vmul.f32 v53, v58  }
0x132: {  	v10 =	vmul.f32 v55, v60;
	v11 =	vmul.f32 v57, v62  }
0x133: {  	v12 =	vmul.f32 v59, v21;
	v13 =	vmul.f32 v61, v23  }
0x134: {  	v14 =	vmul.f32 v63, v25;
	v15 =	vmul.f32 v22, v27  }
0x135: {  	v16 =	vmul.f32 v24, v28;
	v2 =	vadd.f32 v3, v2;
	v3 =	vadd.f32 v6, v4  }
0x136: {  	v1 =	vmul.f32 v26, v1;
	v29 =	vadd.f32 v7, v5;
	v30 =	vadd.f32 v9, v8  }
0x137: {  	v31 =	vadd.f32 v11, v10;
	v32 =	vadd.f32 v13, v12  }
0x138: {  	v33 =	vadd.f32 v15, v14;
	v1 =	vadd.f32 v1, v16  }
0x139: {  	v2 =	vadd.f32 v3, v2;
	v3 =	vadd.f32 v30, v29  }
0x13a: {  	v34 =	vadd.f32 v32, v31;
	v1 =	vadd.f32 v1, v33  }
0x13b: {  	v35 =	vld [tilespmem:s11+$0xFFFFFFE0]  }
0x13c: {  	v2 =	vadd.f32 v3, v2;
	v1 =	vadd.f32 v1, v34;
	_ =	sdelay $0x1  }
0x13d: {  	v1 =	vadd.f32 v1, v2;
	_ =	sdelay $0x1  }
0x13e: {  	v1 =	vadd.f32 v1, v35;
	_ =	sdelay $0x1  }
0x13f: {  	[tilespmem:s10+$0xFFFFFFE0] =	vst v1  }
0x140: {  	v1 =	vld [tilespmem:s12+$0xFFFFFFF0]  }
0x141: {  	v2 =	vld [tilespmem:s13+$0x6900]  }
0x142: {  	v3 =	vld [tilespmem:s13+$0x6910]  }
0x143: {  	v36 =	vld [tilespmem:s13+$0x6920]  }
0x144: {  	v38 =	vld [tilespmem:s13+$0x6930]  }
0x145: {  	v40 =	vld [tilespmem:s13+$0x6940];
	v37 =	vbroadcast v1, $0x0;
	v39 =	vbroadcast v1, $0x1  }
0x146: {  	v42 =	vld [tilespmem:s13+$0x6950];
	v41 =	vbroadcast v1, $0x2;
	v43 =	vbroadcast v1, $0x3  }
0x147: {  	v44 =	vld [tilespmem:s13+$0x6960];
	v45 =	vbroadcast v1, $0x4;
	v47 =	vbroadcast v1, $0x5  }
0x148: {  	v46 =	vld [tilespmem:s13+$0x6970];
	v49 =	vbroadcast v1, $0x6;
	v51 =	vbroadcast v1, $0x7  }
0x149: {  	v48 =	vld [tilespmem:s13+$0xE900];
	v53 =	vbroadcast v1, $0x8;
	v55 =	vbroadcast v1, $0x9  }
0x14a: {  	v50 =	vld [tilespmem:s13+$0xE910];
	v57 =	vbroadcast v1, $0xA;
	v59 =	vbroadcast v1, $0xB  }
0x14b: {  	v52 =	vld [tilespmem:s13+$0xE920];
	v61 =	vbroadcast v1, $0xC;
	v63 =	vbroadcast v1, $0xD  }
0x14c: {  	v54 =	vld [tilespmem:s13+$0xE930];
	v20 =	vbroadcast v1, $0xE;
	v1 =	vbroadcast v1, $0xF  }
0x14d: {  	v56 =	vld [tilespmem:s13+$0xE940];
	v2 =	vmul.f32 v2, v37;
	v3 =	vmul.f32 v3, v39  }
0x14e: {  	v58 =	vld [tilespmem:s13+$0xE950];
	v4 =	vmul.f32 v36, v41;
	v6 =	vmul.f32 v38, v43  }
0x14f: {  	v60 =	vld [tilespmem:s13+$0xE960];
	v5 =	vmul.f32 v40, v45;
	v7 =	vmul.f32 v42, v47  }
0x150: {  	v62 =	vld [tilespmem:s13+$0xE970];
	v8 =	vmul.f32 v44, v49;
	v9 =	vmul.f32 v46, v51  }
0x151: {  	v10 =	vmul.f32 v48, v53;
	v11 =	vmul.f32 v50, v55  }
0x152: {  	v12 =	vmul.f32 v52, v57;
	v13 =	vmul.f32 v54, v59  }
0x153: {  	v14 =	vmul.f32 v56, v61;
	v15 =	vmul.f32 v58, v63  }
0x154: {  	v16 =	vmul.f32 v60, v20;
	v2 =	vadd.f32 v3, v2;
	v3 =	vadd.f32 v6, v4  }
0x155: {  	v1 =	vmul.f32 v62, v1;
	v21 =	vadd.f32 v7, v5;
	v22 =	vadd.f32 v9, v8  }
0x156: {  	v23 =	vadd.f32 v11, v10;
	v24 =	vadd.f32 v13, v12  }
0x157: {  	v25 =	vadd.f32 v15, v14;
	v1 =	vadd.f32 v1, v16  }
0x158: {  	v2 =	vadd.f32 v3, v2;
	v3 =	vadd.f32 v22, v21  }
0x159: {  	v26 =	vadd.f32 v24, v23;
	v1 =	vadd.f32 v1, v25  }
0x15a: {  	v27 =	vld [tilespmem:s11+$0xFFFFFFF0]  }
0x15b: {  	v2 =	vadd.f32 v3, v2;
	v1 =	vadd.f32 v1, v26;
	_ =	sdelay $0x1  }
0x15c: {  	v1 =	vadd.f32 v1, v2;
	_ =	sdelay $0x1  }
0x15d: {  	v1 =	vadd.f32 v1, v27;
	_ =	sdelay $0x1  }
0x15e: {  	[tilespmem:s10+$0xFFFFFFF0] =	vst v1  }
0x15f: {  	v1 =	vld [tilespmem:s12+$0x0]  }
0x160: {  	v2 =	vld [tilespmem:s13+$0x6980]  }
0x161: {  	v3 =	vld [tilespmem:s13+$0x6990]  }
0x162: {  	v28 =	vld [tilespmem:s13+$0x69A0]  }
0x163: {  	v30 =	vld [tilespmem:s13+$0x69B0]  }
0x164: {  	v32 =	vld [tilespmem:s13+$0x69C0];
	v29 =	vbroadcast v1, $0x0;
	v31 =	vbroadcast v1, $0x1  }
0x165: {  	v34 =	vld [tilespmem:s13+$0x69D0];
	v33 =	vbroadcast v1, $0x2;
	v35 =	vbroadcast v1, $0x3  }
0x166: {  	v36 =	vld [tilespmem:s13+$0x69E0];
	v37 =	vbroadcast v1, $0x4;
	v39 =	vbroadcast v1, $0x5  }
0x167: {  	v38 =	vld [tilespmem:s13+$0x69F0];
	v41 =	vbroadcast v1, $0x6;
	v43 =	vbroadcast v1, $0x7  }
0x168: {  	v40 =	vld [tilespmem:s13+$0xE980];
	v45 =	vbroadcast v1, $0x8;
	v47 =	vbroadcast v1, $0x9  }
0x169: {  	v42 =	vld [tilespmem:s13+$0xE990];
	v49 =	vbroadcast v1, $0xA;
	v51 =	vbroadcast v1, $0xB  }
0x16a: {  	v44 =	vld [tilespmem:s13+$0xE9A0];
	v53 =	vbroadcast v1, $0xC;
	v55 =	vbroadcast v1, $0xD  }
0x16b: {  	v46 =	vld [tilespmem:s13+$0xE9B0];
	v56 =	vbroadcast v1, $0xE;
	v1 =	vbroadcast v1, $0xF  }
0x16c: {  	v48 =	vld [tilespmem:s13+$0xE9C0];
	v2 =	vmul.f32 v2, v29;
	v3 =	vmul.f32 v3, v31  }
0x16d: {  	v50 =	vld [tilespmem:s13+$0xE9D0];
	v4 =	vmul.f32 v28, v33;
	v6 =	vmul.f32 v30, v35  }
0x16e: {  	v52 =	vld [tilespmem:s13+$0xE9E0];
	v5 =	vmul.f32 v32, v37;
	v7 =	vmul.f32 v34, v39  }
0x16f: {  	v54 =	vld [tilespmem:s13+$0xE9F0];
	v8 =	vmul.f32 v36, v41;
	v9 =	vmul.f32 v38, v43  }
0x170: {  	v10 =	vmul.f32 v40, v45;
	v11 =	vmul.f32 v42, v47  }
0x171: {  	v12 =	vmul.f32 v44, v49;
	v13 =	vmul.f32 v46, v51  }
0x172: {  	v14 =	vmul.f32 v48, v53;
	v15 =	vmul.f32 v50, v55  }
0x173: {  	v16 =	vmul.f32 v52, v56;
	v2 =	vadd.f32 v3, v2;
	v3 =	vadd.f32 v6, v4  }
0x174: {  	v1 =	vmul.f32 v54, v1;
	v57 =	vadd.f32 v7, v5;
	v58 =	vadd.f32 v9, v8  }
0x175: {  	v59 =	vadd.f32 v11, v10;
	v60 =	vadd.f32 v13, v12  }
0x176: {  	v61 =	vadd.f32 v15, v14;
	v1 =	vadd.f32 v1, v16  }
0x177: {  	v2 =	vadd.f32 v3, v2;
	v3 =	vadd.f32 v58, v57  }
0x178: {  	v62 =	vadd.f32 v60, v59;
	v1 =	vadd.f32 v1, v61  }
0x179: {  	v63 =	vld [tilespmem:s11+$0x0]  }
0x17a: {  	s0 =	sadd.s32 $0x4, s0;
	v2 =	vadd.f32 v3, v2;
	v1 =	vadd.f32 v1, v62  }
0x17b: {  	p1 =	slt.u32 s0, $0x7C  }
.Ltmp8:
0x17c: {  	v1 =	vadd.f32 v1, v2;
	(pc) =	sbr.rel @p1 .LBB2_10-.Ltmp8, $4  }
0x17d: {  	_ = 	snop  }
0x17e: {  	v1 =	vadd.f32 v1, v63  }
0x17f: {  	s3 =	sadd.s32 $0x800, s3  }
0x180: {  	s11 =	sadd.s32 $0x40, s11;
	s12 =	sadd.s32 $0x40, s12;
	[tilespmem:s10+$0x0] =	vst v1;
	s10 =	sadd.s32 $0x40, s10  }
.Ltmp9:
0x181: {  	(pc) =	sbr.rel .LBB2_12-.Ltmp9, $4  }
0x182: {  	s0 =	sshll.u32 s24, $0x7  }
0x183: {  	s0 =	sand.u32 $0x3FFFFF80, s0  }
0x184: {  	s0 =	sadd.s32 $0x1400, s0  }
0x185: {  	[spmem:s2] =	stream.indirect.scatter.add.f32 [tilespmem:s1], [sflag:$0x6], $0x10, s0, s21, $0xb8;
	[tilespmem:$0x1A620] =	vst v63  }
.LBB2_14:
0x186: {  	_ =	sfence.sel $0x180000  }
0x187: {  	[bflag:$0x0] =	sbarrier.arrive $0xFFFF  }
0x188: {  	_ =	strace $0x90000047  }
0x189: {  	[bflag:$0x2] =	sbarrier.arrive $0xFFFF  }
0x18a: {  	s0 =	rddreg [dreg:$0x2]  }
0x18b: {  	s0 =	sadd.s32 @!p0 $0x100000, s0  }
0x18c: {  	[sflag:s0] =	ssyncadd.tile.s32 @!p0 $0x1;
	_ =	shalt  }
.Lfunc_end2:
_tile_overlayer_lowered:
.L_overlay_start_2:
0x18d: {  	(tag) =	ssettag $0x2  }
0x18e: {  	s0 =	rddreg [dreg:$0x0];
	s2 =	stileid.u32  }
0x18f: {  	s1 =	rddreg [dreg:$0x1];
	p0 =	sne.s32 s2, $0x0  }
0x190: {  	s3 =	rddreg [dreg:$0x2];
	[bflag:$0x3] =	sbarrier.arrive $0xFFFF;
	s2 =	simm.s32 @!p0 $0x1C07  }
0x191: {  	[timem:s3], [sflag:s2] =	dma.local @!p0 [hbm:s0], s1  }
0x192: {  	s0 =	simm.s32 @!p0 $0x7  }
0x193: {  	_ =	swait.ge @!p0 [sflag:s0], s1  }
0x194: {  	s1 =	ssub.s32 @!p0 $0x0, s1;
	[sflag:s0] =	ssyncset.done @!p0 $0x0  }
0x195: {  	[sflag:s0] =	ssyncadd.s32 @!p0 s1  }
0x196: {  	[bflag:$0x3] =	sbarrier.arrive $0xFFFF  }
0x197: {  	_ =	shalt  }

</sc_bundles>
